<compile_context>
chip_gen: v7x
topology: tpu7x:2x2x1
jax: 0.10.2.dev20260603
libtpu: 0.0.44.dev20260713+nightly
codegen_flags: <defaults>
</compile_context>

<pallas_src>
import functools

import jax
import jax.numpy as jnp
from jax import lax
from jax.experimental import pallas as pl
from jax.experimental.pallas import tpu as pltpu
from jax.experimental.pallas import tpu_sc as plsc

_NC = 2
_NS = 16
_NW = _NC * _NS
_K = 125
_DW = 16


def _pad_to(n, m):
    return ((n + m - 1) // m) * m


def _sc_degree(dst_flat, n_pad, e_pt):
    rows_pt = n_pad // _NS
    n_grp = rows_pt // 16
    mesh = plsc.VectorSubcoreMesh(core_axis_name="c", subcore_axis_name="s")

    @functools.partial(
        pl.kernel,
        mesh=mesh,
        out_type=jax.ShapeDtypeStruct((_NC, n_pad, _DW), jnp.float32),
        scratch_types=[
            pltpu.VMEM((e_pt,), jnp.int32),
            pltpu.VMEM((n_pad,), jnp.float32),
            pltpu.VMEM((_NS, rows_pt), jnp.float32),
            pltpu.VMEM((16,), jnp.float32),
            pltpu.VMEM((rows_pt, _DW), jnp.float32),
            pltpu.VMEM_SHARED((_NS, n_pad), jnp.float32),
        ],
        compiler_params=pltpu.CompilerParams(needs_layout_passes=False),
    )
    def k(dst_hbm, degp_hbm, dst_v, hist_v, red_v, acc_v, degw_v, deg_sh):
        cid = lax.axis_index("c")
        sid = lax.axis_index("s")
        w = cid * _NS + sid
        pltpu.sync_copy(dst_hbm.at[w], dst_v)

        def zero_body(i, carry):
            hist_v[pl.ds(i * 16, 16)] = jnp.zeros((16,), jnp.float32)
            return carry

        lax.fori_loop(0, n_pad // 16, zero_body, 0)
        ones = jnp.full((16,), 1.0, jnp.float32)

        def hist_body(i, carry):
            idx = dst_v[pl.ds(i * 16, 16)]
            plsc.addupdate_scatter(hist_v, [idx], ones)
            return carry

        lax.fori_loop(0, e_pt // 16, hist_body, 0)
        pltpu.sync_copy(hist_v, deg_sh.at[sid])
        plsc.subcore_barrier()
        for r in range(_NS):
            pltpu.sync_copy(deg_sh.at[r].at[pl.ds(sid * rows_pt, rows_pt)],
                            red_v.at[r])

        def red_body(j, carry):
            acc = red_v[0, pl.ds(j * 16, 16)]
            for r in range(1, _NS):
                acc = acc + red_v[r, pl.ds(j * 16, 16)]
            acc_v[...] = acc
            for l in range(16):
                degw_v[j * 16 + l, :] = plsc.load_gather(
                    acc_v, [jnp.full((16,), l, jnp.int32)])
            return carry

        lax.fori_loop(0, n_grp, red_body, 0)
        pltpu.sync_copy(degw_v,
                        degp_hbm.at[cid].at[pl.ds(sid * rows_pt, rows_pt)])

    return k(dst_flat)


def _sc_scatter(g_pad, src3, dst3, init, n_acc, n_chunks):
    rows_pt = n_acc // _NS
    f_out = g_pad.shape[1]
    per_core_init = init.ndim == 3
    mesh = plsc.VectorSubcoreMesh(core_axis_name="c", subcore_axis_name="s")

    @functools.partial(
        pl.kernel,
        mesh=mesh,
        out_type=jax.ShapeDtypeStruct((_NC, n_acc, f_out), jnp.float32),
        scratch_types=[
            pltpu.VMEM_SHARED((n_acc, f_out), jnp.float32),
            pltpu.VMEM((n_chunks, _K), jnp.int32),
            pltpu.VMEM((n_chunks, _K), jnp.int32),
            pltpu.VMEM((_K, f_out), jnp.float32),
            pltpu.VMEM((_K, f_out), jnp.float32),
            pltpu.SemaphoreType.DMA,
            pltpu.SemaphoreType.DMA,
        ],
    )
    def k(g_hbm, src_hbm, dst_hbm, init_hbm, out_hbm,
          acc_sh, src_v, dst_v, rows0_v, rows1_v, sem0, sem1):
        cid = lax.axis_index("c")
        sid = lax.axis_index("s")
        w = cid * _NS + sid
        if per_core_init:
            pltpu.sync_copy(init_hbm.at[cid].at[pl.ds(sid * rows_pt, rows_pt)],
                            acc_sh.at[pl.ds(sid * rows_pt, rows_pt)])
        else:
            pltpu.sync_copy(init_hbm, acc_sh.at[pl.ds(sid * rows_pt, rows_pt)])
        pltpu.sync_copy(src_hbm.at[w], src_v)
        pltpu.sync_copy(dst_hbm.at[w], dst_v)
        plsc.subcore_barrier()

        bufs = (rows0_v, sem0), (rows1_v, sem1)
        pltpu.async_copy(g_hbm.at[src_v.at[0]], rows0_v, sem0)
        pltpu.async_copy(g_hbm.at[src_v.at[1]], rows1_v, sem1)

        def body(i, carry):
            for b, (rows_v, sem) in enumerate(bufs):
                c = i * 2 + b
                pltpu.make_async_copy(g_hbm.at[src_v.at[c]], rows_v, sem).wait()
                pltpu.sync_copy(rows_v, acc_sh.at[dst_v.at[c]], add=True)

                @pl.when(c + 2 < n_chunks)
                def _():
                    pltpu.async_copy(g_hbm.at[src_v.at[c + 2]], rows_v, sem)
            return carry

        lax.fori_loop(0, n_chunks // 2, body, 0)
        plsc.subcore_barrier()
        pltpu.sync_copy(
            acc_sh.at[pl.ds(sid * rows_pt, rows_pt)],
            out_hbm.at[cid].at[pl.ds(sid * rows_pt, rows_pt)],
        )

    return k(g_pad, src3, dst3, init)


def _tc_g(x_pad, W, u2, degp, n_pad):
    f_in = x_pad.shape[1]
    f_out = W.shape[0]
    blk = 512
    grid = n_pad // blk

    def body(x_ref, w_ref, u_ref, deg_ref, g_ref):
        Wm = w_ref[...]
        uv = u_ref[...]
        v = jnp.dot(uv, Wm, preferred_element_type=jnp.float32)
        v = v / (jnp.sqrt(jnp.sum(v * v)) + 1e-12)
        t = lax.dot_general(v, Wm, (((1,), (1,)), ((), ())),
                            preferred_element_type=jnp.float32)
        un = t / (jnp.sqrt(jnp.sum(t * t)) + 1e-12)
        sigma = jnp.sum(un * t)
        Wsn = Wm / sigma
        d = deg_ref[...]
        deg = d[0] + d[1] + 1.0
        dinv = lax.rsqrt(deg[:, :1])
        h = lax.dot_general(x_ref[...], Wsn, (((1,), (1,)), ((), ())),
                            preferred_element_type=jnp.float32)
        g_ref[...] = h * dinv

    return pl.pallas_call(
        body,
        grid=(grid,),
        in_specs=[
            pl.BlockSpec((blk, f_in), lambda i: (i, 0)),
            pl.BlockSpec((f_out, f_in), lambda i: (0, 0)),
            pl.BlockSpec((1, f_out), lambda i: (0, 0)),
            pl.BlockSpec((_NC, blk, _DW), lambda i: (0, i, 0)),
        ],
        out_specs=pl.BlockSpec((blk, f_out), lambda i: (i, 0)),
        out_shape=jax.ShapeDtypeStruct((n_pad, f_out), jnp.float32),
    )(x_pad, W, u2, degp)


def _tc_final(partial, g_pad, degp, b2, alpha11, n_pad):
    f_out = g_pad.shape[1]
    blk = 512
    grid = n_pad // blk

    parts = list(partial)
    np_parts = len(parts)

    def body(*refs):
        p_refs = refs[:np_parts]
        g_ref, deg_ref, b_ref, a_ref, o_ref = refs[np_parts:]
        p = p_refs[0][0] + p_refs[0][1]
        for pr in p_refs[1:]:
            p = p + pr[0] + pr[1]
        d = deg_ref[...]
        deg = d[0] + d[1] + 1.0
        dinv = lax.rsqrt(deg[:, :1])
        out = dinv * (p + g_ref[...]) + b_ref[...]
        alpha = a_ref[0, 0]
        o_ref[...] = jnp.where(out >= 0, out, alpha * out)

    return pl.pallas_call(
        body,
        grid=(grid,),
        in_specs=[pl.BlockSpec((_NC, blk, f_out), lambda i: (0, i, 0))
                  for _ in parts] + [
            pl.BlockSpec((blk, f_out), lambda i: (i, 0)),
            pl.BlockSpec((_NC, blk, _DW), lambda i: (0, i, 0)),
            pl.BlockSpec((1, f_out), lambda i: (0, 0)),
            pl.BlockSpec(memory_space=pltpu.SMEM),
        ],
        out_specs=pl.BlockSpec((blk, f_out), lambda i: (i, 0)),
        out_shape=jax.ShapeDtypeStruct((n_pad, f_out), jnp.float32),
    )(*parts, g_pad, degp, b2, alpha11)


def kernel(x, edge_index, W, b, prelu_alpha, u):
    n, f_in = x.shape
    f_out = W.shape[0]
    e = edge_index.shape[1]
    n_pad = _pad_to(n, 2048)
    e_pad = _pad_to(e, _NW * _K * 4)
    n_chunks = e_pad // (_NW * _K)
    e_pt = e_pad // _NW

    src = edge_index[0]
    dst = edge_index[1]
    if e_pad != e:
        fill_n = jnp.full((e_pad - e,), n, jnp.int32)
        pad_ix = jnp.arange(e_pad - e, dtype=jnp.int32)
        src_sc = jnp.concatenate([src, fill_n])
        dst_sc = jnp.concatenate([dst, pad_ix % n])
        dst_hist = jnp.concatenate([dst, n + pad_ix % (n_pad - n)])
    else:
        src_sc = src
        dst_sc = dst
        dst_hist = dst
    src3 = src_sc.reshape(_NW, n_chunks, _K)
    dst3 = dst_sc.reshape(_NW, n_chunks, _K)
    dst_flat = dst_hist.reshape(_NW, e_pt)

    zeros_row = jnp.zeros((n_pad // _NS, f_out), jnp.float32)

    degp = _sc_degree(dst_flat, n_pad, e_pt)

    x_pad = jnp.pad(x, ((0, n_pad - n), (0, 0)))
    u2 = u.reshape(1, f_out)
    g_pad = _tc_g(x_pad, W, u2, degp, n_pad)

    ch = n_chunks // 2
    part_a = _sc_scatter(g_pad, src3[:, :ch], dst3[:, :ch], zeros_row,
                         n_pad, ch)
    part_b = _sc_scatter(g_pad, src3[:, ch:], dst3[:, ch:], part_a,
                         n_pad, ch)

    b2 = b.reshape(1, f_out)
    alpha11 = prelu_alpha.reshape(1, 1)
    out_pad = _tc_final((part_b,), g_pad, degp, b2, alpha11, n_pad)
    return out_pad[:n]

# --- scband reference (transcript-rebuilt; emitter-appended) ---
"""Pipeline reference for scband-encoder-dgi-19928648253625 (READ-ONLY COPY).

The authoritative reference and input builder live on the scoring server;
editing this copy changes nothing except your own understanding.
"""

import jax, jax.numpy as jnp
import numpy as np

N = 10000
E = 320000
F_IN = 128
F_OUT = 128


def setup_inputs(seed: int = 0) -> dict:
    key = jax.random.key(seed)
    k1, k2, k3, k4, k5 = jax.random.split(key, 5)
    x = jax.random.normal(k1, (N, F_IN), dtype=jnp.float32)
    edge_index = jax.random.randint(k2, (2, E), 0, N, dtype=jnp.int32)
    # GCNConv linear weight [out, in], glorot-ish init
    W = jax.random.normal(k3, (F_OUT, F_IN), dtype=jnp.float32) * (1.0 / np.sqrt(F_IN))
    b = jnp.zeros((F_OUT,), dtype=jnp.float32)
    # PReLU single shared alpha, torch default init 0.25
    prelu_alpha = jnp.asarray(0.25, dtype=jnp.float32)
    # spectral_norm power-iteration buffer u (shape = out_features)
    u = jax.random.normal(k5, (F_OUT,), dtype=jnp.float32)
    return {"x": x, "edge_index": edge_index, "W": W, "b": b, "prelu_alpha": prelu_alpha, "u": u}


def _spectral_normalize(W, u, eps=1e-12):
    # one power iteration step, as in torch.nn.utils.parametrizations.spectral_norm
    v = W.T @ u
    v = v / (jnp.linalg.norm(v) + eps)
    u_new = W @ v
    u_new = u_new / (jnp.linalg.norm(u_new) + eps)
    sigma = jnp.dot(u_new, W @ v)
    return W / sigma


def reference(x, edge_index, W, b, prelu_alpha, u):
    W_sn = _spectral_normalize(W, u)
    src = edge_index[0]
    dst = edge_index[1]
    # GCNConv: add self-loops
    loop = jnp.arange(N, dtype=edge_index.dtype)
    src = jnp.concatenate([src, loop])
    dst = jnp.concatenate([dst, loop])
    # symmetric normalization D^{-1/2} A_hat D^{-1/2}
    deg = jnp.zeros((N,), dtype=x.dtype).at[dst].add(1.0)
    dinv = jnp.where(deg > 0, 1.0 / jnp.sqrt(deg), 0.0)
    norm = dinv[src] * dinv[dst]
    # linear transform then message passing (gather -> scale -> scatter-add)
    h = x @ W_sn.T
    msg = h[src] * norm[:, None]
    out = jnp.zeros((N, F_OUT), dtype=x.dtype).at[dst].add(msg)
    out = out + b
    # PReLU
    out = jnp.where(out >= 0, out, prelu_alpha * out)
    return out

if __name__ == "__main__":
    import jax
    _d = setup_inputs()
    print(jax.jit(kernel)(*tuple(_d.values())))

</pallas_src>

<mosaic_0001>
#map = affine_map<(d0, d1) -> (0, 0)>
#map1 = affine_map<(d0, d1) -> (0, 0, 0)>
module attributes {stable_mosaic.version = 14 : i64} {
  func.func @k(%arg0: i32, %arg1: i32, %arg2: memref<10240x128xf32, #tpu.memory_space<hbm>>, %arg3: memref<32x40x125xi32, #tpu.memory_space<hbm>>, %arg4: memref<32x40x125xi32, #tpu.memory_space<hbm>>, %arg5: memref<640x128xf32, #tpu.memory_space<hbm>>, %arg6: memref<2x10240x128xf32, #tpu.memory_space<hbm>>, %arg7: memref<10240x128xf32, #tpu.memory_space<vmem_shared>>, %arg8: memref<40x125xi32, #tpu.memory_space<vmem>>, %arg9: memref<40x125xi32, #tpu.memory_space<vmem>>, %arg10: memref<125x128xf32, #tpu.memory_space<vmem>>, %arg11: memref<125x128xf32, #tpu.memory_space<vmem>>, %arg12: memref<!tpu.dma_semaphore, #tpu.memory_space<semaphore_mem>>, %arg13: memref<!tpu.dma_semaphore, #tpu.memory_space<semaphore_mem>>) attributes {dimension_semantics = [#tpu.dimension_semantics<core_parallel>, #tpu.dimension_semantics<subcore_parallel>], iteration_bounds = array<i64: 2, 16>, scalar_prefetch = 0 : i64, scratch_operands = 7 : i64, tpu.core_type = #tpu.core_type<sc_vector_subcore>, window_params = [{transform_indices = #map}, {transform_indices = #map1}, {transform_indices = #map1}, {transform_indices = #map}, {transform_indices = #map1}]} {
    %mul3A = arith.constant 16 : i32
    %mul3A_0 = arith.muli %arg0, %mul3A : i32
    %add3A = arith.addi %mul3A_0, %arg1 : i32
    %mul3A_1 = arith.constant 640 : i32
    %mul3A_2 = arith.muli %arg1, %mul3A_1 : i32
    "tpu.region"() ({
      %run_scoped3A = tpu.sem_alloc : memref<!tpu.dma_semaphore, #tpu.memory_space<semaphore_mem>>
      %dma_start3A_26 = arith.constant 0 : i32
      %dma_start3A_27 = tpu.memref_slice %arg7[%mul3A_2, %dma_start3A_26] : memref<10240x128xf32, #tpu.memory_space<vmem_shared>> -> memref<640x128xf32, #tpu.memory_space<vmem_shared>>
      tpu.enqueue_dma source(%arg5 : memref<640x128xf32, #tpu.memory_space<hbm>>) target(%dma_start3A_27 : memref<640x128xf32, #tpu.memory_space<vmem_shared>>) target_semaphore(%run_scoped3A : memref<!tpu.dma_semaphore, #tpu.memory_space<semaphore_mem>>)
      %dma_wait3A = arith.constant 0 : i32
      %dma_wait3A_28 = tpu.memref_slice %arg7[%mul3A_2, %dma_wait3A] : memref<10240x128xf32, #tpu.memory_space<vmem_shared>> -> memref<640x128xf32, #tpu.memory_space<vmem_shared>>
      tpu.wait_dma2 semaphore(%run_scoped3A : memref<!tpu.dma_semaphore, #tpu.memory_space<semaphore_mem>>) src(%arg5 : memref<640x128xf32, #tpu.memory_space<hbm>>) dst(%dma_wait3A_28 : memref<640x128xf32, #tpu.memory_space<vmem_shared>>)
      tpu.yield
    }) : () -> ()
    "tpu.region"() ({
      %run_scoped3A = tpu.sem_alloc : memref<!tpu.dma_semaphore, #tpu.memory_space<semaphore_mem>>
      %dma_start3A_26 = arith.constant 0 : i32
      %dma_start3A_27 = arith.constant 0 : i32
      %dma_start3A_28 = tpu.memref_slice %arg3[%add3A, %dma_start3A_26, %dma_start3A_27] : memref<32x40x125xi32, #tpu.memory_space<hbm>> -> memref<1x40x125xi32, #tpu.memory_space<hbm>>
      %dma_start3A_29 = tpu.memref_squeeze %dma_start3A_28 : memref<1x40x125xi32, #tpu.memory_space<hbm>> -> memref<40x125xi32, #tpu.memory_space<hbm>>
      %dma_start3A_30 = arith.constant 0 : i32
      %dma_start3A_31 = arith.constant 0 : i32
      %dma_start3A_32 = tpu.memref_slice %arg3[%add3A, %dma_start3A_30, %dma_start3A_31] : memref<32x40x125xi32, #tpu.memory_space<hbm>> -> memref<1x40x125xi32, #tpu.memory_space<hbm>>
      %dma_start3A_33 = tpu.memref_squeeze %dma_start3A_32 : memref<1x40x125xi32, #tpu.memory_space<hbm>> -> memref<40x125xi32, #tpu.memory_space<hbm>>
      tpu.enqueue_dma source(%dma_start3A_33 : memref<40x125xi32, #tpu.memory_space<hbm>>) target(%arg8 : memref<40x125xi32, #tpu.memory_space<vmem>>) target_semaphore(%run_scoped3A : memref<!tpu.dma_semaphore, #tpu.memory_space<semaphore_mem>>)
      %dma_wait3A = arith.constant 0 : i32
      %dma_wait3A_34 = arith.constant 0 : i32
      %dma_wait3A_35 = tpu.memref_slice %arg3[%add3A, %dma_wait3A, %dma_wait3A_34] : memref<32x40x125xi32, #tpu.memory_space<hbm>> -> memref<1x40x125xi32, #tpu.memory_space<hbm>>
      %dma_wait3A_36 = tpu.memref_squeeze %dma_wait3A_35 : memref<1x40x125xi32, #tpu.memory_space<hbm>> -> memref<40x125xi32, #tpu.memory_space<hbm>>
      %dma_wait3A_37 = arith.constant 0 : i32
      %dma_wait3A_38 = arith.constant 0 : i32
      %dma_wait3A_39 = tpu.memref_slice %arg3[%add3A, %dma_wait3A_37, %dma_wait3A_38] : memref<32x40x125xi32, #tpu.memory_space<hbm>> -> memref<1x40x125xi32, #tpu.memory_space<hbm>>
      %dma_wait3A_40 = tpu.memref_squeeze %dma_wait3A_39 : memref<1x40x125xi32, #tpu.memory_space<hbm>> -> memref<40x125xi32, #tpu.memory_space<hbm>>
      tpu.wait_dma2 semaphore(%run_scoped3A : memref<!tpu.dma_semaphore, #tpu.memory_space<semaphore_mem>>) src(%dma_wait3A_40 : memref<40x125xi32, #tpu.memory_space<hbm>>) dst(%arg8 : memref<40x125xi32, #tpu.memory_space<vmem>>)
      tpu.yield
    }) : () -> ()
    "tpu.region"() ({
      %run_scoped3A = tpu.sem_alloc : memref<!tpu.dma_semaphore, #tpu.memory_space<semaphore_mem>>
      %dma_start3A_26 = arith.constant 0 : i32
      %dma_start3A_27 = arith.constant 0 : i32
      %dma_start3A_28 = tpu.memref_slice %arg4[%add3A, %dma_start3A_26, %dma_start3A_27] : memref<32x40x125xi32, #tpu.memory_space<hbm>> -> memref<1x40x125xi32, #tpu.memory_space<hbm>>
      %dma_start3A_29 = tpu.memref_squeeze %dma_start3A_28 : memref<1x40x125xi32, #tpu.memory_space<hbm>> -> memref<40x125xi32, #tpu.memory_space<hbm>>
      %dma_start3A_30 = arith.constant 0 : i32
      %dma_start3A_31 = arith.constant 0 : i32
      %dma_start3A_32 = tpu.memref_slice %arg4[%add3A, %dma_start3A_30, %dma_start3A_31] : memref<32x40x125xi32, #tpu.memory_space<hbm>> -> memref<1x40x125xi32, #tpu.memory_space<hbm>>
      %dma_start3A_33 = tpu.memref_squeeze %dma_start3A_32 : memref<1x40x125xi32, #tpu.memory_space<hbm>> -> memref<40x125xi32, #tpu.memory_space<hbm>>
      tpu.enqueue_dma source(%dma_start3A_33 : memref<40x125xi32, #tpu.memory_space<hbm>>) target(%arg9 : memref<40x125xi32, #tpu.memory_space<vmem>>) target_semaphore(%run_scoped3A : memref<!tpu.dma_semaphore, #tpu.memory_space<semaphore_mem>>)
      %dma_wait3A = arith.constant 0 : i32
      %dma_wait3A_34 = arith.constant 0 : i32
      %dma_wait3A_35 = tpu.memref_slice %arg4[%add3A, %dma_wait3A, %dma_wait3A_34] : memref<32x40x125xi32, #tpu.memory_space<hbm>> -> memref<1x40x125xi32, #tpu.memory_space<hbm>>
      %dma_wait3A_36 = tpu.memref_squeeze %dma_wait3A_35 : memref<1x40x125xi32, #tpu.memory_space<hbm>> -> memref<40x125xi32, #tpu.memory_space<hbm>>
      %dma_wait3A_37 = arith.constant 0 : i32
      %dma_wait3A_38 = arith.constant 0 : i32
      %dma_wait3A_39 = tpu.memref_slice %arg4[%add3A, %dma_wait3A_37, %dma_wait3A_38] : memref<32x40x125xi32, #tpu.memory_space<hbm>> -> memref<1x40x125xi32, #tpu.memory_space<hbm>>
      %dma_wait3A_40 = tpu.memref_squeeze %dma_wait3A_39 : memref<1x40x125xi32, #tpu.memory_space<hbm>> -> memref<40x125xi32, #tpu.memory_space<hbm>>
      tpu.wait_dma2 semaphore(%run_scoped3A : memref<!tpu.dma_semaphore, #tpu.memory_space<semaphore_mem>>) src(%dma_wait3A_40 : memref<40x125xi32, #tpu.memory_space<hbm>>) dst(%arg9 : memref<40x125xi32, #tpu.memory_space<vmem>>)
      tpu.yield
    }) : () -> ()
    %barrier3A = arith.constant 0 : index
    tpu.barrier barrier_id(%barrier3A)
    %dma_start3A = arith.constant 0 : i32
    %dma_start3A_3 = arith.constant 0 : i32
    %dma_start3A_4 = tpu.memref_slice %arg8[%dma_start3A, %dma_start3A_3] : memref<40x125xi32, #tpu.memory_space<vmem>> -> memref<1x125xi32, #tpu.memory_space<vmem>>
    %dma_start3A_5 = tpu.memref_squeeze %dma_start3A_4 : memref<1x125xi32, #tpu.memory_space<vmem>> -> memref<125xi32, #tpu.memory_space<vmem>>
    %dma_start3A_6 = arith.constant 0 : i32
    %dma_start3A_7 = arith.constant 0 : i32
    %dma_start3A_8 = tpu.memref_slice %arg2[%dma_start3A_6, %dma_start3A_7] : memref<10240x128xf32, #tpu.memory_space<hbm>> -> memref<10240x128xf32, #tpu.memory_space<hbm>>
    tpu.enqueue_indirect_dma source(%dma_start3A_8 : memref<10240x128xf32, #tpu.memory_space<hbm>>) target(%arg10 : memref<125x128xf32, #tpu.memory_space<vmem>>) offsets(%dma_start3A_5 : memref<125xi32, #tpu.memory_space<vmem>>) semaphore(%arg12 : memref<!tpu.dma_semaphore, #tpu.memory_space<semaphore_mem>>)
    %dma_start3A_9 = arith.constant 1 : i32
    %dma_start3A_10 = arith.constant 0 : i32
    %dma_start3A_11 = tpu.memref_slice %arg8[%dma_start3A_9, %dma_start3A_10] : memref<40x125xi32, #tpu.memory_space<vmem>> -> memref<1x125xi32, #tpu.memory_space<vmem>>
    %dma_start3A_12 = tpu.memref_squeeze %dma_start3A_11 : memref<1x125xi32, #tpu.memory_space<vmem>> -> memref<125xi32, #tpu.memory_space<vmem>>
    %dma_start3A_13 = arith.constant 0 : i32
    %dma_start3A_14 = arith.constant 0 : i32
    %dma_start3A_15 = tpu.memref_slice %arg2[%dma_start3A_13, %dma_start3A_14] : memref<10240x128xf32, #tpu.memory_space<hbm>> -> memref<10240x128xf32, #tpu.memory_space<hbm>>
    tpu.enqueue_indirect_dma source(%dma_start3A_15 : memref<10240x128xf32, #tpu.memory_space<hbm>>) target(%arg11 : memref<125x128xf32, #tpu.memory_space<vmem>>) offsets(%dma_start3A_12 : memref<125xi32, #tpu.memory_space<vmem>>) semaphore(%arg13 : memref<!tpu.dma_semaphore, #tpu.memory_space<semaphore_mem>>)
    %scan3A = arith.constant 0 : i32
    %scan3A_16 = arith.constant 0 : i32
    %scan3A_17 = arith.constant 20 : i32
    %scan3A_18 = arith.addi %scan3A_16, %scan3A_17 : i32
    %scan3A_19 = arith.constant 1 : i32
    scf.for %scan3A_26 = %scan3A_16 to %scan3A_18 step %scan3A_19  : i32 {
      %mul3A_27 = arith.constant 2 : i32
      %mul3A_28 = arith.muli %scan3A_26, %mul3A_27 : i32
      %add3A_29 = arith.constant 0 : i32
      %add3A_30 = arith.addi %mul3A_28, %add3A_29 : i32
      %dma_wait3A = arith.constant 0 : i32
      %dma_wait3A_31 = tpu.memref_slice %arg8[%add3A_30, %dma_wait3A] : memref<40x125xi32, #tpu.memory_space<vmem>> -> memref<1x125xi32, #tpu.memory_space<vmem>>
      %dma_wait3A_32 = tpu.memref_squeeze %dma_wait3A_31 : memref<1x125xi32, #tpu.memory_space<vmem>> -> memref<125xi32, #tpu.memory_space<vmem>>
      %dma_wait3A_33 = arith.constant 0 : i32
      %dma_wait3A_34 = arith.constant 0 : i32
      %dma_wait3A_35 = tpu.memref_slice %arg2[%dma_wait3A_33, %dma_wait3A_34] : memref<10240x128xf32, #tpu.memory_space<hbm>> -> memref<10240x128xf32, #tpu.memory_space<hbm>>
      tpu.wait_indirect_dma semaphore(%arg12 : memref<!tpu.dma_semaphore, #tpu.memory_space<semaphore_mem>>) src(%dma_wait3A_35 : memref<10240x128xf32, #tpu.memory_space<hbm>>) dst(%arg10 : memref<125x128xf32, #tpu.memory_space<vmem>>)
      "tpu.region"() ({
        %run_scoped3A = tpu.sem_alloc : memref<!tpu.dma_semaphore, #tpu.memory_space<semaphore_mem>>
        %dma_start3A_57 = arith.constant 0 : i32
        %dma_start3A_58 = tpu.memref_slice %arg9[%add3A_30, %dma_start3A_57] : memref<40x125xi32, #tpu.memory_space<vmem>> -> memref<1x125xi32, #tpu.memory_space<vmem>>
        %dma_start3A_59 = tpu.memref_squeeze %dma_start3A_58 : memref<1x125xi32, #tpu.memory_space<vmem>> -> memref<125xi32, #tpu.memory_space<vmem>>
        %dma_start3A_60 = arith.constant 0 : i32
        %dma_start3A_61 = arith.constant 0 : i32
        %dma_start3A_62 = tpu.memref_slice %arg7[%dma_start3A_60, %dma_start3A_61] : memref<10240x128xf32, #tpu.memory_space<vmem_shared>> -> memref<10240x128xf32, #tpu.memory_space<vmem_shared>>
        tpu.enqueue_indirect_dma source(%arg10 : memref<125x128xf32, #tpu.memory_space<vmem>>) target(%dma_start3A_62 : memref<10240x128xf32, #tpu.memory_space<vmem_shared>>) offsets(%dma_start3A_59 : memref<125xi32, #tpu.memory_space<vmem>>) semaphore(%run_scoped3A : memref<!tpu.dma_semaphore, #tpu.memory_space<semaphore_mem>>) {add = true}
        %dma_wait3A_63 = arith.constant 0 : i32
        %dma_wait3A_64 = tpu.memref_slice %arg9[%add3A_30, %dma_wait3A_63] : memref<40x125xi32, #tpu.memory_space<vmem>> -> memref<1x125xi32, #tpu.memory_space<vmem>>
        %dma_wait3A_65 = tpu.memref_squeeze %dma_wait3A_64 : memref<1x125xi32, #tpu.memory_space<vmem>> -> memref<125xi32, #tpu.memory_space<vmem>>
        %dma_wait3A_66 = arith.constant 0 : i32
        %dma_wait3A_67 = arith.constant 0 : i32
        %dma_wait3A_68 = tpu.memref_slice %arg7[%dma_wait3A_66, %dma_wait3A_67] : memref<10240x128xf32, #tpu.memory_space<vmem_shared>> -> memref<10240x128xf32, #tpu.memory_space<vmem_shared>>
        tpu.wait_indirect_dma semaphore(%run_scoped3A : memref<!tpu.dma_semaphore, #tpu.memory_space<semaphore_mem>>) src(%arg10 : memref<125x128xf32, #tpu.memory_space<vmem>>) dst(%dma_wait3A_68 : memref<10240x128xf32, #tpu.memory_space<vmem_shared>>)
        tpu.yield
      }) : () -> ()
      %add3A_36 = arith.constant 2 : i32
      %add3A_37 = arith.addi %add3A_30, %add3A_36 : i32
      %lt3A = arith.constant 40 : i32
      %lt3A_38 = arith.cmpi slt, %add3A_37, %lt3A : i32
      %convert_element_type3A = arith.extui %lt3A_38 : i1 to i32
      %cond3A = arith.constant 0 : i32
      %cond3A_39 = arith.cmpi ne, %convert_element_type3A, %cond3A : i32
      scf.if %cond3A_39 {
        %add3A_57 = arith.constant 2 : i32
        %add3A_58 = arith.addi %add3A_30, %add3A_57 : i32
        %dma_start3A_59 = arith.constant 0 : i32
        %dma_start3A_60 = tpu.memref_slice %arg8[%add3A_58, %dma_start3A_59] : memref<40x125xi32, #tpu.memory_space<vmem>> -> memref<1x125xi32, #tpu.memory_space<vmem>>
        %dma_start3A_61 = tpu.memref_squeeze %dma_start3A_60 : memref<1x125xi32, #tpu.memory_space<vmem>> -> memref<125xi32, #tpu.memory_space<vmem>>
        %dma_start3A_62 = arith.constant 0 : i32
        %dma_start3A_63 = arith.constant 0 : i32
        %dma_start3A_64 = tpu.memref_slice %arg2[%dma_start3A_62, %dma_start3A_63] : memref<10240x128xf32, #tpu.memory_space<hbm>> -> memref<10240x128xf32, #tpu.memory_space<hbm>>
        tpu.enqueue_indirect_dma source(%dma_start3A_64 : memref<10240x128xf32, #tpu.memory_space<hbm>>) target(%arg10 : memref<125x128xf32, #tpu.memory_space<vmem>>) offsets(%dma_start3A_61 : memref<125xi32, #tpu.memory_space<vmem>>) semaphore(%arg12 : memref<!tpu.dma_semaphore, #tpu.memory_space<semaphore_mem>>)
      } else {
      }
      %mul3A_40 = arith.constant 2 : i32
      %mul3A_41 = arith.muli %scan3A_26, %mul3A_40 : i32
      %add3A_42 = arith.constant 1 : i32
      %add3A_43 = arith.addi %mul3A_41, %add3A_42 : i32
      %dma_wait3A_44 = arith.constant 0 : i32
      %dma_wait3A_45 = tpu.memref_slice %arg8[%add3A_43, %dma_wait3A_44] : memref<40x125xi32, #tpu.memory_space<vmem>> -> memref<1x125xi32, #tpu.memory_space<vmem>>
      %dma_wait3A_46 = tpu.memref_squeeze %dma_wait3A_45 : memref<1x125xi32, #tpu.memory_space<vmem>> -> memref<125xi32, #tpu.memory_space<vmem>>
      %dma_wait3A_47 = arith.constant 0 : i32
      %dma_wait3A_48 = arith.constant 0 : i32
      %dma_wait3A_49 = tpu.memref_slice %arg2[%dma_wait3A_47, %dma_wait3A_48] : memref<10240x128xf32, #tpu.memory_space<hbm>> -> memref<10240x128xf32, #tpu.memory_space<hbm>>
      tpu.wait_indirect_dma semaphore(%arg13 : memref<!tpu.dma_semaphore, #tpu.memory_space<semaphore_mem>>) src(%dma_wait3A_49 : memref<10240x128xf32, #tpu.memory_space<hbm>>) dst(%arg11 : memref<125x128xf32, #tpu.memory_space<vmem>>)
      "tpu.region"() ({
        %run_scoped3A = tpu.sem_alloc : memref<!tpu.dma_semaphore, #tpu.memory_space<semaphore_mem>>
        %dma_start3A_57 = arith.constant 0 : i32
        %dma_start3A_58 = tpu.memref_slice %arg9[%add3A_43, %dma_start3A_57] : memref<40x125xi32, #tpu.memory_space<vmem>> -> memref<1x125xi32, #tpu.memory_space<vmem>>
        %dma_start3A_59 = tpu.memref_squeeze %dma_start3A_58 : memref<1x125xi32, #tpu.memory_space<vmem>> -> memref<125xi32, #tpu.memory_space<vmem>>
        %dma_start3A_60 = arith.constant 0 : i32
        %dma_start3A_61 = arith.constant 0 : i32
        %dma_start3A_62 = tpu.memref_slice %arg7[%dma_start3A_60, %dma_start3A_61] : memref<10240x128xf32, #tpu.memory_space<vmem_shared>> -> memref<10240x128xf32, #tpu.memory_space<vmem_shared>>
        tpu.enqueue_indirect_dma source(%arg11 : memref<125x128xf32, #tpu.memory_space<vmem>>) target(%dma_start3A_62 : memref<10240x128xf32, #tpu.memory_space<vmem_shared>>) offsets(%dma_start3A_59 : memref<125xi32, #tpu.memory_space<vmem>>) semaphore(%run_scoped3A : memref<!tpu.dma_semaphore, #tpu.memory_space<semaphore_mem>>) {add = true}
        %dma_wait3A_63 = arith.constant 0 : i32
        %dma_wait3A_64 = tpu.memref_slice %arg9[%add3A_43, %dma_wait3A_63] : memref<40x125xi32, #tpu.memory_space<vmem>> -> memref<1x125xi32, #tpu.memory_space<vmem>>
        %dma_wait3A_65 = tpu.memref_squeeze %dma_wait3A_64 : memref<1x125xi32, #tpu.memory_space<vmem>> -> memref<125xi32, #tpu.memory_space<vmem>>
        %dma_wait3A_66 = arith.constant 0 : i32
        %dma_wait3A_67 = arith.constant 0 : i32
        %dma_wait3A_68 = tpu.memref_slice %arg7[%dma_wait3A_66, %dma_wait3A_67] : memref<10240x128xf32, #tpu.memory_space<vmem_shared>> -> memref<10240x128xf32, #tpu.memory_space<vmem_shared>>
        tpu.wait_indirect_dma semaphore(%run_scoped3A : memref<!tpu.dma_semaphore, #tpu.memory_space<semaphore_mem>>) src(%arg11 : memref<125x128xf32, #tpu.memory_space<vmem>>) dst(%dma_wait3A_68 : memref<10240x128xf32, #tpu.memory_space<vmem_shared>>)
        tpu.yield
      }) : () -> ()
      %add3A_50 = arith.constant 2 : i32
      %add3A_51 = arith.addi %add3A_43, %add3A_50 : i32
      %lt3A_52 = arith.constant 40 : i32
      %lt3A_53 = arith.cmpi slt, %add3A_51, %lt3A_52 : i32
      %convert_element_type3A_54 = arith.extui %lt3A_53 : i1 to i32
      %cond3A_55 = arith.constant 0 : i32
      %cond3A_56 = arith.cmpi ne, %convert_element_type3A_54, %cond3A_55 : i32
      scf.if %cond3A_56 {
        %add3A_57 = arith.constant 2 : i32
        %add3A_58 = arith.addi %add3A_43, %add3A_57 : i32
        %dma_start3A_59 = arith.constant 0 : i32
        %dma_start3A_60 = tpu.memref_slice %arg8[%add3A_58, %dma_start3A_59] : memref<40x125xi32, #tpu.memory_space<vmem>> -> memref<1x125xi32, #tpu.memory_space<vmem>>
        %dma_start3A_61 = tpu.memref_squeeze %dma_start3A_60 : memref<1x125xi32, #tpu.memory_space<vmem>> -> memref<125xi32, #tpu.memory_space<vmem>>
        %dma_start3A_62 = arith.constant 0 : i32
        %dma_start3A_63 = arith.constant 0 : i32
        %dma_start3A_64 = tpu.memref_slice %arg2[%dma_start3A_62, %dma_start3A_63] : memref<10240x128xf32, #tpu.memory_space<hbm>> -> memref<10240x128xf32, #tpu.memory_space<hbm>>
        tpu.enqueue_indirect_dma source(%dma_start3A_64 : memref<10240x128xf32, #tpu.memory_space<hbm>>) target(%arg11 : memref<125x128xf32, #tpu.memory_space<vmem>>) offsets(%dma_start3A_61 : memref<125xi32, #tpu.memory_space<vmem>>) semaphore(%arg13 : memref<!tpu.dma_semaphore, #tpu.memory_space<semaphore_mem>>)
      } else {
      }
    }
    %scan3A_20 = arith.constant 20 : i32
    %barrier3A_21 = arith.constant 0 : index
    tpu.barrier barrier_id(%barrier3A_21)
    %mul3A_22 = arith.constant 640 : i32
    %mul3A_23 = arith.muli %arg1, %mul3A_22 : i32
    %mul3A_24 = arith.constant 640 : i32
    %mul3A_25 = arith.muli %arg1, %mul3A_24 : i32
    "tpu.region"() ({
      %run_scoped3A = tpu.sem_alloc : memref<!tpu.dma_semaphore, #tpu.memory_space<semaphore_mem>>
      %dma_start3A_26 = arith.constant 0 : i32
      %dma_start3A_27 = arith.constant 0 : i32
      %dma_start3A_28 = tpu.memref_slice %arg6[%arg0, %dma_start3A_26, %dma_start3A_27] : memref<2x10240x128xf32, #tpu.memory_space<hbm>> -> memref<1x10240x128xf32, #tpu.memory_space<hbm>>
      %dma_start3A_29 = tpu.memref_squeeze %dma_start3A_28 : memref<1x10240x128xf32, #tpu.memory_space<hbm>> -> memref<10240x128xf32, #tpu.memory_space<hbm>>
      %dma_start3A_30 = arith.constant 0 : i32
      %dma_start3A_31 = tpu.memref_slice %dma_start3A_29[%mul3A_25, %dma_start3A_30] : memref<10240x128xf32, #tpu.memory_space<hbm>> -> memref<640x128xf32, #tpu.memory_space<hbm>>
      %dma_start3A_32 = arith.constant 0 : i32
      %dma_start3A_33 = tpu.memref_slice %arg7[%mul3A_23, %dma_start3A_32] : memref<10240x128xf32, #tpu.memory_space<vmem_shared>> -> memref<640x128xf32, #tpu.memory_space<vmem_shared>>
      tpu.enqueue_dma source(%dma_start3A_33 : memref<640x128xf32, #tpu.memory_space<vmem_shared>>) target(%dma_start3A_31 : memref<640x128xf32, #tpu.memory_space<hbm>>) target_semaphore(%run_scoped3A : memref<!tpu.dma_semaphore, #tpu.memory_space<semaphore_mem>>)
      %dma_wait3A = arith.constant 0 : i32
      %dma_wait3A_34 = arith.constant 0 : i32
      %dma_wait3A_35 = tpu.memref_slice %arg6[%arg0, %dma_wait3A, %dma_wait3A_34] : memref<2x10240x128xf32, #tpu.memory_space<hbm>> -> memref<1x10240x128xf32, #tpu.memory_space<hbm>>
      %dma_wait3A_36 = tpu.memref_squeeze %dma_wait3A_35 : memref<1x10240x128xf32, #tpu.memory_space<hbm>> -> memref<10240x128xf32, #tpu.memory_space<hbm>>
      %dma_wait3A_37 = arith.constant 0 : i32
      %dma_wait3A_38 = tpu.memref_slice %dma_wait3A_36[%mul3A_25, %dma_wait3A_37] : memref<10240x128xf32, #tpu.memory_space<hbm>> -> memref<640x128xf32, #tpu.memory_space<hbm>>
      %dma_wait3A_39 = arith.constant 0 : i32
      %dma_wait3A_40 = tpu.memref_slice %arg7[%mul3A_23, %dma_wait3A_39] : memref<10240x128xf32, #tpu.memory_space<vmem_shared>> -> memref<640x128xf32, #tpu.memory_space<vmem_shared>>
      tpu.wait_dma2 semaphore(%run_scoped3A : memref<!tpu.dma_semaphore, #tpu.memory_space<semaphore_mem>>) src(%dma_wait3A_40 : memref<640x128xf32, #tpu.memory_space<vmem_shared>>) dst(%dma_wait3A_38 : memref<640x128xf32, #tpu.memory_space<hbm>>)
      tpu.yield
    }) : () -> ()
    return
  }
}

#map = affine_map<(d0, d1) -> (0, 0)>
#map1 = affine_map<(d0, d1) -> (0, 0, 0)>
module attributes {stable_mosaic.version = 14 : i64} {
  func.func @k(%arg0: i32, %arg1: i32, %arg2: memref<32x10000xi32, #tpu.memory_space<hbm>>, %arg3: memref<2x10240x16xf32, #tpu.memory_space<hbm>>, %arg4: memref<10000xi32, #tpu.memory_space<vmem>>, %arg5: memref<10240xf32, #tpu.memory_space<vmem>>, %arg6: memref<16x640xf32, #tpu.memory_space<vmem>>, %arg7: memref<16xf32, #tpu.memory_space<vmem>>, %arg8: memref<640x16xf32, #tpu.memory_space<vmem>>, %arg9: memref<16x10240xf32, #tpu.memory_space<vmem_shared>>) attributes {dimension_semantics = [#tpu.dimension_semantics<core_parallel>, #tpu.dimension_semantics<subcore_parallel>], iteration_bounds = array<i64: 2, 16>, scalar_prefetch = 0 : i64, scratch_operands = 6 : i64, tpu.core_type = #tpu.core_type<sc_vector_subcore>, window_params = [{transform_indices = #map}, {transform_indices = #map1}]} {
    %mul3A = arith.constant 16 : i32
    %mul3A_0 = arith.muli %arg0, %mul3A : i32
    %add3A = arith.addi %mul3A_0, %arg1 : i32
    "tpu.region"() ({
      %run_scoped3A_84 = tpu.sem_alloc : memref<!tpu.dma_semaphore, #tpu.memory_space<semaphore_mem>>
      %dma_start3A = arith.constant 0 : i32
      %dma_start3A_85 = tpu.memref_slice %arg2[%add3A, %dma_start3A] : memref<32x10000xi32, #tpu.memory_space<hbm>> -> memref<1x10000xi32, #tpu.memory_space<hbm>>
      %dma_start3A_86 = tpu.memref_squeeze %dma_start3A_85 : memref<1x10000xi32, #tpu.memory_space<hbm>> -> memref<10000xi32, #tpu.memory_space<hbm>>
      %dma_start3A_87 = arith.constant 0 : i32
      %dma_start3A_88 = tpu.memref_slice %arg2[%add3A, %dma_start3A_87] : memref<32x10000xi32, #tpu.memory_space<hbm>> -> memref<1x10000xi32, #tpu.memory_space<hbm>>
      %dma_start3A_89 = tpu.memref_squeeze %dma_start3A_88 : memref<1x10000xi32, #tpu.memory_space<hbm>> -> memref<10000xi32, #tpu.memory_space<hbm>>
      tpu.enqueue_dma source(%dma_start3A_89 : memref<10000xi32, #tpu.memory_space<hbm>>) target(%arg4 : memref<10000xi32, #tpu.memory_space<vmem>>) target_semaphore(%run_scoped3A_84 : memref<!tpu.dma_semaphore, #tpu.memory_space<semaphore_mem>>)
      %dma_wait3A = arith.constant 0 : i32
      %dma_wait3A_90 = tpu.memref_slice %arg2[%add3A, %dma_wait3A] : memref<32x10000xi32, #tpu.memory_space<hbm>> -> memref<1x10000xi32, #tpu.memory_space<hbm>>
      %dma_wait3A_91 = tpu.memref_squeeze %dma_wait3A_90 : memref<1x10000xi32, #tpu.memory_space<hbm>> -> memref<10000xi32, #tpu.memory_space<hbm>>
      %dma_wait3A_92 = arith.constant 0 : i32
      %dma_wait3A_93 = tpu.memref_slice %arg2[%add3A, %dma_wait3A_92] : memref<32x10000xi32, #tpu.memory_space<hbm>> -> memref<1x10000xi32, #tpu.memory_space<hbm>>
      %dma_wait3A_94 = tpu.memref_squeeze %dma_wait3A_93 : memref<1x10000xi32, #tpu.memory_space<hbm>> -> memref<10000xi32, #tpu.memory_space<hbm>>
      tpu.wait_dma2 semaphore(%run_scoped3A_84 : memref<!tpu.dma_semaphore, #tpu.memory_space<semaphore_mem>>) src(%dma_wait3A_94 : memref<10000xi32, #tpu.memory_space<hbm>>) dst(%arg4 : memref<10000xi32, #tpu.memory_space<vmem>>)
      tpu.yield
    }) : () -> ()
    %scan3A = arith.constant 0 : i32
    %scan3A_1 = arith.constant 0 : i32
    %scan3A_2 = arith.constant 640 : i32
    %scan3A_3 = arith.addi %scan3A_1, %scan3A_2 : i32
    %scan3A_4 = arith.constant 1 : i32
    scf.for %scan3A_84 = %scan3A_1 to %scan3A_3 step %scan3A_4  : i32 {
      %broadcast_in_dim3A_85 = arith.constant 0.000000e+00 : f32
      %broadcast_in_dim3A_86 = vector.broadcast %broadcast_in_dim3A_85 : f32 to vector<16xf32>
      %mul3A_87 = arith.constant 16 : i32
      %mul3A_88 = arith.muli %scan3A_84, %mul3A_87 : i32
      %swap3A = arith.index_cast %mul3A_88 : i32 to index
      %swap3A_89 = tpu.vector_load %arg5[%swap3A] {strides = array<i32>} : memref<10240xf32, #tpu.memory_space<vmem>>, vector<16xf32>,
      tpu.vector_store %arg5[%swap3A], %broadcast_in_dim3A_86 {strides = array<i32>} : memref<10240xf32, #tpu.memory_space<vmem>>, vector<16xf32>,
    }
    %scan3A_5 = arith.constant 640 : i32
    %broadcast_in_dim3A = arith.constant 1.000000e+00 : f32
    %broadcast_in_dim3A_6 = vector.broadcast %broadcast_in_dim3A : f32 to vector<16xf32>
    %scan3A_7 = arith.constant 0 : i32
    %scan3A_8 = arith.constant 0 : i32
    %scan3A_9 = arith.constant 625 : i32
    %scan3A_10 = arith.addi %scan3A_8, %scan3A_9 : i32
    %scan3A_11 = arith.constant 1 : i32
    scf.for %scan3A_84 = %scan3A_8 to %scan3A_10 step %scan3A_11  : i32 {
      %mul3A_85 = arith.constant 16 : i32
      %mul3A_86 = arith.muli %scan3A_84, %mul3A_85 : i32
      %get3A = arith.index_cast %mul3A_86 : i32 to index
      %get3A_87 = tpu.vector_load %arg4[%get3A] {strides = array<i32>} : memref<10000xi32, #tpu.memory_space<vmem>>, vector<16xi32>,
      tpu.vector_store_idx %arg5[%get3A_87], %broadcast_in_dim3A_6 {add = true} : memref<10240xf32, #tpu.memory_space<vmem>>[vector<16xi32>], vector<16xf32>,
    }
    %scan3A_12 = arith.constant 625 : i32
    "tpu.region"() ({
      %run_scoped3A_84 = tpu.sem_alloc : memref<!tpu.dma_semaphore, #tpu.memory_space<semaphore_mem>>
      %dma_start3A = arith.constant 0 : i32
      %dma_start3A_85 = tpu.memref_slice %arg9[%arg1, %dma_start3A] : memref<16x10240xf32, #tpu.memory_space<vmem_shared>> -> memref<1x10240xf32, #tpu.memory_space<vmem_shared>>
      %dma_start3A_86 = tpu.memref_squeeze %dma_start3A_85 : memref<1x10240xf32, #tpu.memory_space<vmem_shared>> -> memref<10240xf32, #tpu.memory_space<vmem_shared>>
      %dma_start3A_87 = arith.constant 0 : i32
      %dma_start3A_88 = tpu.memref_slice %arg9[%arg1, %dma_start3A_87] : memref<16x10240xf32, #tpu.memory_space<vmem_shared>> -> memref<1x10240xf32, #tpu.memory_space<vmem_shared>>
      %dma_start3A_89 = tpu.memref_squeeze %dma_start3A_88 : memref<1x10240xf32, #tpu.memory_space<vmem_shared>> -> memref<10240xf32, #tpu.memory_space<vmem_shared>>
      tpu.enqueue_dma source(%arg5 : memref<10240xf32, #tpu.memory_space<vmem>>) target(%dma_start3A_89 : memref<10240xf32, #tpu.memory_space<vmem_shared>>) target_semaphore(%run_scoped3A_84 : memref<!tpu.dma_semaphore, #tpu.memory_space<semaphore_mem>>)
      %dma_wait3A = arith.constant 0 : i32
      %dma_wait3A_90 = tpu.memref_slice %arg9[%arg1, %dma_wait3A] : memref<16x10240xf32, #tpu.memory_space<vmem_shared>> -> memref<1x10240xf32, #tpu.memory_space<vmem_shared>>
      %dma_wait3A_91 = tpu.memref_squeeze %dma_wait3A_90 : memref<1x10240xf32, #tpu.memory_space<vmem_shared>> -> memref<10240xf32, #tpu.memory_space<vmem_shared>>
      %dma_wait3A_92 = arith.constant 0 : i32
      %dma_wait3A_93 = tpu.memref_slice %arg9[%arg1, %dma_wait3A_92] : memref<16x10240xf32, #tpu.memory_space<vmem_shared>> -> memref<1x10240xf32, #tpu.memory_space<vmem_shared>>
      %dma_wait3A_94 = tpu.memref_squeeze %dma_wait3A_93 : memref<1x10240xf32, #tpu.memory_space<vmem_shared>> -> memref<10240xf32, #tpu.memory_space<vmem_shared>>
      tpu.wait_dma2 semaphore(%run_scoped3A_84 : memref<!tpu.dma_semaphore, #tpu.memory_space<semaphore_mem>>) src(%arg5 : memref<10240xf32, #tpu.memory_space<vmem>>) dst(%dma_wait3A_94 : memref<10240xf32, #tpu.memory_space<vmem_shared>>)
      tpu.yield
    }) : () -> ()
    %barrier3A = arith.constant 0 : index
    tpu.barrier barrier_id(%barrier3A)
    %mul3A_13 = arith.constant 640 : i32
    %mul3A_14 = arith.muli %arg1, %mul3A_13 : i32
    %run_scoped3A = arith.constant 0 : i32
    %run_scoped3A_15 = arith.constant 0 : i32
    "tpu.region"() ({
      %run_scoped3A_84 = tpu.sem_alloc : memref<!tpu.dma_semaphore, #tpu.memory_space<semaphore_mem>>
      %dma_start3A = arith.constant 0 : i32
      %dma_start3A_85 = tpu.memref_slice %arg6[%run_scoped3A_15, %dma_start3A] : memref<16x640xf32, #tpu.memory_space<vmem>> -> memref<1x640xf32, #tpu.memory_space<vmem>>
      %dma_start3A_86 = tpu.memref_squeeze %dma_start3A_85 : memref<1x640xf32, #tpu.memory_space<vmem>> -> memref<640xf32, #tpu.memory_space<vmem>>
      %dma_start3A_87 = arith.constant 0 : i32
      %dma_start3A_88 = tpu.memref_slice %arg9[%run_scoped3A, %dma_start3A_87] : memref<16x10240xf32, #tpu.memory_space<vmem_shared>> -> memref<1x10240xf32, #tpu.memory_space<vmem_shared>>
      %dma_start3A_89 = tpu.memref_squeeze %dma_start3A_88 : memref<1x10240xf32, #tpu.memory_space<vmem_shared>> -> memref<10240xf32, #tpu.memory_space<vmem_shared>>
      %dma_start3A_90 = tpu.memref_slice %dma_start3A_89[%mul3A_14] : memref<10240xf32, #tpu.memory_space<vmem_shared>> -> memref<640xf32, #tpu.memory_space<vmem_shared>>
      %dma_start3A_91 = arith.constant 0 : i32
      %dma_start3A_92 = tpu.memref_slice %arg6[%run_scoped3A_15, %dma_start3A_91] : memref<16x640xf32, #tpu.memory_space<vmem>> -> memref<1x640xf32, #tpu.memory_space<vmem>>
      %dma_start3A_93 = tpu.memref_squeeze %dma_start3A_92 : memref<1x640xf32, #tpu.memory_space<vmem>> -> memref<640xf32, #tpu.memory_space<vmem>>
      %dma_start3A_94 = arith.constant 0 : i32
      %dma_start3A_95 = tpu.memref_slice %arg9[%run_scoped3A, %dma_start3A_94] : memref<16x10240xf32, #tpu.memory_space<vmem_shared>> -> memref<1x10240xf32, #tpu.memory_space<vmem_shared>>
      %dma_start3A_96 = tpu.memref_squeeze %dma_start3A_95 : memref<1x10240xf32, #tpu.memory_space<vmem_shared>> -> memref<10240xf32, #tpu.memory_space<vmem_shared>>
      %dma_start3A_97 = tpu.memref_slice %dma_start3A_96[%mul3A_14] : memref<10240xf32, #tpu.memory_space<vmem_shared>> -> memref<640xf32, #tpu.memory_space<vmem_shared>>
      tpu.enqueue_dma source(%dma_start3A_97 : memref<640xf32, #tpu.memory_space<vmem_shared>>) target(%dma_start3A_93 : memref<640xf32, #tpu.memory_space<vmem>>) target_semaphore(%run_scoped3A_84 : memref<!tpu.dma_semaphore, #tpu.memory_space<semaphore_mem>>)
      %dma_wait3A = arith.constant 0 : i32
      %dma_wait3A_98 = tpu.memref_slice %arg6[%run_scoped3A_15, %dma_wait3A] : memref<16x640xf32, #tpu.memory_space<vmem>> -> memref<1x640xf32, #tpu.memory_space<vmem>>
      %dma_wait3A_99 = tpu.memref_squeeze %dma_wait3A_98 : memref<1x640xf32, #tpu.memory_space<vmem>> -> memref<640xf32, #tpu.memory_space<vmem>>
      %dma_wait3A_100 = arith.constant 0 : i32
      %dma_wait3A_101 = tpu.memref_slice %arg9[%run_scoped3A, %dma_wait3A_100] : memref<16x10240xf32, #tpu.memory_space<vmem_shared>> -> memref<1x10240xf32, #tpu.memory_space<vmem_shared>>
      %dma_wait3A_102 = tpu.memref_squeeze %dma_wait3A_101 : memref<1x10240xf32, #tpu.memory_space<vmem_shared>> -> memref<10240xf32, #tpu.memory_space<vmem_shared>>
      %dma_wait3A_103 = tpu.memref_slice %dma_wait3A_102[%mul3A_14] : memref<10240xf32, #tpu.memory_space<vmem_shared>> -> memref<640xf32, #tpu.memory_space<vmem_shared>>
      %dma_wait3A_104 = arith.constant 0 : i32
      %dma_wait3A_105 = tpu.memref_slice %arg6[%run_scoped3A_15, %dma_wait3A_104] : memref<16x640xf32, #tpu.memory_space<vmem>> -> memref<1x640xf32, #tpu.memory_space<vmem>>
      %dma_wait3A_106 = tpu.memref_squeeze %dma_wait3A_105 : memref<1x640xf32, #tpu.memory_space<vmem>> -> memref<640xf32, #tpu.memory_space<vmem>>
      %dma_wait3A_107 = arith.constant 0 : i32
      %dma_wait3A_108 = tpu.memref_slice %arg9[%run_scoped3A, %dma_wait3A_107] : memref<16x10240xf32, #tpu.memory_space<vmem_shared>> -> memref<1x10240xf32, #tpu.memory_space<vmem_shared>>
      %dma_wait3A_109 = tpu.memref_squeeze %dma_wait3A_108 : memref<1x10240xf32, #tpu.memory_space<vmem_shared>> -> memref<10240xf32, #tpu.memory_space<vmem_shared>>
      %dma_wait3A_110 = tpu.memref_slice %dma_wait3A_109[%mul3A_14] : memref<10240xf32, #tpu.memory_space<vmem_shared>> -> memref<640xf32, #tpu.memory_space<vmem_shared>>
      tpu.wait_dma2 semaphore(%run_scoped3A_84 : memref<!tpu.dma_semaphore, #tpu.memory_space<semaphore_mem>>) src(%dma_wait3A_110 : memref<640xf32, #tpu.memory_space<vmem_shared>>) dst(%dma_wait3A_106 : memref<640xf32, #tpu.memory_space<vmem>>)
      tpu.yield
    }) : () -> ()
    %mul3A_16 = arith.constant 640 : i32
    %mul3A_17 = arith.muli %arg1, %mul3A_16 : i32
    %run_scoped3A_18 = arith.constant 1 : i32
    %run_scoped3A_19 = arith.constant 1 : i32
    "tpu.region"() ({
      %run_scoped3A_84 = tpu.sem_alloc : memref<!tpu.dma_semaphore, #tpu.memory_space<semaphore_mem>>
      %dma_start3A = arith.constant 0 : i32
      %dma_start3A_85 = tpu.memref_slice %arg6[%run_scoped3A_19, %dma_start3A] : memref<16x640xf32, #tpu.memory_space<vmem>> -> memref<1x640xf32, #tpu.memory_space<vmem>>
      %dma_start3A_86 = tpu.memref_squeeze %dma_start3A_85 : memref<1x640xf32, #tpu.memory_space<vmem>> -> memref<640xf32, #tpu.memory_space<vmem>>
      %dma_start3A_87 = arith.constant 0 : i32
      %dma_start3A_88 = tpu.memref_slice %arg9[%run_scoped3A_18, %dma_start3A_87] : memref<16x10240xf32, #tpu.memory_space<vmem_shared>> -> memref<1x10240xf32, #tpu.memory_space<vmem_shared>>
      %dma_start3A_89 = tpu.memref_squeeze %dma_start3A_88 : memref<1x10240xf32, #tpu.memory_space<vmem_shared>> -> memref<10240xf32, #tpu.memory_space<vmem_shared>>
      %dma_start3A_90 = tpu.memref_slice %dma_start3A_89[%mul3A_17] : memref<10240xf32, #tpu.memory_space<vmem_shared>> -> memref<640xf32, #tpu.memory_space<vmem_shared>>
      %dma_start3A_91 = arith.constant 0 : i32
      %dma_start3A_92 = tpu.memref_slice %arg6[%run_scoped3A_19, %dma_start3A_91] : memref<16x640xf32, #tpu.memory_space<vmem>> -> memref<1x640xf32, #tpu.memory_space<vmem>>
      %dma_start3A_93 = tpu.memref_squeeze %dma_start3A_92 : memref<1x640xf32, #tpu.memory_space<vmem>> -> memref<640xf32, #tpu.memory_space<vmem>>
      %dma_start3A_94 = arith.constant 0 : i32
      %dma_start3A_95 = tpu.memref_slice %arg9[%run_scoped3A_18, %dma_start3A_94] : memref<16x10240xf32, #tpu.memory_space<vmem_shared>> -> memref<1x10240xf32, #tpu.memory_space<vmem_shared>>
      %dma_start3A_96 = tpu.memref_squeeze %dma_start3A_95 : memref<1x10240xf32, #tpu.memory_space<vmem_shared>> -> memref<10240xf32, #tpu.memory_space<vmem_shared>>
      %dma_start3A_97 = tpu.memref_slice %dma_start3A_96[%mul3A_17] : memref<10240xf32, #tpu.memory_space<vmem_shared>> -> memref<640xf32, #tpu.memory_space<vmem_shared>>
      tpu.enqueue_dma source(%dma_start3A_97 : memref<640xf32, #tpu.memory_space<vmem_shared>>) target(%dma_start3A_93 : memref<640xf32, #tpu.memory_space<vmem>>) target_semaphore(%run_scoped3A_84 : memref<!tpu.dma_semaphore, #tpu.memory_space<semaphore_mem>>)
      %dma_wait3A = arith.constant 0 : i32
      %dma_wait3A_98 = tpu.memref_slice %arg6[%run_scoped3A_19, %dma_wait3A] : memref<16x640xf32, #tpu.memory_space<vmem>> -> memref<1x640xf32, #tpu.memory_space<vmem>>
      %dma_wait3A_99 = tpu.memref_squeeze %dma_wait3A_98 : memref<1x640xf32, #tpu.memory_space<vmem>> -> memref<640xf32, #tpu.memory_space<vmem>>
      %dma_wait3A_100 = arith.constant 0 : i32
      %dma_wait3A_101 = tpu.memref_slice %arg9[%run_scoped3A_18, %dma_wait3A_100] : memref<16x10240xf32, #tpu.memory_space<vmem_shared>> -> memref<1x10240xf32, #tpu.memory_space<vmem_shared>>
      %dma_wait3A_102 = tpu.memref_squeeze %dma_wait3A_101 : memref<1x10240xf32, #tpu.memory_space<vmem_shared>> -> memref<10240xf32, #tpu.memory_space<vmem_shared>>
      %dma_wait3A_103 = tpu.memref_slice %dma_wait3A_102[%mul3A_17] : memref<10240xf32, #tpu.memory_space<vmem_shared>> -> memref<640xf32, #tpu.memory_space<vmem_shared>>
      %dma_wait3A_104 = arith.constant 0 : i32
      %dma_wait3A_105 = tpu.memref_slice %arg6[%run_scoped3A_19, %dma_wait3A_104] : memref<16x640xf32, #tpu.memory_space<vmem>> -> memref<1x640xf32, #tpu.memory_space<vmem>>
      %dma_wait3A_106 = tpu.memref_squeeze %dma_wait3A_105 : memref<1x640xf32, #tpu.memory_space<vmem>> -> memref<640xf32, #tpu.memory_space<vmem>>
      %dma_wait3A_107 = arith.constant 0 : i32
      %dma_wait3A_108 = tpu.memref_slice %arg9[%run_scoped3A_18, %dma_wait3A_107] : memref<16x10240xf32, #tpu.memory_space<vmem_shared>> -> memref<1x10240xf32, #tpu.memory_space<vmem_shared>>
      %dma_wait3A_109 = tpu.memref_squeeze %dma_wait3A_108 : memref<1x10240xf32, #tpu.memory_space<vmem_shared>> -> memref<10240xf32, #tpu.memory_space<vmem_shared>>
      %dma_wait3A_110 = tpu.memref_slice %dma_wait3A_109[%mul3A_17] : memref<10240xf32, #tpu.memory_space<vmem_shared>> -> memref<640xf32, #tpu.memory_space<vmem_shared>>
      tpu.wait_dma2 semaphore(%run_scoped3A_84 : memref<!tpu.dma_semaphore, #tpu.memory_space<semaphore_mem>>) src(%dma_wait3A_110 : memref<640xf32, #tpu.memory_space<vmem_shared>>) dst(%dma_wait3A_106 : memref<640xf32, #tpu.memory_space<vmem>>)
      tpu.yield
    }) : () -> ()
    %mul3A_20 = arith.constant 640 : i32
    %mul3A_21 = arith.muli %arg1, %mul3A_20 : i32
    %run_scoped3A_22 = arith.constant 2 : i32
    %run_scoped3A_23 = arith.constant 2 : i32
    "tpu.region"() ({
      %run_scoped3A_84 = tpu.sem_alloc : memref<!tpu.dma_semaphore, #tpu.memory_space<semaphore_mem>>
      %dma_start3A = arith.constant 0 : i32
      %dma_start3A_85 = tpu.memref_slice %arg6[%run_scoped3A_23, %dma_start3A] : memref<16x640xf32, #tpu.memory_space<vmem>> -> memref<1x640xf32, #tpu.memory_space<vmem>>
      %dma_start3A_86 = tpu.memref_squeeze %dma_start3A_85 : memref<1x640xf32, #tpu.memory_space<vmem>> -> memref<640xf32, #tpu.memory_space<vmem>>
      %dma_start3A_87 = arith.constant 0 : i32
      %dma_start3A_88 = tpu.memref_slice %arg9[%run_scoped3A_22, %dma_start3A_87] : memref<16x10240xf32, #tpu.memory_space<vmem_shared>> -> memref<1x10240xf32, #tpu.memory_space<vmem_shared>>
      %dma_start3A_89 = tpu.memref_squeeze %dma_start3A_88 : memref<1x10240xf32, #tpu.memory_space<vmem_shared>> -> memref<10240xf32, #tpu.memory_space<vmem_shared>>
      %dma_start3A_90 = tpu.memref_slice %dma_start3A_89[%mul3A_21] : memref<10240xf32, #tpu.memory_space<vmem_shared>> -> memref<640xf32, #tpu.memory_space<vmem_shared>>
      %dma_start3A_91 = arith.constant 0 : i32
      %dma_start3A_92 = tpu.memref_slice %arg6[%run_scoped3A_23, %dma_start3A_91] : memref<16x640xf32, #tpu.memory_space<vmem>> -> memref<1x640xf32, #tpu.memory_space<vmem>>
      %dma_start3A_93 = tpu.memref_squeeze %dma_start3A_92 : memref<1x640xf32, #tpu.memory_space<vmem>> -> memref<640xf32, #tpu.memory_space<vmem>>
      %dma_start3A_94 = arith.constant 0 : i32
      %dma_start3A_95 = tpu.memref_slice %arg9[%run_scoped3A_22, %dma_start3A_94] : memref<16x10240xf32, #tpu.memory_space<vmem_shared>> -> memref<1x10240xf32, #tpu.memory_space<vmem_shared>>
      %dma_start3A_96 = tpu.memref_squeeze %dma_start3A_95 : memref<1x10240xf32, #tpu.memory_space<vmem_shared>> -> memref<10240xf32, #tpu.memory_space<vmem_shared>>
      %dma_start3A_97 = tpu.memref_slice %dma_start3A_96[%mul3A_21] : memref<10240xf32, #tpu.memory_space<vmem_shared>> -> memref<640xf32, #tpu.memory_space<vmem_shared>>
      tpu.enqueue_dma source(%dma_start3A_97 : memref<640xf32, #tpu.memory_space<vmem_shared>>) target(%dma_start3A_93 : memref<640xf32, #tpu.memory_space<vmem>>) target_semaphore(%run_scoped3A_84 : memref<!tpu.dma_semaphore, #tpu.memory_space<semaphore_mem>>)
      %dma_wait3A = arith.constant 0 : i32
      %dma_wait3A_98 = tpu.memref_slice %arg6[%run_scoped3A_23, %dma_wait3A] : memref<16x640xf32, #tpu.memory_space<vmem>> -> memref<1x640xf32, #tpu.memory_space<vmem>>
      %dma_wait3A_99 = tpu.memref_squeeze %dma_wait3A_98 : memref<1x640xf32, #tpu.memory_space<vmem>> -> memref<640xf32, #tpu.memory_space<vmem>>
      %dma_wait3A_100 = arith.constant 0 : i32
      %dma_wait3A_101 = tpu.memref_slice %arg9[%run_scoped3A_22, %dma_wait3A_100] : memref<16x10240xf32, #tpu.memory_space<vmem_shared>> -> memref<1x10240xf32, #tpu.memory_space<vmem_shared>>
      %dma_wait3A_102 = tpu.memref_squeeze %dma_wait3A_101 : memref<1x10240xf32, #tpu.memory_space<vmem_shared>> -> memref<10240xf32, #tpu.memory_space<vmem_shared>>
      %dma_wait3A_103 = tpu.memref_slice %dma_wait3A_102[%mul3A_21] : memref<10240xf32, #tpu.memory_space<vmem_shared>> -> memref<640xf32, #tpu.memory_space<vmem_shared>>
      %dma_wait3A_104 = arith.constant 0 : i32
      %dma_wait3A_105 = tpu.memref_slice %arg6[%run_scoped3A_23, %dma_wait3A_104] : memref<16x640xf32, #tpu.memory_space<vmem>> -> memref<1x640xf32, #tpu.memory_space<vmem>>
      %dma_wait3A_106 = tpu.memref_squeeze %dma_wait3A_105 : memref<1x640xf32, #tpu.memory_space<vmem>> -> memref<640xf32, #tpu.memory_space<vmem>>
      %dma_wait3A_107 = arith.constant 0 : i32
      %dma_wait3A_108 = tpu.memref_slice %arg9[%run_scoped3A_22, %dma_wait3A_107] : memref<16x10240xf32, #tpu.memory_space<vmem_shared>> -> memref<1x10240xf32, #tpu.memory_space<vmem_shared>>
      %dma_wait3A_109 = tpu.memref_squeeze %dma_wait3A_108 : memref<1x10240xf32, #tpu.memory_space<vmem_shared>> -> memref<10240xf32, #tpu.memory_space<vmem_shared>>
      %dma_wait3A_110 = tpu.memref_slice %dma_wait3A_109[%mul3A_21] : memref<10240xf32, #tpu.memory_space<vmem_shared>> -> memref<640xf32, #tpu.memory_space<vmem_shared>>
      tpu.wait_dma2 semaphore(%run_scoped3A_84 : memref<!tpu.dma_semaphore, #tpu.memory_space<semaphore_mem>>) src(%dma_wait3A_110 : memref<640xf32, #tpu.memory_space<vmem_shared>>) dst(%dma_wait3A_106 : memref<640xf32, #tpu.memory_space<vmem>>)
      tpu.yield
    }) : () -> ()
    %mul3A_24 = arith.constant 640 : i32
    %mul3A_25 = arith.muli %arg1, %mul3A_24 : i32
    %run_scoped3A_26 = arith.constant 3 : i32
    %run_scoped3A_27 = arith.constant 3 : i32
    "tpu.region"() ({
      %run_scoped3A_84 = tpu.sem_alloc : memref<!tpu.dma_semaphore, #tpu.memory_space<semaphore_mem>>
      %dma_start3A = arith.constant 0 : i32
      %dma_start3A_85 = tpu.memref_slice %arg6[%run_scoped3A_27, %dma_start3A] : memref<16x640xf32, #tpu.memory_space<vmem>> -> memref<1x640xf32, #tpu.memory_space<vmem>>
      %dma_start3A_86 = tpu.memref_squeeze %dma_start3A_85 : memref<1x640xf32, #tpu.memory_space<vmem>> -> memref<640xf32, #tpu.memory_space<vmem>>
      %dma_start3A_87 = arith.constant 0 : i32
      %dma_start3A_88 = tpu.memref_slice %arg9[%run_scoped3A_26, %dma_start3A_87] : memref<16x10240xf32, #tpu.memory_space<vmem_shared>> -> memref<1x10240xf32, #tpu.memory_space<vmem_shared>>
      %dma_start3A_89 = tpu.memref_squeeze %dma_start3A_88 : memref<1x10240xf32, #tpu.memory_space<vmem_shared>> -> memref<10240xf32, #tpu.memory_space<vmem_shared>>
      %dma_start3A_90 = tpu.memref_slice %dma_start3A_89[%mul3A_25] : memref<10240xf32, #tpu.memory_space<vmem_shared>> -> memref<640xf32, #tpu.memory_space<vmem_shared>>
      %dma_start3A_91 = arith.constant 0 : i32
      %dma_start3A_92 = tpu.memref_slice %arg6[%run_scoped3A_27, %dma_start3A_91] : memref<16x640xf32, #tpu.memory_space<vmem>> -> memref<1x640xf32, #tpu.memory_space<vmem>>
      %dma_start3A_93 = tpu.memref_squeeze %dma_start3A_92 : memref<1x640xf32, #tpu.memory_space<vmem>> -> memref<640xf32, #tpu.memory_space<vmem>>
      %dma_start3A_94 = arith.constant 0 : i32
      %dma_start3A_95 = tpu.memref_slice %arg9[%run_scoped3A_26, %dma_start3A_94] : memref<16x10240xf32, #tpu.memory_space<vmem_shared>> -> memref<1x10240xf32, #tpu.memory_space<vmem_shared>>
      %dma_start3A_96 = tpu.memref_squeeze %dma_start3A_95 : memref<1x10240xf32, #tpu.memory_space<vmem_shared>> -> memref<10240xf32, #tpu.memory_space<vmem_shared>>
      %dma_start3A_97 = tpu.memref_slice %dma_start3A_96[%mul3A_25] : memref<10240xf32, #tpu.memory_space<vmem_shared>> -> memref<640xf32, #tpu.memory_space<vmem_shared>>
      tpu.enqueue_dma source(%dma_start3A_97 : memref<640xf32, #tpu.memory_space<vmem_shared>>) target(%dma_start3A_93 : memref<640xf32, #tpu.memory_space<vmem>>) target_semaphore(%run_scoped3A_84 : memref<!tpu.dma_semaphore, #tpu.memory_space<semaphore_mem>>)
      %dma_wait3A = arith.constant 0 : i32
      %dma_wait3A_98 = tpu.memref_slice %arg6[%run_scoped3A_27, %dma_wait3A] : memref<16x640xf32, #tpu.memory_space<vmem>> -> memref<1x640xf32, #tpu.memory_space<vmem>>
      %dma_wait3A_99 = tpu.memref_squeeze %dma_wait3A_98 : memref<1x640xf32, #tpu.memory_space<vmem>> -> memref<640xf32, #tpu.memory_space<vmem>>
      %dma_wait3A_100 = arith.constant 0 : i32
      %dma_wait3A_101 = tpu.memref_slice %arg9[%run_scoped3A_26, %dma_wait3A_100] : memref<16x10240xf32, #tpu.memory_space<vmem_shared>> -> memref<1x10240xf32, #tpu.memory_space<vmem_shared>>
      %dma_wait3A_102 = tpu.memref_squeeze %dma_wait3A_101 : memref<1x10240xf32, #tpu.memory_space<vmem_shared>> -> memref<10240xf32, #tpu.memory_space<vmem_shared>>
      %dma_wait3A_103 = tpu.memref_slice %dma_wait3A_102[%mul3A_25] : memref<10240xf32, #tpu.memory_space<vmem_shared>> -> memref<640xf32, #tpu.memory_space<vmem_shared>>
      %dma_wait3A_104 = arith.constant 0 : i32
      %dma_wait3A_105 = tpu.memref_slice %arg6[%run_scoped3A_27, %dma_wait3A_104] : memref<16x640xf32, #tpu.memory_space<vmem>> -> memref<1x640xf32, #tpu.memory_space<vmem>>
      %dma_wait3A_106 = tpu.memref_squeeze %dma_wait3A_105 : memref<1x640xf32, #tpu.memory_space<vmem>> -> memref<640xf32, #tpu.memory_space<vmem>>
      %dma_wait3A_107 = arith.constant 0 : i32
      %dma_wait3A_108 = tpu.memref_slice %arg9[%run_scoped3A_26, %dma_wait3A_107] : memref<16x10240xf32, #tpu.memory_space<vmem_shared>> -> memref<1x10240xf32, #tpu.memory_space<vmem_shared>>
      %dma_wait3A_109 = tpu.memref_squeeze %dma_wait3A_108 : memref<1x10240xf32, #tpu.memory_space<vmem_shared>> -> memref<10240xf32, #tpu.memory_space<vmem_shared>>
      %dma_wait3A_110 = tpu.memref_slice %dma_wait3A_109[%mul3A_25] : memref<10240xf32, #tpu.memory_space<vmem_shared>> -> memref<640xf32, #tpu.memory_space<vmem_shared>>
      tpu.wait_dma2 semaphore(%run_scoped3A_84 : memref<!tpu.dma_semaphore, #tpu.memory_space<semaphore_mem>>) src(%dma_wait3A_110 : memref<640xf32, #tpu.memory_space<vmem_shared>>) dst(%dma_wait3A_106 : memref<640xf32, #tpu.memory_space<vmem>>)
      tpu.yield
    }) : () -> ()
    %mul3A_28 = arith.constant 640 : i32
    %mul3A_29 = arith.muli %arg1, %mul3A_28 : i32
    %run_scoped3A_30 = arith.constant 4 : i32
    %run_scoped3A_31 = arith.constant 4 : i32
    "tpu.region"() ({
      %run_scoped3A_84 = tpu.sem_alloc : memref<!tpu.dma_semaphore, #tpu.memory_space<semaphore_mem>>
      %dma_start3A = arith.constant 0 : i32
      %dma_start3A_85 = tpu.memref_slice %arg6[%run_scoped3A_31, %dma_start3A] : memref<16x640xf32, #tpu.memory_space<vmem>> -> memref<1x640xf32, #tpu.memory_space<vmem>>
      %dma_start3A_86 = tpu.memref_squeeze %dma_start3A_85 : memref<1x640xf32, #tpu.memory_space<vmem>> -> memref<640xf32, #tpu.memory_space<vmem>>
      %dma_start3A_87 = arith.constant 0 : i32
      %dma_start3A_88 = tpu.memref_slice %arg9[%run_scoped3A_30, %dma_start3A_87] : memref<16x10240xf32, #tpu.memory_space<vmem_shared>> -> memref<1x10240xf32, #tpu.memory_space<vmem_shared>>
      %dma_start3A_89 = tpu.memref_squeeze %dma_start3A_88 : memref<1x10240xf32, #tpu.memory_space<vmem_shared>> -> memref<10240xf32, #tpu.memory_space<vmem_shared>>
      %dma_start3A_90 = tpu.memref_slice %dma_start3A_89[%mul3A_29] : memref<10240xf32, #tpu.memory_space<vmem_shared>> -> memref<640xf32, #tpu.memory_space<vmem_shared>>
      %dma_start3A_91 = arith.constant 0 : i32
      %dma_start3A_92 = tpu.memref_slice %arg6[%run_scoped3A_31, %dma_start3A_91] : memref<16x640xf32, #tpu.memory_space<vmem>> -> memref<1x640xf32, #tpu.memory_space<vmem>>
      %dma_start3A_93 = tpu.memref_squeeze %dma_start3A_92 : memref<1x640xf32, #tpu.memory_space<vmem>> -> memref<640xf32, #tpu.memory_space<vmem>>
      %dma_start3A_94 = arith.constant 0 : i32
      %dma_start3A_95 = tpu.memref_slice %arg9[%run_scoped3A_30, %dma_start3A_94] : memref<16x10240xf32, #tpu.memory_space<vmem_shared>> -> memref<1x10240xf32, #tpu.memory_space<vmem_shared>>
      %dma_start3A_96 = tpu.memref_squeeze %dma_start3A_95 : memref<1x10240xf32, #tpu.memory_space<vmem_shared>> -> memref<10240xf32, #tpu.memory_space<vmem_shared>>
      %dma_start3A_97 = tpu.memref_slice %dma_start3A_96[%mul3A_29] : memref<10240xf32, #tpu.memory_space<vmem_shared>> -> memref<640xf32, #tpu.memory_space<vmem_shared>>
      tpu.enqueue_dma source(%dma_start3A_97 : memref<640xf32, #tpu.memory_space<vmem_shared>>) target(%dma_start3A_93 : memref<640xf32, #tpu.memory_space<vmem>>) target_semaphore(%run_scoped3A_84 : memref<!tpu.dma_semaphore, #tpu.memory_space<semaphore_mem>>)
      %dma_wait3A = arith.constant 0 : i32
      %dma_wait3A_98 = tpu.memref_slice %arg6[%run_scoped3A_31, %dma_wait3A] : memref<16x640xf32, #tpu.memory_space<vmem>> -> memref<1x640xf32, #tpu.memory_space<vmem>>
      %dma_wait3A_99 = tpu.memref_squeeze %dma_wait3A_98 : memref<1x640xf32, #tpu.memory_space<vmem>> -> memref<640xf32, #tpu.memory_space<vmem>>
      %dma_wait3A_100 = arith.constant 0 : i32
      %dma_wait3A_101 = tpu.memref_slice %arg9[%run_scoped3A_30, %dma_wait3A_100] : memref<16x10240xf32, #tpu.memory_space<vmem_shared>> -> memref<1x10240xf32, #tpu.memory_space<vmem_shared>>
      %dma_wait3A_102 = tpu.memref_squeeze %dma_wait3A_101 : memref<1x10240xf32, #tpu.memory_space<vmem_shared>> -> memref<10240xf32, #tpu.memory_space<vmem_shared>>
      %dma_wait3A_103 = tpu.memref_slice %dma_wait3A_102[%mul3A_29] : memref<10240xf32, #tpu.memory_space<vmem_shared>> -> memref<640xf32, #tpu.memory_space<vmem_shared>>
      %dma_wait3A_104 = arith.constant 0 : i32
      %dma_wait3A_105 = tpu.memref_slice %arg6[%run_scoped3A_31, %dma_wait3A_104] : memref<16x640xf32, #tpu.memory_space<vmem>> -> memref<1x640xf32, #tpu.memory_space<vmem>>
      %dma_wait3A_106 = tpu.memref_squeeze %dma_wait3A_105 : memref<1x640xf32, #tpu.memory_space<vmem>> -> memref<640xf32, #tpu.memory_space<vmem>>
      %dma_wait3A_107 = arith.constant 0 : i32
      %dma_wait3A_108 = tpu.memref_slice %arg9[%run_scoped3A_30, %dma_wait3A_107] : memref<16x10240xf32, #tpu.memory_space<vmem_shared>> -> memref<1x10240xf32, #tpu.memory_space<vmem_shared>>
      %dma_wait3A_109 = tpu.memref_squeeze %dma_wait3A_108 : memref<1x10240xf32, #tpu.memory_space<vmem_shared>> -> memref<10240xf32, #tpu.memory_space<vmem_shared>>
      %dma_wait3A_110 = tpu.memref_slice %dma_wait3A_109[%mul3A_29] : memref<10240xf32, #tpu.memory_space<vmem_shared>> -> memref<640xf32, #tpu.memory_space<vmem_shared>>
      tpu.wait_dma2 semaphore(%run_scoped3A_84 : memref<!tpu.dma_semaphore, #tpu.memory_space<semaphore_mem>>) src(%dma_wait3A_110 : memref<640xf32, #tpu.memory_space<vmem_shared>>) dst(%dma_wait3A_106 : memref<640xf32, #tpu.memory_space<vmem>>)
      tpu.yield
    }) : () -> ()
    %mul3A_32 = arith.constant 640 : i32
    %mul3A_33 = arith.muli %arg1, %mul3A_32 : i32
    %run_scoped3A_34 = arith.constant 5 : i32
    %run_scoped3A_35 = arith.constant 5 : i32
    "tpu.region"() ({
      %run_scoped3A_84 = tpu.sem_alloc : memref<!tpu.dma_semaphore, #tpu.memory_space<semaphore_mem>>
      %dma_start3A = arith.constant 0 : i32
      %dma_start3A_85 = tpu.memref_slice %arg6[%run_scoped3A_35, %dma_start3A] : memref<16x640xf32, #tpu.memory_space<vmem>> -> memref<1x640xf32, #tpu.memory_space<vmem>>
      %dma_start3A_86 = tpu.memref_squeeze %dma_start3A_85 : memref<1x640xf32, #tpu.memory_space<vmem>> -> memref<640xf32, #tpu.memory_space<vmem>>
      %dma_start3A_87 = arith.constant 0 : i32
      %dma_start3A_88 = tpu.memref_slice %arg9[%run_scoped3A_34, %dma_start3A_87] : memref<16x10240xf32, #tpu.memory_space<vmem_shared>> -> memref<1x10240xf32, #tpu.memory_space<vmem_shared>>
      %dma_start3A_89 = tpu.memref_squeeze %dma_start3A_88 : memref<1x10240xf32, #tpu.memory_space<vmem_shared>> -> memref<10240xf32, #tpu.memory_space<vmem_shared>>
      %dma_start3A_90 = tpu.memref_slice %dma_start3A_89[%mul3A_33] : memref<10240xf32, #tpu.memory_space<vmem_shared>> -> memref<640xf32, #tpu.memory_space<vmem_shared>>
      %dma_start3A_91 = arith.constant 0 : i32
      %dma_start3A_92 = tpu.memref_slice %arg6[%run_scoped3A_35, %dma_start3A_91] : memref<16x640xf32, #tpu.memory_space<vmem>> -> memref<1x640xf32, #tpu.memory_space<vmem>>
      %dma_start3A_93 = tpu.memref_squeeze %dma_start3A_92 : memref<1x640xf32, #tpu.memory_space<vmem>> -> memref<640xf32, #tpu.memory_space<vmem>>
      %dma_start3A_94 = arith.constant 0 : i32
      %dma_start3A_95 = tpu.memref_slice %arg9[%run_scoped3A_34, %dma_start3A_94] : memref<16x10240xf32, #tpu.memory_space<vmem_shared>> -> memref<1x10240xf32, #tpu.memory_space<vmem_shared>>
      %dma_start3A_96 = tpu.memref_squeeze %dma_start3A_95 : memref<1x10240xf32, #tpu.memory_space<vmem_shared>> -> memref<10240xf32, #tpu.memory_space<vmem_shared>>
      %dma_start3A_97 = tpu.memref_slice %dma_start3A_96[%mul3A_33] : memref<10240xf32, #tpu.memory_space<vmem_shared>> -> memref<640xf32, #tpu.memory_space<vmem_shared>>
      tpu.enqueue_dma source(%dma_start3A_97 : memref<640xf32, #tpu.memory_space<vmem_shared>>) target(%dma_start3A_93 : memref<640xf32, #tpu.memory_space<vmem>>) target_semaphore(%run_scoped3A_84 : memref<!tpu.dma_semaphore, #tpu.memory_space<semaphore_mem>>)
      %dma_wait3A = arith.constant 0 : i32
      %dma_wait3A_98 = tpu.memref_slice %arg6[%run_scoped3A_35, %dma_wait3A] : memref<16x640xf32, #tpu.memory_space<vmem>> -> memref<1x640xf32, #tpu.memory_space<vmem>>
      %dma_wait3A_99 = tpu.memref_squeeze %dma_wait3A_98 : memref<1x640xf32, #tpu.memory_space<vmem>> -> memref<640xf32, #tpu.memory_space<vmem>>
      %dma_wait3A_100 = arith.constant 0 : i32
      %dma_wait3A_101 = tpu.memref_slice %arg9[%run_scoped3A_34, %dma_wait3A_100] : memref<16x10240xf32, #tpu.memory_space<vmem_shared>> -> memref<1x10240xf32, #tpu.memory_space<vmem_shared>>
      %dma_wait3A_102 = tpu.memref_squeeze %dma_wait3A_101 : memref<1x10240xf32, #tpu.memory_space<vmem_shared>> -> memref<10240xf32, #tpu.memory_space<vmem_shared>>
      %dma_wait3A_103 = tpu.memref_slice %dma_wait3A_102[%mul3A_33] : memref<10240xf32, #tpu.memory_space<vmem_shared>> -> memref<640xf32, #tpu.memory_space<vmem_shared>>
      %dma_wait3A_104 = arith.constant 0 : i32
      %dma_wait3A_105 = tpu.memref_slice %arg6[%run_scoped3A_35, %dma_wait3A_104] : memref<16x640xf32, #tpu.memory_space<vmem>> -> memref<1x640xf32, #tpu.memory_space<vmem>>
      %dma_wait3A_106 = tpu.memref_squeeze %dma_wait3A_105 : memref<1x640xf32, #tpu.memory_space<vmem>> -> memref<640xf32, #tpu.memory_space<vmem>>
      %dma_wait3A_107 = arith.constant 0 : i32
      %dma_wait3A_108 = tpu.memref_slice %arg9[%run_scoped3A_34, %dma_wait3A_107] : memref<16x10240xf32, #tpu.memory_space<vmem_shared>> -> memref<1x10240xf32, #tpu.memory_space<vmem_shared>>
      %dma_wait3A_109 = tpu.memref_squeeze %dma_wait3A_108 : memref<1x10240xf32, #tpu.memory_space<vmem_shared>> -> memref<10240xf32, #tpu.memory_space<vmem_shared>>
      %dma_wait3A_110 = tpu.memref_slice %dma_wait3A_109[%mul3A_33] : memref<10240xf32, #tpu.memory_space<vmem_shared>> -> memref<640xf32, #tpu.memory_space<vmem_shared>>
      tpu.wait_dma2 semaphore(%run_scoped3A_84 : memref<!tpu.dma_semaphore, #tpu.memory_space<semaphore_mem>>) src(%dma_wait3A_110 : memref<640xf32, #tpu.memory_space<vmem_shared>>) dst(%dma_wait3A_106 : memref<640xf32, #tpu.memory_space<vmem>>)
      tpu.yield
    }) : () -> ()
    %mul3A_36 = arith.constant 640 : i32
    %mul3A_37 = arith.muli %arg1, %mul3A_36 : i32
    %run_scoped3A_38 = arith.constant 6 : i32
    %run_scoped3A_39 = arith.constant 6 : i32
    "tpu.region"() ({
      %run_scoped3A_84 = tpu.sem_alloc : memref<!tpu.dma_semaphore, #tpu.memory_space<semaphore_mem>>
      %dma_start3A = arith.constant 0 : i32
      %dma_start3A_85 = tpu.memref_slice %arg6[%run_scoped3A_39, %dma_start3A] : memref<16x640xf32, #tpu.memory_space<vmem>> -> memref<1x640xf32, #tpu.memory_space<vmem>>
      %dma_start3A_86 = tpu.memref_squeeze %dma_start3A_85 : memref<1x640xf32, #tpu.memory_space<vmem>> -> memref<640xf32, #tpu.memory_space<vmem>>
      %dma_start3A_87 = arith.constant 0 : i32
      %dma_start3A_88 = tpu.memref_slice %arg9[%run_scoped3A_38, %dma_start3A_87] : memref<16x10240xf32, #tpu.memory_space<vmem_shared>> -> memref<1x10240xf32, #tpu.memory_space<vmem_shared>>
      %dma_start3A_89 = tpu.memref_squeeze %dma_start3A_88 : memref<1x10240xf32, #tpu.memory_space<vmem_shared>> -> memref<10240xf32, #tpu.memory_space<vmem_shared>>
      %dma_start3A_90 = tpu.memref_slice %dma_start3A_89[%mul3A_37] : memref<10240xf32, #tpu.memory_space<vmem_shared>> -> memref<640xf32, #tpu.memory_space<vmem_shared>>
      %dma_start3A_91 = arith.constant 0 : i32
      %dma_start3A_92 = tpu.memref_slice %arg6[%run_scoped3A_39, %dma_start3A_91] : memref<16x640xf32, #tpu.memory_space<vmem>> -> memref<1x640xf32, #tpu.memory_space<vmem>>
      %dma_start3A_93 = tpu.memref_squeeze %dma_start3A_92 : memref<1x640xf32, #tpu.memory_space<vmem>> -> memref<640xf32, #tpu.memory_space<vmem>>
      %dma_start3A_94 = arith.constant 0 : i32
      %dma_start3A_95 = tpu.memref_slice %arg9[%run_scoped3A_38, %dma_start3A_94] : memref<16x10240xf32, #tpu.memory_space<vmem_shared>> -> memref<1x10240xf32, #tpu.memory_space<vmem_shared>>
      %dma_start3A_96 = tpu.memref_squeeze %dma_start3A_95 : memref<1x10240xf32, #tpu.memory_space<vmem_shared>> -> memref<10240xf32, #tpu.memory_space<vmem_shared>>
      %dma_start3A_97 = tpu.memref_slice %dma_start3A_96[%mul3A_37] : memref<10240xf32, #tpu.memory_space<vmem_shared>> -> memref<640xf32, #tpu.memory_space<vmem_shared>>
      tpu.enqueue_dma source(%dma_start3A_97 : memref<640xf32, #tpu.memory_space<vmem_shared>>) target(%dma_start3A_93 : memref<640xf32, #tpu.memory_space<vmem>>) target_semaphore(%run_scoped3A_84 : memref<!tpu.dma_semaphore, #tpu.memory_space<semaphore_mem>>)
      %dma_wait3A = arith.constant 0 : i32
      %dma_wait3A_98 = tpu.memref_slice %arg6[%run_scoped3A_39, %dma_wait3A] : memref<16x640xf32, #tpu.memory_space<vmem>> -> memref<1x640xf32, #tpu.memory_space<vmem>>
      %dma_wait3A_99 = tpu.memref_squeeze %dma_wait3A_98 : memref<1x640xf32, #tpu.memory_space<vmem>> -> memref<640xf32, #tpu.memory_space<vmem>>
      %dma_wait3A_100 = arith.constant 0 : i32
      %dma_wait3A_101 = tpu.memref_slice %arg9[%run_scoped3A_38, %dma_wait3A_100] : memref<16x10240xf32, #tpu.memory_space<vmem_shared>> -> memref<1x10240xf32, #tpu.memory_space<vmem_shared>>
      %dma_wait3A_102 = tpu.memref_squeeze %dma_wait3A_101 : memref<1x10240xf32, #tpu.memory_space<vmem_shared>> -> memref<10240xf32, #tpu.memory_space<vmem_shared>>
      %dma_wait3A_103 = tpu.memref_slice %dma_wait3A_102[%mul3A_37] : memref<10240xf32, #tpu.memory_space<vmem_shared>> -> memref<640xf32, #tpu.memory_space<vmem_shared>>
      %dma_wait3A_104 = arith.constant 0 : i32
      %dma_wait3A_105 = tpu.memref_slice %arg6[%run_scoped3A_39, %dma_wait3A_104] : memref<16x640xf32, #tpu.memory_space<vmem>> -> memref<1x640xf32, #tpu.memory_space<vmem>>
      %dma_wait3A_106 = tpu.memref_squeeze %dma_wait3A_105 : memref<1x640xf32, #tpu.memory_space<vmem>> -> memref<640xf32, #tpu.memory_space<vmem>>
      %dma_wait3A_107 = arith.constant 0 : i32
      %dma_wait3A_108 = tpu.memref_slice %arg9[%run_scoped3A_38, %dma_wait3A_107] : memref<16x10240xf32, #tpu.memory_space<vmem_shared>> -> memref<1x10240xf32, #tpu.memory_space<vmem_shared>>
      %dma_wait3A_109 = tpu.memref_squeeze %dma_wait3A_108 : memref<1x10240xf32, #tpu.memory_space<vmem_shared>> -> memref<10240xf32, #tpu.memory_space<vmem_shared>>
      %dma_wait3A_110 = tpu.memref_slice %dma_wait3A_109[%mul3A_37] : memref<10240xf32, #tpu.memory_space<vmem_shared>> -> memref<640xf32, #tpu.memory_space<vmem_shared>>
      tpu.wait_dma2 semaphore(%run_scoped3A_84 : memref<!tpu.dma_semaphore, #tpu.memory_space<semaphore_mem>>) src(%dma_wait3A_110 : memref<640xf32, #tpu.memory_space<vmem_shared>>) dst(%dma_wait3A_106 : memref<640xf32, #tpu.memory_space<vmem>>)
      tpu.yield
    }) : () -> ()
    %mul3A_40 = arith.constant 640 : i32
    %mul3A_41 = arith.muli %arg1, %mul3A_40 : i32
    %run_scoped3A_42 = arith.constant 7 : i32
    %run_scoped3A_43 = arith.constant 7 : i32
    "tpu.region"() ({
      %run_scoped3A_84 = tpu.sem_alloc : memref<!tpu.dma_semaphore, #tpu.memory_space<semaphore_mem>>
      %dma_start3A = arith.constant 0 : i32
      %dma_start3A_85 = tpu.memref_slice %arg6[%run_scoped3A_43, %dma_start3A] : memref<16x640xf32, #tpu.memory_space<vmem>> -> memref<1x640xf32, #tpu.memory_space<vmem>>
      %dma_start3A_86 = tpu.memref_squeeze %dma_start3A_85 : memref<1x640xf32, #tpu.memory_space<vmem>> -> memref<640xf32, #tpu.memory_space<vmem>>
      %dma_start3A_87 = arith.constant 0 : i32
      %dma_start3A_88 = tpu.memref_slice %arg9[%run_scoped3A_42, %dma_start3A_87] : memref<16x10240xf32, #tpu.memory_space<vmem_shared>> -> memref<1x10240xf32, #tpu.memory_space<vmem_shared>>
      %dma_start3A_89 = tpu.memref_squeeze %dma_start3A_88 : memref<1x10240xf32, #tpu.memory_space<vmem_shared>> -> memref<10240xf32, #tpu.memory_space<vmem_shared>>
      %dma_start3A_90 = tpu.memref_slice %dma_start3A_89[%mul3A_41] : memref<10240xf32, #tpu.memory_space<vmem_shared>> -> memref<640xf32, #tpu.memory_space<vmem_shared>>
      %dma_start3A_91 = arith.constant 0 : i32
      %dma_start3A_92 = tpu.memref_slice %arg6[%run_scoped3A_43, %dma_start3A_91] : memref<16x640xf32, #tpu.memory_space<vmem>> -> memref<1x640xf32, #tpu.memory_space<vmem>>
      %dma_start3A_93 = tpu.memref_squeeze %dma_start3A_92 : memref<1x640xf32, #tpu.memory_space<vmem>> -> memref<640xf32, #tpu.memory_space<vmem>>
      %dma_start3A_94 = arith.constant 0 : i32
      %dma_start3A_95 = tpu.memref_slice %arg9[%run_scoped3A_42, %dma_start3A_94] : memref<16x10240xf32, #tpu.memory_space<vmem_shared>> -> memref<1x10240xf32, #tpu.memory_space<vmem_shared>>
      %dma_start3A_96 = tpu.memref_squeeze %dma_start3A_95 : memref<1x10240xf32, #tpu.memory_space<vmem_shared>> -> memref<10240xf32, #tpu.memory_space<vmem_shared>>
      %dma_start3A_97 = tpu.memref_slice %dma_start3A_96[%mul3A_41] : memref<10240xf32, #tpu.memory_space<vmem_shared>> -> memref<640xf32, #tpu.memory_space<vmem_shared>>
      tpu.enqueue_dma source(%dma_start3A_97 : memref<640xf32, #tpu.memory_space<vmem_shared>>) target(%dma_start3A_93 : memref<640xf32, #tpu.memory_space<vmem>>) target_semaphore(%run_scoped3A_84 : memref<!tpu.dma_semaphore, #tpu.memory_space<semaphore_mem>>)
      %dma_wait3A = arith.constant 0 : i32
      %dma_wait3A_98 = tpu.memref_slice %arg6[%run_scoped3A_43, %dma_wait3A] : memref<16x640xf32, #tpu.memory_space<vmem>> -> memref<1x640xf32, #tpu.memory_space<vmem>>
      %dma_wait3A_99 = tpu.memref_squeeze %dma_wait3A_98 : memref<1x640xf32, #tpu.memory_space<vmem>> -> memref<640xf32, #tpu.memory_space<vmem>>
      %dma_wait3A_100 = arith.constant 0 : i32
      %dma_wait3A_101 = tpu.memref_slice %arg9[%run_scoped3A_42, %dma_wait3A_100] : memref<16x10240xf32, #tpu.memory_space<vmem_shared>> -> memref<1x10240xf32, #tpu.memory_space<vmem_shared>>
      %dma_wait3A_102 = tpu.memref_squeeze %dma_wait3A_101 : memref<1x10240xf32, #tpu.memory_space<vmem_shared>> -> memref<10240xf32, #tpu.memory_space<vmem_shared>>
      %dma_wait3A_103 = tpu.memref_slice %dma_wait3A_102[%mul3A_41] : memref<10240xf32, #tpu.memory_space<vmem_shared>> -> memref<640xf32, #tpu.memory_space<vmem_shared>>
      %dma_wait3A_104 = arith.constant 0 : i32
      %dma_wait3A_105 = tpu.memref_slice %arg6[%run_scoped3A_43, %dma_wait3A_104] : memref<16x640xf32, #tpu.memory_space<vmem>> -> memref<1x640xf32, #tpu.memory_space<vmem>>
      %dma_wait3A_106 = tpu.memref_squeeze %dma_wait3A_105 : memref<1x640xf32, #tpu.memory_space<vmem>> -> memref<640xf32, #tpu.memory_space<vmem>>
      %dma_wait3A_107 = arith.constant 0 : i32
      %dma_wait3A_108 = tpu.memref_slice %arg9[%run_scoped3A_42, %dma_wait3A_107] : memref<16x10240xf32, #tpu.memory_space<vmem_shared>> -> memref<1x10240xf32, #tpu.memory_space<vmem_shared>>
      %dma_wait3A_109 = tpu.memref_squeeze %dma_wait3A_108 : memref<1x10240xf32, #tpu.memory_space<vmem_shared>> -> memref<10240xf32, #tpu.memory_space<vmem_shared>>
      %dma_wait3A_110 = tpu.memref_slice %dma_wait3A_109[%mul3A_41] : memref<10240xf32, #tpu.memory_space<vmem_shared>> -> memref<640xf32, #tpu.memory_space<vmem_shared>>
      tpu.wait_dma2 semaphore(%run_scoped3A_84 : memref<!tpu.dma_semaphore, #tpu.memory_space<semaphore_mem>>) src(%dma_wait3A_110 : memref<640xf32, #tpu.memory_space<vmem_shared>>) dst(%dma_wait3A_106 : memref<640xf32, #tpu.memory_space<vmem>>)
      tpu.yield
    }) : () -> ()
    %mul3A_44 = arith.constant 640 : i32
    %mul3A_45 = arith.muli %arg1, %mul3A_44 : i32
    %run_scoped3A_46 = arith.constant 8 : i32
    %run_scoped3A_47 = arith.constant 8 : i32
    "tpu.region"() ({
      %run_scoped3A_84 = tpu.sem_alloc : memref<!tpu.dma_semaphore, #tpu.memory_space<semaphore_mem>>
      %dma_start3A = arith.constant 0 : i32
      %dma_start3A_85 = tpu.memref_slice %arg6[%run_scoped3A_47, %dma_start3A] : memref<16x640xf32, #tpu.memory_space<vmem>> -> memref<1x640xf32, #tpu.memory_space<vmem>>
      %dma_start3A_86 = tpu.memref_squeeze %dma_start3A_85 : memref<1x640xf32, #tpu.memory_space<vmem>> -> memref<640xf32, #tpu.memory_space<vmem>>
      %dma_start3A_87 = arith.constant 0 : i32
      %dma_start3A_88 = tpu.memref_slice %arg9[%run_scoped3A_46, %dma_start3A_87] : memref<16x10240xf32, #tpu.memory_space<vmem_shared>> -> memref<1x10240xf32, #tpu.memory_space<vmem_shared>>
      %dma_start3A_89 = tpu.memref_squeeze %dma_start3A_88 : memref<1x10240xf32, #tpu.memory_space<vmem_shared>> -> memref<10240xf32, #tpu.memory_space<vmem_shared>>
      %dma_start3A_90 = tpu.memref_slice %dma_start3A_89[%mul3A_45] : memref<10240xf32, #tpu.memory_space<vmem_shared>> -> memref<640xf32, #tpu.memory_space<vmem_shared>>
      %dma_start3A_91 = arith.constant 0 : i32
      %dma_start3A_92 = tpu.memref_slice %arg6[%run_scoped3A_47, %dma_start3A_91] : memref<16x640xf32, #tpu.memory_space<vmem>> -> memref<1x640xf32, #tpu.memory_space<vmem>>
      %dma_start3A_93 = tpu.memref_squeeze %dma_start3A_92 : memref<1x640xf32, #tpu.memory_space<vmem>> -> memref<640xf32, #tpu.memory_space<vmem>>
      %dma_start3A_94 = arith.constant 0 : i32
      %dma_start3A_95 = tpu.memref_slice %arg9[%run_scoped3A_46, %dma_start3A_94] : memref<16x10240xf32, #tpu.memory_space<vmem_shared>> -> memref<1x10240xf32, #tpu.memory_space<vmem_shared>>
      %dma_start3A_96 = tpu.memref_squeeze %dma_start3A_95 : memref<1x10240xf32, #tpu.memory_space<vmem_shared>> -> memref<10240xf32, #tpu.memory_space<vmem_shared>>
      %dma_start3A_97 = tpu.memref_slice %dma_start3A_96[%mul3A_45] : memref<10240xf32, #tpu.memory_space<vmem_shared>> -> memref<640xf32, #tpu.memory_space<vmem_shared>>
      tpu.enqueue_dma source(%dma_start3A_97 : memref<640xf32, #tpu.memory_space<vmem_shared>>) target(%dma_start3A_93 : memref<640xf32, #tpu.memory_space<vmem>>) target_semaphore(%run_scoped3A_84 : memref<!tpu.dma_semaphore, #tpu.memory_space<semaphore_mem>>)
      %dma_wait3A = arith.constant 0 : i32
      %dma_wait3A_98 = tpu.memref_slice %arg6[%run_scoped3A_47, %dma_wait3A] : memref<16x640xf32, #tpu.memory_space<vmem>> -> memref<1x640xf32, #tpu.memory_space<vmem>>
      %dma_wait3A_99 = tpu.memref_squeeze %dma_wait3A_98 : memref<1x640xf32, #tpu.memory_space<vmem>> -> memref<640xf32, #tpu.memory_space<vmem>>
      %dma_wait3A_100 = arith.constant 0 : i32
      %dma_wait3A_101 = tpu.memref_slice %arg9[%run_scoped3A_46, %dma_wait3A_100] : memref<16x10240xf32, #tpu.memory_space<vmem_shared>> -> memref<1x10240xf32, #tpu.memory_space<vmem_shared>>
      %dma_wait3A_102 = tpu.memref_squeeze %dma_wait3A_101 : memref<1x10240xf32, #tpu.memory_space<vmem_shared>> -> memref<10240xf32, #tpu.memory_space<vmem_shared>>
      %dma_wait3A_103 = tpu.memref_slice %dma_wait3A_102[%mul3A_45] : memref<10240xf32, #tpu.memory_space<vmem_shared>> -> memref<640xf32, #tpu.memory_space<vmem_shared>>
      %dma_wait3A_104 = arith.constant 0 : i32
      %dma_wait3A_105 = tpu.memref_slice %arg6[%run_scoped3A_47, %dma_wait3A_104] : memref<16x640xf32, #tpu.memory_space<vmem>> -> memref<1x640xf32, #tpu.memory_space<vmem>>
      %dma_wait3A_106 = tpu.memref_squeeze %dma_wait3A_105 : memref<1x640xf32, #tpu.memory_space<vmem>> -> memref<640xf32, #tpu.memory_space<vmem>>
      %dma_wait3A_107 = arith.constant 0 : i32
      %dma_wait3A_108 = tpu.memref_slice %arg9[%run_scoped3A_46, %dma_wait3A_107] : memref<16x10240xf32, #tpu.memory_space<vmem_shared>> -> memref<1x10240xf32, #tpu.memory_space<vmem_shared>>
      %dma_wait3A_109 = tpu.memref_squeeze %dma_wait3A_108 : memref<1x10240xf32, #tpu.memory_space<vmem_shared>> -> memref<10240xf32, #tpu.memory_space<vmem_shared>>
      %dma_wait3A_110 = tpu.memref_slice %dma_wait3A_109[%mul3A_45] : memref<10240xf32, #tpu.memory_space<vmem_shared>> -> memref<640xf32, #tpu.memory_space<vmem_shared>>
      tpu.wait_dma2 semaphore(%run_scoped3A_84 : memref<!tpu.dma_semaphore, #tpu.memory_space<semaphore_mem>>) src(%dma_wait3A_110 : memref<640xf32, #tpu.memory_space<vmem_shared>>) dst(%dma_wait3A_106 : memref<640xf32, #tpu.memory_space<vmem>>)
      tpu.yield
    }) : () -> ()
    %mul3A_48 = arith.constant 640 : i32
    %mul3A_49 = arith.muli %arg1, %mul3A_48 : i32
    %run_scoped3A_50 = arith.constant 9 : i32
    %run_scoped3A_51 = arith.constant 9 : i32
    "tpu.region"() ({
      %run_scoped3A_84 = tpu.sem_alloc : memref<!tpu.dma_semaphore, #tpu.memory_space<semaphore_mem>>
      %dma_start3A = arith.constant 0 : i32
      %dma_start3A_85 = tpu.memref_slice %arg6[%run_scoped3A_51, %dma_start3A] : memref<16x640xf32, #tpu.memory_space<vmem>> -> memref<1x640xf32, #tpu.memory_space<vmem>>
      %dma_start3A_86 = tpu.memref_squeeze %dma_start3A_85 : memref<1x640xf32, #tpu.memory_space<vmem>> -> memref<640xf32, #tpu.memory_space<vmem>>
      %dma_start3A_87 = arith.constant 0 : i32
      %dma_start3A_88 = tpu.memref_slice %arg9[%run_scoped3A_50, %dma_start3A_87] : memref<16x10240xf32, #tpu.memory_space<vmem_shared>> -> memref<1x10240xf32, #tpu.memory_space<vmem_shared>>
      %dma_start3A_89 = tpu.memref_squeeze %dma_start3A_88 : memref<1x10240xf32, #tpu.memory_space<vmem_shared>> -> memref<10240xf32, #tpu.memory_space<vmem_shared>>
      %dma_start3A_90 = tpu.memref_slice %dma_start3A_89[%mul3A_49] : memref<10240xf32, #tpu.memory_space<vmem_shared>> -> memref<640xf32, #tpu.memory_space<vmem_shared>>
      %dma_start3A_91 = arith.constant 0 : i32
      %dma_start3A_92 = tpu.memref_slice %arg6[%run_scoped3A_51, %dma_start3A_91] : memref<16x640xf32, #tpu.memory_space<vmem>> -> memref<1x640xf32, #tpu.memory_space<vmem>>
      %dma_start3A_93 = tpu.memref_squeeze %dma_start3A_92 : memref<1x640xf32, #tpu.memory_space<vmem>> -> memref<640xf32, #tpu.memory_space<vmem>>
      %dma_start3A_94 = arith.constant 0 : i32
      %dma_start3A_95 = tpu.memref_slice %arg9[%run_scoped3A_50, %dma_start3A_94] : memref<16x10240xf32, #tpu.memory_space<vmem_shared>> -> memref<1x10240xf32, #tpu.memory_space<vmem_shared>>
      %dma_start3A_96 = tpu.memref_squeeze %dma_start3A_95 : memref<1x10240xf32, #tpu.memory_space<vmem_shared>> -> memref<10240xf32, #tpu.memory_space<vmem_shared>>
      %dma_start3A_97 = tpu.memref_slice %dma_start3A_96[%mul3A_49] : memref<10240xf32, #tpu.memory_space<vmem_shared>> -> memref<640xf32, #tpu.memory_space<vmem_shared>>
      tpu.enqueue_dma source(%dma_start3A_97 : memref<640xf32, #tpu.memory_space<vmem_shared>>) target(%dma_start3A_93 : memref<640xf32, #tpu.memory_space<vmem>>) target_semaphore(%run_scoped3A_84 : memref<!tpu.dma_semaphore, #tpu.memory_space<semaphore_mem>>)
      %dma_wait3A = arith.constant 0 : i32
      %dma_wait3A_98 = tpu.memref_slice %arg6[%run_scoped3A_51, %dma_wait3A] : memref<16x640xf32, #tpu.memory_space<vmem>> -> memref<1x640xf32, #tpu.memory_space<vmem>>
      %dma_wait3A_99 = tpu.memref_squeeze %dma_wait3A_98 : memref<1x640xf32, #tpu.memory_space<vmem>> -> memref<640xf32, #tpu.memory_space<vmem>>
      %dma_wait3A_100 = arith.constant 0 : i32
      %dma_wait3A_101 = tpu.memref_slice %arg9[%run_scoped3A_50, %dma_wait3A_100] : memref<16x10240xf32, #tpu.memory_space<vmem_shared>> -> memref<1x10240xf32, #tpu.memory_space<vmem_shared>>
      %dma_wait3A_102 = tpu.memref_squeeze %dma_wait3A_101 : memref<1x10240xf32, #tpu.memory_space<vmem_shared>> -> memref<10240xf32, #tpu.memory_space<vmem_shared>>
      %dma_wait3A_103 = tpu.memref_slice %dma_wait3A_102[%mul3A_49] : memref<10240xf32, #tpu.memory_space<vmem_shared>> -> memref<640xf32, #tpu.memory_space<vmem_shared>>
      %dma_wait3A_104 = arith.constant 0 : i32
      %dma_wait3A_105 = tpu.memref_slice %arg6[%run_scoped3A_51, %dma_wait3A_104] : memref<16x640xf32, #tpu.memory_space<vmem>> -> memref<1x640xf32, #tpu.memory_space<vmem>>
      %dma_wait3A_106 = tpu.memref_squeeze %dma_wait3A_105 : memref<1x640xf32, #tpu.memory_space<vmem>> -> memref<640xf32, #tpu.memory_space<vmem>>
      %dma_wait3A_107 = arith.constant 0 : i32
      %dma_wait3A_108 = tpu.memref_slice %arg9[%run_scoped3A_50, %dma_wait3A_107] : memref<16x10240xf32, #tpu.memory_space<vmem_shared>> -> memref<1x10240xf32, #tpu.memory_space<vmem_shared>>
      %dma_wait3A_109 = tpu.memref_squeeze %dma_wait3A_108 : memref<1x10240xf32, #tpu.memory_space<vmem_shared>> -> memref<10240xf32, #tpu.memory_space<vmem_shared>>
      %dma_wait3A_110 = tpu.memref_slice %dma_wait3A_109[%mul3A_49] : memref<10240xf32, #tpu.memory_space<vmem_shared>> -> memref<640xf32, #tpu.memory_space<vmem_shared>>
      tpu.wait_dma2 semaphore(%run_scoped3A_84 : memref<!tpu.dma_semaphore, #tpu.memory_space<semaphore_mem>>) src(%dma_wait3A_110 : memref<640xf32, #tpu.memory_space<vmem_shared>>) dst(%dma_wait3A_106 : memref<640xf32, #tpu.memory_space<vmem>>)
      tpu.yield
    }) : () -> ()
    %mul3A_52 = arith.constant 640 : i32
    %mul3A_53 = arith.muli %arg1, %mul3A_52 : i32
    %run_scoped3A_54 = arith.constant 10 : i32
    %run_scoped3A_55 = arith.constant 10 : i32
    "tpu.region"() ({
      %run_scoped3A_84 = tpu.sem_alloc : memref<!tpu.dma_semaphore, #tpu.memory_space<semaphore_mem>>
      %dma_start3A = arith.constant 0 : i32
      %dma_start3A_85 = tpu.memref_slice %arg6[%run_scoped3A_55, %dma_start3A] : memref<16x640xf32, #tpu.memory_space<vmem>> -> memref<1x640xf32, #tpu.memory_space<vmem>>
      %dma_start3A_86 = tpu.memref_squeeze %dma_start3A_85 : memref<1x640xf32, #tpu.memory_space<vmem>> -> memref<640xf32, #tpu.memory_space<vmem>>
      %dma_start3A_87 = arith.constant 0 : i32
      %dma_start3A_88 = tpu.memref_slice %arg9[%run_scoped3A_54, %dma_start3A_87] : memref<16x10240xf32, #tpu.memory_space<vmem_shared>> -> memref<1x10240xf32, #tpu.memory_space<vmem_shared>>
      %dma_start3A_89 = tpu.memref_squeeze %dma_start3A_88 : memref<1x10240xf32, #tpu.memory_space<vmem_shared>> -> memref<10240xf32, #tpu.memory_space<vmem_shared>>
      %dma_start3A_90 = tpu.memref_slice %dma_start3A_89[%mul3A_53] : memref<10240xf32, #tpu.memory_space<vmem_shared>> -> memref<640xf32, #tpu.memory_space<vmem_shared>>
      %dma_start3A_91 = arith.constant 0 : i32
      %dma_start3A_92 = tpu.memref_slice %arg6[%run_scoped3A_55, %dma_start3A_91] : memref<16x640xf32, #tpu.memory_space<vmem>> -> memref<1x640xf32, #tpu.memory_space<vmem>>
      %dma_start3A_93 = tpu.memref_squeeze %dma_start3A_92 : memref<1x640xf32, #tpu.memory_space<vmem>> -> memref<640xf32, #tpu.memory_space<vmem>>
      %dma_start3A_94 = arith.constant 0 : i32
      %dma_start3A_95 = tpu.memref_slice %arg9[%run_scoped3A_54, %dma_start3A_94] : memref<16x10240xf32, #tpu.memory_space<vmem_shared>> -> memref<1x10240xf32, #tpu.memory_space<vmem_shared>>
      %dma_start3A_96 = tpu.memref_squeeze %dma_start3A_95 : memref<1x10240xf32, #tpu.memory_space<vmem_shared>> -> memref<10240xf32, #tpu.memory_space<vmem_shared>>
      %dma_start3A_97 = tpu.memref_slice %dma_start3A_96[%mul3A_53] : memref<10240xf32, #tpu.memory_space<vmem_shared>> -> memref<640xf32, #tpu.memory_space<vmem_shared>>
      tpu.enqueue_dma source(%dma_start3A_97 : memref<640xf32, #tpu.memory_space<vmem_shared>>) target(%dma_start3A_93 : memref<640xf32, #tpu.memory_space<vmem>>) target_semaphore(%run_scoped3A_84 : memref<!tpu.dma_semaphore, #tpu.memory_space<semaphore_mem>>)
      %dma_wait3A = arith.constant 0 : i32
      %dma_wait3A_98 = tpu.memref_slice %arg6[%run_scoped3A_55, %dma_wait3A] : memref<16x640xf32, #tpu.memory_space<vmem>> -> memref<1x640xf32, #tpu.memory_space<vmem>>
      %dma_wait3A_99 = tpu.memref_squeeze %dma_wait3A_98 : memref<1x640xf32, #tpu.memory_space<vmem>> -> memref<640xf32, #tpu.memory_space<vmem>>
      %dma_wait3A_100 = arith.constant 0 : i32
      %dma_wait3A_101 = tpu.memref_slice %arg9[%run_scoped3A_54, %dma_wait3A_100] : memref<16x10240xf32, #tpu.memory_space<vmem_shared>> -> memref<1x10240xf32, #tpu.memory_space<vmem_shared>>
      %dma_wait3A_102 = tpu.memref_squeeze %dma_wait3A_101 : memref<1x10240xf32, #tpu.memory_space<vmem_shared>> -> memref<10240xf32, #tpu.memory_space<vmem_shared>>
      %dma_wait3A_103 = tpu.memref_slice %dma_wait3A_102[%mul3A_53] : memref<10240xf32, #tpu.memory_space<vmem_shared>> -> memref<640xf32, #tpu.memory_space<vmem_shared>>
      %dma_wait3A_104 = arith.constant 0 : i32
      %dma_wait3A_105 = tpu.memref_slice %arg6[%run_scoped3A_55, %dma_wait3A_104] : memref<16x640xf32, #tpu.memory_space<vmem>> -> memref<1x640xf32, #tpu.memory_space<vmem>>
      %dma_wait3A_106 = tpu.memref_squeeze %dma_wait3A_105 : memref<1x640xf32, #tpu.memory_space<vmem>> -> memref<640xf32, #tpu.memory_space<vmem>>
      %dma_wait3A_107 = arith.constant 0 : i32
      %dma_wait3A_108 = tpu.memref_slice %arg9[%run_scoped3A_54, %dma_wait3A_107] : memref<16x10240xf32, #tpu.memory_space<vmem_shared>> -> memref<1x10240xf32, #tpu.memory_space<vmem_shared>>
      %dma_wait3A_109 = tpu.memref_squeeze %dma_wait3A_108 : memref<1x10240xf32, #tpu.memory_space<vmem_shared>> -> memref<10240xf32, #tpu.memory_space<vmem_shared>>
      %dma_wait3A_110 = tpu.memref_slice %dma_wait3A_109[%mul3A_53] : memref<10240xf32, #tpu.memory_space<vmem_shared>> -> memref<640xf32, #tpu.memory_space<vmem_shared>>
      tpu.wait_dma2 semaphore(%run_scoped3A_84 : memref<!tpu.dma_semaphore, #tpu.memory_space<semaphore_mem>>) src(%dma_wait3A_110 : memref<640xf32, #tpu.memory_space<vmem_shared>>) dst(%dma_wait3A_106 : memref<640xf32, #tpu.memory_space<vmem>>)
      tpu.yield
    }) : () -> ()
    %mul3A_56 = arith.constant 640 : i32
    %mul3A_57 = arith.muli %arg1, %mul3A_56 : i32
    %run_scoped3A_58 = arith.constant 11 : i32
    %run_scoped3A_59 = arith.constant 11 : i32
    "tpu.region"() ({
      %run_scoped3A_84 = tpu.sem_alloc : memref<!tpu.dma_semaphore, #tpu.memory_space<semaphore_mem>>
      %dma_start3A = arith.constant 0 : i32
      %dma_start3A_85 = tpu.memref_slice %arg6[%run_scoped3A_59, %dma_start3A] : memref<16x640xf32, #tpu.memory_space<vmem>> -> memref<1x640xf32, #tpu.memory_space<vmem>>
      %dma_start3A_86 = tpu.memref_squeeze %dma_start3A_85 : memref<1x640xf32, #tpu.memory_space<vmem>> -> memref<640xf32, #tpu.memory_space<vmem>>
      %dma_start3A_87 = arith.constant 0 : i32
      %dma_start3A_88 = tpu.memref_slice %arg9[%run_scoped3A_58, %dma_start3A_87] : memref<16x10240xf32, #tpu.memory_space<vmem_shared>> -> memref<1x10240xf32, #tpu.memory_space<vmem_shared>>
      %dma_start3A_89 = tpu.memref_squeeze %dma_start3A_88 : memref<1x10240xf32, #tpu.memory_space<vmem_shared>> -> memref<10240xf32, #tpu.memory_space<vmem_shared>>
      %dma_start3A_90 = tpu.memref_slice %dma_start3A_89[%mul3A_57] : memref<10240xf32, #tpu.memory_space<vmem_shared>> -> memref<640xf32, #tpu.memory_space<vmem_shared>>
      %dma_start3A_91 = arith.constant 0 : i32
      %dma_start3A_92 = tpu.memref_slice %arg6[%run_scoped3A_59, %dma_start3A_91] : memref<16x640xf32, #tpu.memory_space<vmem>> -> memref<1x640xf32, #tpu.memory_space<vmem>>
      %dma_start3A_93 = tpu.memref_squeeze %dma_start3A_92 : memref<1x640xf32, #tpu.memory_space<vmem>> -> memref<640xf32, #tpu.memory_space<vmem>>
      %dma_start3A_94 = arith.constant 0 : i32
      %dma_start3A_95 = tpu.memref_slice %arg9[%run_scoped3A_58, %dma_start3A_94] : memref<16x10240xf32, #tpu.memory_space<vmem_shared>> -> memref<1x10240xf32, #tpu.memory_space<vmem_shared>>
      %dma_start3A_96 = tpu.memref_squeeze %dma_start3A_95 : memref<1x10240xf32, #tpu.memory_space<vmem_shared>> -> memref<10240xf32, #tpu.memory_space<vmem_shared>>
      %dma_start3A_97 = tpu.memref_slice %dma_start3A_96[%mul3A_57] : memref<10240xf32, #tpu.memory_space<vmem_shared>> -> memref<640xf32, #tpu.memory_space<vmem_shared>>
      tpu.enqueue_dma source(%dma_start3A_97 : memref<640xf32, #tpu.memory_space<vmem_shared>>) target(%dma_start3A_93 : memref<640xf32, #tpu.memory_space<vmem>>) target_semaphore(%run_scoped3A_84 : memref<!tpu.dma_semaphore, #tpu.memory_space<semaphore_mem>>)
      %dma_wait3A = arith.constant 0 : i32
      %dma_wait3A_98 = tpu.memref_slice %arg6[%run_scoped3A_59, %dma_wait3A] : memref<16x640xf32, #tpu.memory_space<vmem>> -> memref<1x640xf32, #tpu.memory_space<vmem>>
      %dma_wait3A_99 = tpu.memref_squeeze %dma_wait3A_98 : memref<1x640xf32, #tpu.memory_space<vmem>> -> memref<640xf32, #tpu.memory_space<vmem>>
      %dma_wait3A_100 = arith.constant 0 : i32
      %dma_wait3A_101 = tpu.memref_slice %arg9[%run_scoped3A_58, %dma_wait3A_100] : memref<16x10240xf32, #tpu.memory_space<vmem_shared>> -> memref<1x10240xf32, #tpu.memory_space<vmem_shared>>
      %dma_wait3A_102 = tpu.memref_squeeze %dma_wait3A_101 : memref<1x10240xf32, #tpu.memory_space<vmem_shared>> -> memref<10240xf32, #tpu.memory_space<vmem_shared>>
      %dma_wait3A_103 = tpu.memref_slice %dma_wait3A_102[%mul3A_57] : memref<10240xf32, #tpu.memory_space<vmem_shared>> -> memref<640xf32, #tpu.memory_space<vmem_shared>>
      %dma_wait3A_104 = arith.constant 0 : i32
      %dma_wait3A_105 = tpu.memref_slice %arg6[%run_scoped3A_59, %dma_wait3A_104] : memref<16x640xf32, #tpu.memory_space<vmem>> -> memref<1x640xf32, #tpu.memory_space<vmem>>
      %dma_wait3A_106 = tpu.memref_squeeze %dma_wait3A_105 : memref<1x640xf32, #tpu.memory_space<vmem>> -> memref<640xf32, #tpu.memory_space<vmem>>
      %dma_wait3A_107 = arith.constant 0 : i32
      %dma_wait3A_108 = tpu.memref_slice %arg9[%run_scoped3A_58, %dma_wait3A_107] : memref<16x10240xf32, #tpu.memory_space<vmem_shared>> -> memref<1x10240xf32, #tpu.memory_space<vmem_shared>>
      %dma_wait3A_109 = tpu.memref_squeeze %dma_wait3A_108 : memref<1x10240xf32, #tpu.memory_space<vmem_shared>> -> memref<10240xf32, #tpu.memory_space<vmem_shared>>
      %dma_wait3A_110 = tpu.memref_slice %dma_wait3A_109[%mul3A_57] : memref<10240xf32, #tpu.memory_space<vmem_shared>> -> memref<640xf32, #tpu.memory_space<vmem_shared>>
      tpu.wait_dma2 semaphore(%run_scoped3A_84 : memref<!tpu.dma_semaphore, #tpu.memory_space<semaphore_mem>>) src(%dma_wait3A_110 : memref<640xf32, #tpu.memory_space<vmem_shared>>) dst(%dma_wait3A_106 : memref<640xf32, #tpu.memory_space<vmem>>)
      tpu.yield
    }) : () -> ()
    %mul3A_60 = arith.constant 640 : i32
    %mul3A_61 = arith.muli %arg1, %mul3A_60 : i32
    %run_scoped3A_62 = arith.constant 12 : i32
    %run_scoped3A_63 = arith.constant 12 : i32
    "tpu.region"() ({
      %run_scoped3A_84 = tpu.sem_alloc : memref<!tpu.dma_semaphore, #tpu.memory_space<semaphore_mem>>
      %dma_start3A = arith.constant 0 : i32
      %dma_start3A_85 = tpu.memref_slice %arg6[%run_scoped3A_63, %dma_start3A] : memref<16x640xf32, #tpu.memory_space<vmem>> -> memref<1x640xf32, #tpu.memory_space<vmem>>
      %dma_start3A_86 = tpu.memref_squeeze %dma_start3A_85 : memref<1x640xf32, #tpu.memory_space<vmem>> -> memref<640xf32, #tpu.memory_space<vmem>>
      %dma_start3A_87 = arith.constant 0 : i32
      %dma_start3A_88 = tpu.memref_slice %arg9[%run_scoped3A_62, %dma_start3A_87] : memref<16x10240xf32, #tpu.memory_space<vmem_shared>> -> memref<1x10240xf32, #tpu.memory_space<vmem_shared>>
      %dma_start3A_89 = tpu.memref_squeeze %dma_start3A_88 : memref<1x10240xf32, #tpu.memory_space<vmem_shared>> -> memref<10240xf32, #tpu.memory_space<vmem_shared>>
      %dma_start3A_90 = tpu.memref_slice %dma_start3A_89[%mul3A_61] : memref<10240xf32, #tpu.memory_space<vmem_shared>> -> memref<640xf32, #tpu.memory_space<vmem_shared>>
      %dma_start3A_91 = arith.constant 0 : i32
      %dma_start3A_92 = tpu.memref_slice %arg6[%run_scoped3A_63, %dma_start3A_91] : memref<16x640xf32, #tpu.memory_space<vmem>> -> memref<1x640xf32, #tpu.memory_space<vmem>>
      %dma_start3A_93 = tpu.memref_squeeze %dma_start3A_92 : memref<1x640xf32, #tpu.memory_space<vmem>> -> memref<640xf32, #tpu.memory_space<vmem>>
      %dma_start3A_94 = arith.constant 0 : i32
      %dma_start3A_95 = tpu.memref_slice %arg9[%run_scoped3A_62, %dma_start3A_94] : memref<16x10240xf32, #tpu.memory_space<vmem_shared>> -> memref<1x10240xf32, #tpu.memory_space<vmem_shared>>
      %dma_start3A_96 = tpu.memref_squeeze %dma_start3A_95 : memref<1x10240xf32, #tpu.memory_space<vmem_shared>> -> memref<10240xf32, #tpu.memory_space<vmem_shared>>
      %dma_start3A_97 = tpu.memref_slice %dma_start3A_96[%mul3A_61] : memref<10240xf32, #tpu.memory_space<vmem_shared>> -> memref<640xf32, #tpu.memory_space<vmem_shared>>
      tpu.enqueue_dma source(%dma_start3A_97 : memref<640xf32, #tpu.memory_space<vmem_shared>>) target(%dma_start3A_93 : memref<640xf32, #tpu.memory_space<vmem>>) target_semaphore(%run_scoped3A_84 : memref<!tpu.dma_semaphore, #tpu.memory_space<semaphore_mem>>)
      %dma_wait3A = arith.constant 0 : i32
      %dma_wait3A_98 = tpu.memref_slice %arg6[%run_scoped3A_63, %dma_wait3A] : memref<16x640xf32, #tpu.memory_space<vmem>> -> memref<1x640xf32, #tpu.memory_space<vmem>>
      %dma_wait3A_99 = tpu.memref_squeeze %dma_wait3A_98 : memref<1x640xf32, #tpu.memory_space<vmem>> -> memref<640xf32, #tpu.memory_space<vmem>>
      %dma_wait3A_100 = arith.constant 0 : i32
      %dma_wait3A_101 = tpu.memref_slice %arg9[%run_scoped3A_62, %dma_wait3A_100] : memref<16x10240xf32, #tpu.memory_space<vmem_shared>> -> memref<1x10240xf32, #tpu.memory_space<vmem_shared>>
      %dma_wait3A_102 = tpu.memref_squeeze %dma_wait3A_101 : memref<1x10240xf32, #tpu.memory_space<vmem_shared>> -> memref<10240xf32, #tpu.memory_space<vmem_shared>>
      %dma_wait3A_103 = tpu.memref_slice %dma_wait3A_102[%mul3A_61] : memref<10240xf32, #tpu.memory_space<vmem_shared>> -> memref<640xf32, #tpu.memory_space<vmem_shared>>
      %dma_wait3A_104 = arith.constant 0 : i32
      %dma_wait3A_105 = tpu.memref_slice %arg6[%run_scoped3A_63, %dma_wait3A_104] : memref<16x640xf32, #tpu.memory_space<vmem>> -> memref<1x640xf32, #tpu.memory_space<vmem>>
      %dma_wait3A_106 = tpu.memref_squeeze %dma_wait3A_105 : memref<1x640xf32, #tpu.memory_space<vmem>> -> memref<640xf32, #tpu.memory_space<vmem>>
      %dma_wait3A_107 = arith.constant 0 : i32
      %dma_wait3A_108 = tpu.memref_slice %arg9[%run_scoped3A_62, %dma_wait3A_107] : memref<16x10240xf32, #tpu.memory_space<vmem_shared>> -> memref<1x10240xf32, #tpu.memory_space<vmem_shared>>
      %dma_wait3A_109 = tpu.memref_squeeze %dma_wait3A_108 : memref<1x10240xf32, #tpu.memory_space<vmem_shared>> -> memref<10240xf32, #tpu.memory_space<vmem_shared>>
      %dma_wait3A_110 = tpu.memref_slice %dma_wait3A_109[%mul3A_61] : memref<10240xf32, #tpu.memory_space<vmem_shared>> -> memref<640xf32, #tpu.memory_space<vmem_shared>>
      tpu.wait_dma2 semaphore(%run_scoped3A_84 : memref<!tpu.dma_semaphore, #tpu.memory_space<semaphore_mem>>) src(%dma_wait3A_110 : memref<640xf32, #tpu.memory_space<vmem_shared>>) dst(%dma_wait3A_106 : memref<640xf32, #tpu.memory_space<vmem>>)
      tpu.yield
    }) : () -> ()
    %mul3A_64 = arith.constant 640 : i32
    %mul3A_65 = arith.muli %arg1, %mul3A_64 : i32
    %run_scoped3A_66 = arith.constant 13 : i32
    %run_scoped3A_67 = arith.constant 13 : i32
    "tpu.region"() ({
      %run_scoped3A_84 = tpu.sem_alloc : memref<!tpu.dma_semaphore, #tpu.memory_space<semaphore_mem>>
      %dma_start3A = arith.constant 0 : i32
      %dma_start3A_85 = tpu.memref_slice %arg6[%run_scoped3A_67, %dma_start3A] : memref<16x640xf32, #tpu.memory_space<vmem>> -> memref<1x640xf32, #tpu.memory_space<vmem>>
      %dma_start3A_86 = tpu.memref_squeeze %dma_start3A_85 : memref<1x640xf32, #tpu.memory_space<vmem>> -> memref<640xf32, #tpu.memory_space<vmem>>
      %dma_start3A_87 = arith.constant 0 : i32
      %dma_start3A_88 = tpu.memref_slice %arg9[%run_scoped3A_66, %dma_start3A_87] : memref<16x10240xf32, #tpu.memory_space<vmem_shared>> -> memref<1x10240xf32, #tpu.memory_space<vmem_shared>>
      %dma_start3A_89 = tpu.memref_squeeze %dma_start3A_88 : memref<1x10240xf32, #tpu.memory_space<vmem_shared>> -> memref<10240xf32, #tpu.memory_space<vmem_shared>>
      %dma_start3A_90 = tpu.memref_slice %dma_start3A_89[%mul3A_65] : memref<10240xf32, #tpu.memory_space<vmem_shared>> -> memref<640xf32, #tpu.memory_space<vmem_shared>>
      %dma_start3A_91 = arith.constant 0 : i32
      %dma_start3A_92 = tpu.memref_slice %arg6[%run_scoped3A_67, %dma_start3A_91] : memref<16x640xf32, #tpu.memory_space<vmem>> -> memref<1x640xf32, #tpu.memory_space<vmem>>
      %dma_start3A_93 = tpu.memref_squeeze %dma_start3A_92 : memref<1x640xf32, #tpu.memory_space<vmem>> -> memref<640xf32, #tpu.memory_space<vmem>>
      %dma_start3A_94 = arith.constant 0 : i32
      %dma_start3A_95 = tpu.memref_slice %arg9[%run_scoped3A_66, %dma_start3A_94] : memref<16x10240xf32, #tpu.memory_space<vmem_shared>> -> memref<1x10240xf32, #tpu.memory_space<vmem_shared>>
      %dma_start3A_96 = tpu.memref_squeeze %dma_start3A_95 : memref<1x10240xf32, #tpu.memory_space<vmem_shared>> -> memref<10240xf32, #tpu.memory_space<vmem_shared>>
      %dma_start3A_97 = tpu.memref_slice %dma_start3A_96[%mul3A_65] : memref<10240xf32, #tpu.memory_space<vmem_shared>> -> memref<640xf32, #tpu.memory_space<vmem_shared>>
      tpu.enqueue_dma source(%dma_start3A_97 : memref<640xf32, #tpu.memory_space<vmem_shared>>) target(%dma_start3A_93 : memref<640xf32, #tpu.memory_space<vmem>>) target_semaphore(%run_scoped3A_84 : memref<!tpu.dma_semaphore, #tpu.memory_space<semaphore_mem>>)
      %dma_wait3A = arith.constant 0 : i32
      %dma_wait3A_98 = tpu.memref_slice %arg6[%run_scoped3A_67, %dma_wait3A] : memref<16x640xf32, #tpu.memory_space<vmem>> -> memref<1x640xf32, #tpu.memory_space<vmem>>
      %dma_wait3A_99 = tpu.memref_squeeze %dma_wait3A_98 : memref<1x640xf32, #tpu.memory_space<vmem>> -> memref<640xf32, #tpu.memory_space<vmem>>
      %dma_wait3A_100 = arith.constant 0 : i32
      %dma_wait3A_101 = tpu.memref_slice %arg9[%run_scoped3A_66, %dma_wait3A_100] : memref<16x10240xf32, #tpu.memory_space<vmem_shared>> -> memref<1x10240xf32, #tpu.memory_space<vmem_shared>>
      %dma_wait3A_102 = tpu.memref_squeeze %dma_wait3A_101 : memref<1x10240xf32, #tpu.memory_space<vmem_shared>> -> memref<10240xf32, #tpu.memory_space<vmem_shared>>
      %dma_wait3A_103 = tpu.memref_slice %dma_wait3A_102[%mul3A_65] : memref<10240xf32, #tpu.memory_space<vmem_shared>> -> memref<640xf32, #tpu.memory_space<vmem_shared>>
      %dma_wait3A_104 = arith.constant 0 : i32
      %dma_wait3A_105 = tpu.memref_slice %arg6[%run_scoped3A_67, %dma_wait3A_104] : memref<16x640xf32, #tpu.memory_space<vmem>> -> memref<1x640xf32, #tpu.memory_space<vmem>>
      %dma_wait3A_106 = tpu.memref_squeeze %dma_wait3A_105 : memref<1x640xf32, #tpu.memory_space<vmem>> -> memref<640xf32, #tpu.memory_space<vmem>>
      %dma_wait3A_107 = arith.constant 0 : i32
      %dma_wait3A_108 = tpu.memref_slice %arg9[%run_scoped3A_66, %dma_wait3A_107] : memref<16x10240xf32, #tpu.memory_space<vmem_shared>> -> memref<1x10240xf32, #tpu.memory_space<vmem_shared>>
      %dma_wait3A_109 = tpu.memref_squeeze %dma_wait3A_108 : memref<1x10240xf32, #tpu.memory_space<vmem_shared>> -> memref<10240xf32, #tpu.memory_space<vmem_shared>>
      %dma_wait3A_110 = tpu.memref_slice %dma_wait3A_109[%mul3A_65] : memref<10240xf32, #tpu.memory_space<vmem_shared>> -> memref<640xf32, #tpu.memory_space<vmem_shared>>
      tpu.wait_dma2 semaphore(%run_scoped3A_84 : memref<!tpu.dma_semaphore, #tpu.memory_space<semaphore_mem>>) src(%dma_wait3A_110 : memref<640xf32, #tpu.memory_space<vmem_shared>>) dst(%dma_wait3A_106 : memref<640xf32, #tpu.memory_space<vmem>>)
      tpu.yield
    }) : () -> ()
    %mul3A_68 = arith.constant 640 : i32
    %mul3A_69 = arith.muli %arg1, %mul3A_68 : i32
    %run_scoped3A_70 = arith.constant 14 : i32
    %run_scoped3A_71 = arith.constant 14 : i32
    "tpu.region"() ({
      %run_scoped3A_84 = tpu.sem_alloc : memref<!tpu.dma_semaphore, #tpu.memory_space<semaphore_mem>>
      %dma_start3A = arith.constant 0 : i32
      %dma_start3A_85 = tpu.memref_slice %arg6[%run_scoped3A_71, %dma_start3A] : memref<16x640xf32, #tpu.memory_space<vmem>> -> memref<1x640xf32, #tpu.memory_space<vmem>>
      %dma_start3A_86 = tpu.memref_squeeze %dma_start3A_85 : memref<1x640xf32, #tpu.memory_space<vmem>> -> memref<640xf32, #tpu.memory_space<vmem>>
      %dma_start3A_87 = arith.constant 0 : i32
      %dma_start3A_88 = tpu.memref_slice %arg9[%run_scoped3A_70, %dma_start3A_87] : memref<16x10240xf32, #tpu.memory_space<vmem_shared>> -> memref<1x10240xf32, #tpu.memory_space<vmem_shared>>
      %dma_start3A_89 = tpu.memref_squeeze %dma_start3A_88 : memref<1x10240xf32, #tpu.memory_space<vmem_shared>> -> memref<10240xf32, #tpu.memory_space<vmem_shared>>
      %dma_start3A_90 = tpu.memref_slice %dma_start3A_89[%mul3A_69] : memref<10240xf32, #tpu.memory_space<vmem_shared>> -> memref<640xf32, #tpu.memory_space<vmem_shared>>
      %dma_start3A_91 = arith.constant 0 : i32
      %dma_start3A_92 = tpu.memref_slice %arg6[%run_scoped3A_71, %dma_start3A_91] : memref<16x640xf32, #tpu.memory_space<vmem>> -> memref<1x640xf32, #tpu.memory_space<vmem>>
      %dma_start3A_93 = tpu.memref_squeeze %dma_start3A_92 : memref<1x640xf32, #tpu.memory_space<vmem>> -> memref<640xf32, #tpu.memory_space<vmem>>
      %dma_start3A_94 = arith.constant 0 : i32
      %dma_start3A_95 = tpu.memref_slice %arg9[%run_scoped3A_70, %dma_start3A_94] : memref<16x10240xf32, #tpu.memory_space<vmem_shared>> -> memref<1x10240xf32, #tpu.memory_space<vmem_shared>>
      %dma_start3A_96 = tpu.memref_squeeze %dma_start3A_95 : memref<1x10240xf32, #tpu.memory_space<vmem_shared>> -> memref<10240xf32, #tpu.memory_space<vmem_shared>>
      %dma_start3A_97 = tpu.memref_slice %dma_start3A_96[%mul3A_69] : memref<10240xf32, #tpu.memory_space<vmem_shared>> -> memref<640xf32, #tpu.memory_space<vmem_shared>>
      tpu.enqueue_dma source(%dma_start3A_97 : memref<640xf32, #tpu.memory_space<vmem_shared>>) target(%dma_start3A_93 : memref<640xf32, #tpu.memory_space<vmem>>) target_semaphore(%run_scoped3A_84 : memref<!tpu.dma_semaphore, #tpu.memory_space<semaphore_mem>>)
      %dma_wait3A = arith.constant 0 : i32
      %dma_wait3A_98 = tpu.memref_slice %arg6[%run_scoped3A_71, %dma_wait3A] : memref<16x640xf32, #tpu.memory_space<vmem>> -> memref<1x640xf32, #tpu.memory_space<vmem>>
      %dma_wait3A_99 = tpu.memref_squeeze %dma_wait3A_98 : memref<1x640xf32, #tpu.memory_space<vmem>> -> memref<640xf32, #tpu.memory_space<vmem>>
      %dma_wait3A_100 = arith.constant 0 : i32
      %dma_wait3A_101 = tpu.memref_slice %arg9[%run_scoped3A_70, %dma_wait3A_100] : memref<16x10240xf32, #tpu.memory_space<vmem_shared>> -> memref<1x10240xf32, #tpu.memory_space<vmem_shared>>
      %dma_wait3A_102 = tpu.memref_squeeze %dma_wait3A_101 : memref<1x10240xf32, #tpu.memory_space<vmem_shared>> -> memref<10240xf32, #tpu.memory_space<vmem_shared>>
      %dma_wait3A_103 = tpu.memref_slice %dma_wait3A_102[%mul3A_69] : memref<10240xf32, #tpu.memory_space<vmem_shared>> -> memref<640xf32, #tpu.memory_space<vmem_shared>>
      %dma_wait3A_104 = arith.constant 0 : i32
      %dma_wait3A_105 = tpu.memref_slice %arg6[%run_scoped3A_71, %dma_wait3A_104] : memref<16x640xf32, #tpu.memory_space<vmem>> -> memref<1x640xf32, #tpu.memory_space<vmem>>
      %dma_wait3A_106 = tpu.memref_squeeze %dma_wait3A_105 : memref<1x640xf32, #tpu.memory_space<vmem>> -> memref<640xf32, #tpu.memory_space<vmem>>
      %dma_wait3A_107 = arith.constant 0 : i32
      %dma_wait3A_108 = tpu.memref_slice %arg9[%run_scoped3A_70, %dma_wait3A_107] : memref<16x10240xf32, #tpu.memory_space<vmem_shared>> -> memref<1x10240xf32, #tpu.memory_space<vmem_shared>>
      %dma_wait3A_109 = tpu.memref_squeeze %dma_wait3A_108 : memref<1x10240xf32, #tpu.memory_space<vmem_shared>> -> memref<10240xf32, #tpu.memory_space<vmem_shared>>
      %dma_wait3A_110 = tpu.memref_slice %dma_wait3A_109[%mul3A_69] : memref<10240xf32, #tpu.memory_space<vmem_shared>> -> memref<640xf32, #tpu.memory_space<vmem_shared>>
      tpu.wait_dma2 semaphore(%run_scoped3A_84 : memref<!tpu.dma_semaphore, #tpu.memory_space<semaphore_mem>>) src(%dma_wait3A_110 : memref<640xf32, #tpu.memory_space<vmem_shared>>) dst(%dma_wait3A_106 : memref<640xf32, #tpu.memory_space<vmem>>)
      tpu.yield
    }) : () -> ()
    %mul3A_72 = arith.constant 640 : i32
    %mul3A_73 = arith.muli %arg1, %mul3A_72 : i32
    %run_scoped3A_74 = arith.constant 15 : i32
    %run_scoped3A_75 = arith.constant 15 : i32
    "tpu.region"() ({
      %run_scoped3A_84 = tpu.sem_alloc : memref<!tpu.dma_semaphore, #tpu.memory_space<semaphore_mem>>
      %dma_start3A = arith.constant 0 : i32
      %dma_start3A_85 = tpu.memref_slice %arg6[%run_scoped3A_75, %dma_start3A] : memref<16x640xf32, #tpu.memory_space<vmem>> -> memref<1x640xf32, #tpu.memory_space<vmem>>
      %dma_start3A_86 = tpu.memref_squeeze %dma_start3A_85 : memref<1x640xf32, #tpu.memory_space<vmem>> -> memref<640xf32, #tpu.memory_space<vmem>>
      %dma_start3A_87 = arith.constant 0 : i32
      %dma_start3A_88 = tpu.memref_slice %arg9[%run_scoped3A_74, %dma_start3A_87] : memref<16x10240xf32, #tpu.memory_space<vmem_shared>> -> memref<1x10240xf32, #tpu.memory_space<vmem_shared>>
      %dma_start3A_89 = tpu.memref_squeeze %dma_start3A_88 : memref<1x10240xf32, #tpu.memory_space<vmem_shared>> -> memref<10240xf32, #tpu.memory_space<vmem_shared>>
      %dma_start3A_90 = tpu.memref_slice %dma_start3A_89[%mul3A_73] : memref<10240xf32, #tpu.memory_space<vmem_shared>> -> memref<640xf32, #tpu.memory_space<vmem_shared>>
      %dma_start3A_91 = arith.constant 0 : i32
      %dma_start3A_92 = tpu.memref_slice %arg6[%run_scoped3A_75, %dma_start3A_91] : memref<16x640xf32, #tpu.memory_space<vmem>> -> memref<1x640xf32, #tpu.memory_space<vmem>>
      %dma_start3A_93 = tpu.memref_squeeze %dma_start3A_92 : memref<1x640xf32, #tpu.memory_space<vmem>> -> memref<640xf32, #tpu.memory_space<vmem>>
      %dma_start3A_94 = arith.constant 0 : i32
      %dma_start3A_95 = tpu.memref_slice %arg9[%run_scoped3A_74, %dma_start3A_94] : memref<16x10240xf32, #tpu.memory_space<vmem_shared>> -> memref<1x10240xf32, #tpu.memory_space<vmem_shared>>
      %dma_start3A_96 = tpu.memref_squeeze %dma_start3A_95 : memref<1x10240xf32, #tpu.memory_space<vmem_shared>> -> memref<10240xf32, #tpu.memory_space<vmem_shared>>
      %dma_start3A_97 = tpu.memref_slice %dma_start3A_96[%mul3A_73] : memref<10240xf32, #tpu.memory_space<vmem_shared>> -> memref<640xf32, #tpu.memory_space<vmem_shared>>
      tpu.enqueue_dma source(%dma_start3A_97 : memref<640xf32, #tpu.memory_space<vmem_shared>>) target(%dma_start3A_93 : memref<640xf32, #tpu.memory_space<vmem>>) target_semaphore(%run_scoped3A_84 : memref<!tpu.dma_semaphore, #tpu.memory_space<semaphore_mem>>)
      %dma_wait3A = arith.constant 0 : i32
      %dma_wait3A_98 = tpu.memref_slice %arg6[%run_scoped3A_75, %dma_wait3A] : memref<16x640xf32, #tpu.memory_space<vmem>> -> memref<1x640xf32, #tpu.memory_space<vmem>>
      %dma_wait3A_99 = tpu.memref_squeeze %dma_wait3A_98 : memref<1x640xf32, #tpu.memory_space<vmem>> -> memref<640xf32, #tpu.memory_space<vmem>>
      %dma_wait3A_100 = arith.constant 0 : i32
      %dma_wait3A_101 = tpu.memref_slice %arg9[%run_scoped3A_74, %dma_wait3A_100] : memref<16x10240xf32, #tpu.memory_space<vmem_shared>> -> memref<1x10240xf32, #tpu.memory_space<vmem_shared>>
      %dma_wait3A_102 = tpu.memref_squeeze %dma_wait3A_101 : memref<1x10240xf32, #tpu.memory_space<vmem_shared>> -> memref<10240xf32, #tpu.memory_space<vmem_shared>>
      %dma_wait3A_103 = tpu.memref_slice %dma_wait3A_102[%mul3A_73] : memref<10240xf32, #tpu.memory_space<vmem_shared>> -> memref<640xf32, #tpu.memory_space<vmem_shared>>
      %dma_wait3A_104 = arith.constant 0 : i32
      %dma_wait3A_105 = tpu.memref_slice %arg6[%run_scoped3A_75, %dma_wait3A_104] : memref<16x640xf32, #tpu.memory_space<vmem>> -> memref<1x640xf32, #tpu.memory_space<vmem>>
      %dma_wait3A_106 = tpu.memref_squeeze %dma_wait3A_105 : memref<1x640xf32, #tpu.memory_space<vmem>> -> memref<640xf32, #tpu.memory_space<vmem>>
      %dma_wait3A_107 = arith.constant 0 : i32
      %dma_wait3A_108 = tpu.memref_slice %arg9[%run_scoped3A_74, %dma_wait3A_107] : memref<16x10240xf32, #tpu.memory_space<vmem_shared>> -> memref<1x10240xf32, #tpu.memory_space<vmem_shared>>
      %dma_wait3A_109 = tpu.memref_squeeze %dma_wait3A_108 : memref<1x10240xf32, #tpu.memory_space<vmem_shared>> -> memref<10240xf32, #tpu.memory_space<vmem_shared>>
      %dma_wait3A_110 = tpu.memref_slice %dma_wait3A_109[%mul3A_73] : memref<10240xf32, #tpu.memory_space<vmem_shared>> -> memref<640xf32, #tpu.memory_space<vmem_shared>>
      tpu.wait_dma2 semaphore(%run_scoped3A_84 : memref<!tpu.dma_semaphore, #tpu.memory_space<semaphore_mem>>) src(%dma_wait3A_110 : memref<640xf32, #tpu.memory_space<vmem_shared>>) dst(%dma_wait3A_106 : memref<640xf32, #tpu.memory_space<vmem>>)
      tpu.yield
    }) : () -> ()
    %scan3A_76 = arith.constant 0 : i32
    %scan3A_77 = arith.constant 0 : i32
    %scan3A_78 = arith.constant 40 : i32
    %scan3A_79 = arith.addi %scan3A_77, %scan3A_78 : i32
    %scan3A_80 = arith.constant 1 : i32
    scf.for %scan3A_84 = %scan3A_77 to %scan3A_79 step %scan3A_80  : i32 {
      %mul3A_85 = arith.constant 16 : i32
      %mul3A_86 = arith.muli %scan3A_84, %mul3A_85 : i32
      %get3A = arith.constant 0 : i32
      %get3A_87 = arith.index_cast %get3A : i32 to index
      %get3A_88 = arith.index_cast %mul3A_86 : i32 to index
      %get3A_89 = tpu.vector_load %arg6[%get3A_87, %get3A_88] {strides = array<i32>} : memref<16x640xf32, #tpu.memory_space<vmem>>, vector<16xf32>,
      %mul3A_90 = arith.constant 16 : i32
      %mul3A_91 = arith.muli %scan3A_84, %mul3A_90 : i32
      %get3A_92 = arith.constant 1 : i32
      %get3A_93 = arith.index_cast %get3A_92 : i32 to index
      %get3A_94 = arith.index_cast %mul3A_91 : i32 to index
      %get3A_95 = tpu.vector_load %arg6[%get3A_93, %get3A_94] {strides = array<i32>} : memref<16x640xf32, #tpu.memory_space<vmem>>, vector<16xf32>,
      %add3A_96 = arith.addf %get3A_89, %get3A_95 : vector<16xf32>
      %mul3A_97 = arith.constant 16 : i32
      %mul3A_98 = arith.muli %scan3A_84, %mul3A_97 : i32
      %get3A_99 = arith.constant 2 : i32
      %get3A_100 = arith.index_cast %get3A_99 : i32 to index
      %get3A_101 = arith.index_cast %mul3A_98 : i32 to index
      %get3A_102 = tpu.vector_load %arg6[%get3A_100, %get3A_101] {strides = array<i32>} : memref<16x640xf32, #tpu.memory_space<vmem>>, vector<16xf32>,
      %add3A_103 = arith.addf %add3A_96, %get3A_102 : vector<16xf32>
      %mul3A_104 = arith.constant 16 : i32
      %mul3A_105 = arith.muli %scan3A_84, %mul3A_104 : i32
      %get3A_106 = arith.constant 3 : i32
      %get3A_107 = arith.index_cast %get3A_106 : i32 to index
      %get3A_108 = arith.index_cast %mul3A_105 : i32 to index
      %get3A_109 = tpu.vector_load %arg6[%get3A_107, %get3A_108] {strides = array<i32>} : memref<16x640xf32, #tpu.memory_space<vmem>>, vector<16xf32>,
      %add3A_110 = arith.addf %add3A_103, %get3A_109 : vector<16xf32>
      %mul3A_111 = arith.constant 16 : i32
      %mul3A_112 = arith.muli %scan3A_84, %mul3A_111 : i32
      %get3A_113 = arith.constant 4 : i32
      %get3A_114 = arith.index_cast %get3A_113 : i32 to index
      %get3A_115 = arith.index_cast %mul3A_112 : i32 to index
      %get3A_116 = tpu.vector_load %arg6[%get3A_114, %get3A_115] {strides = array<i32>} : memref<16x640xf32, #tpu.memory_space<vmem>>, vector<16xf32>,
      %add3A_117 = arith.addf %add3A_110, %get3A_116 : vector<16xf32>
      %mul3A_118 = arith.constant 16 : i32
      %mul3A_119 = arith.muli %scan3A_84, %mul3A_118 : i32
      %get3A_120 = arith.constant 5 : i32
      %get3A_121 = arith.index_cast %get3A_120 : i32 to index
      %get3A_122 = arith.index_cast %mul3A_119 : i32 to index
      %get3A_123 = tpu.vector_load %arg6[%get3A_121, %get3A_122] {strides = array<i32>} : memref<16x640xf32, #tpu.memory_space<vmem>>, vector<16xf32>,
      %add3A_124 = arith.addf %add3A_117, %get3A_123 : vector<16xf32>
      %mul3A_125 = arith.constant 16 : i32
      %mul3A_126 = arith.muli %scan3A_84, %mul3A_125 : i32
      %get3A_127 = arith.constant 6 : i32
      %get3A_128 = arith.index_cast %get3A_127 : i32 to index
      %get3A_129 = arith.index_cast %mul3A_126 : i32 to index
      %get3A_130 = tpu.vector_load %arg6[%get3A_128, %get3A_129] {strides = array<i32>} : memref<16x640xf32, #tpu.memory_space<vmem>>, vector<16xf32>,
      %add3A_131 = arith.addf %add3A_124, %get3A_130 : vector<16xf32>
      %mul3A_132 = arith.constant 16 : i32
      %mul3A_133 = arith.muli %scan3A_84, %mul3A_132 : i32
      %get3A_134 = arith.constant 7 : i32
      %get3A_135 = arith.index_cast %get3A_134 : i32 to index
      %get3A_136 = arith.index_cast %mul3A_133 : i32 to index
      %get3A_137 = tpu.vector_load %arg6[%get3A_135, %get3A_136] {strides = array<i32>} : memref<16x640xf32, #tpu.memory_space<vmem>>, vector<16xf32>,
      %add3A_138 = arith.addf %add3A_131, %get3A_137 : vector<16xf32>
      %mul3A_139 = arith.constant 16 : i32
      %mul3A_140 = arith.muli %scan3A_84, %mul3A_139 : i32
      %get3A_141 = arith.constant 8 : i32
      %get3A_142 = arith.index_cast %get3A_141 : i32 to index
      %get3A_143 = arith.index_cast %mul3A_140 : i32 to index
      %get3A_144 = tpu.vector_load %arg6[%get3A_142, %get3A_143] {strides = array<i32>} : memref<16x640xf32, #tpu.memory_space<vmem>>, vector<16xf32>,
      %add3A_145 = arith.addf %add3A_138, %get3A_144 : vector<16xf32>
      %mul3A_146 = arith.constant 16 : i32
      %mul3A_147 = arith.muli %scan3A_84, %mul3A_146 : i32
      %get3A_148 = arith.constant 9 : i32
      %get3A_149 = arith.index_cast %get3A_148 : i32 to index
      %get3A_150 = arith.index_cast %mul3A_147 : i32 to index
      %get3A_151 = tpu.vector_load %arg6[%get3A_149, %get3A_150] {strides = array<i32>} : memref<16x640xf32, #tpu.memory_space<vmem>>, vector<16xf32>,
      %add3A_152 = arith.addf %add3A_145, %get3A_151 : vector<16xf32>
      %mul3A_153 = arith.constant 16 : i32
      %mul3A_154 = arith.muli %scan3A_84, %mul3A_153 : i32
      %get3A_155 = arith.constant 10 : i32
      %get3A_156 = arith.index_cast %get3A_155 : i32 to index
      %get3A_157 = arith.index_cast %mul3A_154 : i32 to index
      %get3A_158 = tpu.vector_load %arg6[%get3A_156, %get3A_157] {strides = array<i32>} : memref<16x640xf32, #tpu.memory_space<vmem>>, vector<16xf32>,
      %add3A_159 = arith.addf %add3A_152, %get3A_158 : vector<16xf32>
      %mul3A_160 = arith.constant 16 : i32
      %mul3A_161 = arith.muli %scan3A_84, %mul3A_160 : i32
      %get3A_162 = arith.constant 11 : i32
      %get3A_163 = arith.index_cast %get3A_162 : i32 to index
      %get3A_164 = arith.index_cast %mul3A_161 : i32 to index
      %get3A_165 = tpu.vector_load %arg6[%get3A_163, %get3A_164] {strides = array<i32>} : memref<16x640xf32, #tpu.memory_space<vmem>>, vector<16xf32>,
      %add3A_166 = arith.addf %add3A_159, %get3A_165 : vector<16xf32>
      %mul3A_167 = arith.constant 16 : i32
      %mul3A_168 = arith.muli %scan3A_84, %mul3A_167 : i32
      %get3A_169 = arith.constant 12 : i32
      %get3A_170 = arith.index_cast %get3A_169 : i32 to index
      %get3A_171 = arith.index_cast %mul3A_168 : i32 to index
      %get3A_172 = tpu.vector_load %arg6[%get3A_170, %get3A_171] {strides = array<i32>} : memref<16x640xf32, #tpu.memory_space<vmem>>, vector<16xf32>,
      %add3A_173 = arith.addf %add3A_166, %get3A_172 : vector<16xf32>
      %mul3A_174 = arith.constant 16 : i32
      %mul3A_175 = arith.muli %scan3A_84, %mul3A_174 : i32
      %get3A_176 = arith.constant 13 : i32
      %get3A_177 = arith.index_cast %get3A_176 : i32 to index
      %get3A_178 = arith.index_cast %mul3A_175 : i32 to index
      %get3A_179 = tpu.vector_load %arg6[%get3A_177, %get3A_178] {strides = array<i32>} : memref<16x640xf32, #tpu.memory_space<vmem>>, vector<16xf32>,
      %add3A_180 = arith.addf %add3A_173, %get3A_179 : vector<16xf32>
      %mul3A_181 = arith.constant 16 : i32
      %mul3A_182 = arith.muli %scan3A_84, %mul3A_181 : i32
      %get3A_183 = arith.constant 14 : i32
      %get3A_184 = arith.index_cast %get3A_183 : i32 to index
      %get3A_185 = arith.index_cast %mul3A_182 : i32 to index
      %get3A_186 = tpu.vector_load %arg6[%get3A_184, %get3A_185] {strides = array<i32>} : memref<16x640xf32, #tpu.memory_space<vmem>>, vector<16xf32>,
      %add3A_187 = arith.addf %add3A_180, %get3A_186 : vector<16xf32>
      %mul3A_188 = arith.constant 16 : i32
      %mul3A_189 = arith.muli %scan3A_84, %mul3A_188 : i32
      %get3A_190 = arith.constant 15 : i32
      %get3A_191 = arith.index_cast %get3A_190 : i32 to index
      %get3A_192 = arith.index_cast %mul3A_189 : i32 to index
      %get3A_193 = tpu.vector_load %arg6[%get3A_191, %get3A_192] {strides = array<i32>} : memref<16x640xf32, #tpu.memory_space<vmem>>, vector<16xf32>,
      %add3A_194 = arith.addf %add3A_187, %get3A_193 : vector<16xf32>
      %swap3A = arith.constant 0 : index
      %swap3A_195 = tpu.vector_load %arg7[%swap3A] {strides = array<i32>} : memref<16xf32, #tpu.memory_space<vmem>>, vector<16xf32>,
      tpu.vector_store %arg7[%swap3A], %add3A_194 {strides = array<i32>} : memref<16xf32, #tpu.memory_space<vmem>>, vector<16xf32>,
      %broadcast_in_dim3A_196 = arith.constant 0 : i32
      %broadcast_in_dim3A_197 = vector.broadcast %broadcast_in_dim3A_196 : i32 to vector<16xi32>
      %gather3A = tpu.vector_load_idx %arg7[%broadcast_in_dim3A_197] : memref<16xf32, #tpu.memory_space<vmem>>[vector<16xi32>], vector<16xf32>,
      %mul3A_198 = arith.constant 16 : i32
      %mul3A_199 = arith.muli %scan3A_84, %mul3A_198 : i32
      %add3A_200 = arith.constant 0 : i32
      %add3A_201 = arith.addi %mul3A_199, %add3A_200 : i32
      %swap3A_202 = arith.index_cast %add3A_201 : i32 to index
      %swap3A_203 = arith.constant 0 : index
      %swap3A_204 = tpu.vector_load %arg8[%swap3A_202, %swap3A_203] {strides = array<i32>} : memref<640x16xf32, #tpu.memory_space<vmem>>, vector<16xf32>,
      tpu.vector_store %arg8[%swap3A_202, %swap3A_203], %gather3A {strides = array<i32>} : memref<640x16xf32, #tpu.memory_space<vmem>>, vector<16xf32>,
      %broadcast_in_dim3A_205 = arith.constant 1 : i32
      %broadcast_in_dim3A_206 = vector.broadcast %broadcast_in_dim3A_205 : i32 to vector<16xi32>
      %gather3A_207 = tpu.vector_load_idx %arg7[%broadcast_in_dim3A_206] : memref<16xf32, #tpu.memory_space<vmem>>[vector<16xi32>], vector<16xf32>,
      %mul3A_208 = arith.constant 16 : i32
      %mul3A_209 = arith.muli %scan3A_84, %mul3A_208 : i32
      %add3A_210 = arith.constant 1 : i32
      %add3A_211 = arith.addi %mul3A_209, %add3A_210 : i32
      %swap3A_212 = arith.index_cast %add3A_211 : i32 to index
      %swap3A_213 = arith.constant 0 : index
      %swap3A_214 = tpu.vector_load %arg8[%swap3A_212, %swap3A_213] {strides = array<i32>} : memref<640x16xf32, #tpu.memory_space<vmem>>, vector<16xf32>,
      tpu.vector_store %arg8[%swap3A_212, %swap3A_213], %gather3A_207 {strides = array<i32>} : memref<640x16xf32, #tpu.memory_space<vmem>>, vector<16xf32>,
      %broadcast_in_dim3A_215 = arith.constant 2 : i32
      %broadcast_in_dim3A_216 = vector.broadcast %broadcast_in_dim3A_215 : i32 to vector<16xi32>
      %gather3A_217 = tpu.vector_load_idx %arg7[%broadcast_in_dim3A_216] : memref<16xf32, #tpu.memory_space<vmem>>[vector<16xi32>], vector<16xf32>,
      %mul3A_218 = arith.constant 16 : i32
      %mul3A_219 = arith.muli %scan3A_84, %mul3A_218 : i32
      %add3A_220 = arith.constant 2 : i32
      %add3A_221 = arith.addi %mul3A_219, %add3A_220 : i32
      %swap3A_222 = arith.index_cast %add3A_221 : i32 to index
      %swap3A_223 = arith.constant 0 : index
      %swap3A_224 = tpu.vector_load %arg8[%swap3A_222, %swap3A_223] {strides = array<i32>} : memref<640x16xf32, #tpu.memory_space<vmem>>, vector<16xf32>,
      tpu.vector_store %arg8[%swap3A_222, %swap3A_223], %gather3A_217 {strides = array<i32>} : memref<640x16xf32, #tpu.memory_space<vmem>>, vector<16xf32>,
      %broadcast_in_dim3A_225 = arith.constant 3 : i32
      %broadcast_in_dim3A_226 = vector.broadcast %broadcast_in_dim3A_225 : i32 to vector<16xi32>
      %gather3A_227 = tpu.vector_load_idx %arg7[%broadcast_in_dim3A_226] : memref<16xf32, #tpu.memory_space<vmem>>[vector<16xi32>], vector<16xf32>,
      %mul3A_228 = arith.constant 16 : i32
      %mul3A_229 = arith.muli %scan3A_84, %mul3A_228 : i32
      %add3A_230 = arith.constant 3 : i32
      %add3A_231 = arith.addi %mul3A_229, %add3A_230 : i32
      %swap3A_232 = arith.index_cast %add3A_231 : i32 to index
      %swap3A_233 = arith.constant 0 : index
      %swap3A_234 = tpu.vector_load %arg8[%swap3A_232, %swap3A_233] {strides = array<i32>} : memref<640x16xf32, #tpu.memory_space<vmem>>, vector<16xf32>,
      tpu.vector_store %arg8[%swap3A_232, %swap3A_233], %gather3A_227 {strides = array<i32>} : memref<640x16xf32, #tpu.memory_space<vmem>>, vector<16xf32>,
      %broadcast_in_dim3A_235 = arith.constant 4 : i32
      %broadcast_in_dim3A_236 = vector.broadcast %broadcast_in_dim3A_235 : i32 to vector<16xi32>
      %gather3A_237 = tpu.vector_load_idx %arg7[%broadcast_in_dim3A_236] : memref<16xf32, #tpu.memory_space<vmem>>[vector<16xi32>], vector<16xf32>,
      %mul3A_238 = arith.constant 16 : i32
      %mul3A_239 = arith.muli %scan3A_84, %mul3A_238 : i32
      %add3A_240 = arith.constant 4 : i32
      %add3A_241 = arith.addi %mul3A_239, %add3A_240 : i32
      %swap3A_242 = arith.index_cast %add3A_241 : i32 to index
      %swap3A_243 = arith.constant 0 : index
      %swap3A_244 = tpu.vector_load %arg8[%swap3A_242, %swap3A_243] {strides = array<i32>} : memref<640x16xf32, #tpu.memory_space<vmem>>, vector<16xf32>,
      tpu.vector_store %arg8[%swap3A_242, %swap3A_243], %gather3A_237 {strides = array<i32>} : memref<640x16xf32, #tpu.memory_space<vmem>>, vector<16xf32>,
      %broadcast_in_dim3A_245 = arith.constant 5 : i32
      %broadcast_in_dim3A_246 = vector.broadcast %broadcast_in_dim3A_245 : i32 to vector<16xi32>
      %gather3A_247 = tpu.vector_load_idx %arg7[%broadcast_in_dim3A_246] : memref<16xf32, #tpu.memory_space<vmem>>[vector<16xi32>], vector<16xf32>,
      %mul3A_248 = arith.constant 16 : i32
      %mul3A_249 = arith.muli %scan3A_84, %mul3A_248 : i32
      %add3A_250 = arith.constant 5 : i32
      %add3A_251 = arith.addi %mul3A_249, %add3A_250 : i32
      %swap3A_252 = arith.index_cast %add3A_251 : i32 to index
      %swap3A_253 = arith.constant 0 : index
      %swap3A_254 = tpu.vector_load %arg8[%swap3A_252, %swap3A_253] {strides = array<i32>} : memref<640x16xf32, #tpu.memory_space<vmem>>, vector<16xf32>,
      tpu.vector_store %arg8[%swap3A_252, %swap3A_253], %gather3A_247 {strides = array<i32>} : memref<640x16xf32, #tpu.memory_space<vmem>>, vector<16xf32>,
      %broadcast_in_dim3A_255 = arith.constant 6 : i32
      %broadcast_in_dim3A_256 = vector.broadcast %broadcast_in_dim3A_255 : i32 to vector<16xi32>
      %gather3A_257 = tpu.vector_load_idx %arg7[%broadcast_in_dim3A_256] : memref<16xf32, #tpu.memory_space<vmem>>[vector<16xi32>], vector<16xf32>,
      %mul3A_258 = arith.constant 16 : i32
      %mul3A_259 = arith.muli %scan3A_84, %mul3A_258 : i32
      %add3A_260 = arith.constant 6 : i32
      %add3A_261 = arith.addi %mul3A_259, %add3A_260 : i32
      %swap3A_262 = arith.index_cast %add3A_261 : i32 to index
      %swap3A_263 = arith.constant 0 : index
      %swap3A_264 = tpu.vector_load %arg8[%swap3A_262, %swap3A_263] {strides = array<i32>} : memref<640x16xf32, #tpu.memory_space<vmem>>, vector<16xf32>,
      tpu.vector_store %arg8[%swap3A_262, %swap3A_263], %gather3A_257 {strides = array<i32>} : memref<640x16xf32, #tpu.memory_space<vmem>>, vector<16xf32>,
      %broadcast_in_dim3A_265 = arith.constant 7 : i32
      %broadcast_in_dim3A_266 = vector.broadcast %broadcast_in_dim3A_265 : i32 to vector<16xi32>
      %gather3A_267 = tpu.vector_load_idx %arg7[%broadcast_in_dim3A_266] : memref<16xf32, #tpu.memory_space<vmem>>[vector<16xi32>], vector<16xf32>,
      %mul3A_268 = arith.constant 16 : i32
      %mul3A_269 = arith.muli %scan3A_84, %mul3A_268 : i32
      %add3A_270 = arith.constant 7 : i32
      %add3A_271 = arith.addi %mul3A_269, %add3A_270 : i32
      %swap3A_272 = arith.index_cast %add3A_271 : i32 to index
      %swap3A_273 = arith.constant 0 : index
      %swap3A_274 = tpu.vector_load %arg8[%swap3A_272, %swap3A_273] {strides = array<i32>} : memref<640x16xf32, #tpu.memory_space<vmem>>, vector<16xf32>,
      tpu.vector_store %arg8[%swap3A_272, %swap3A_273], %gather3A_267 {strides = array<i32>} : memref<640x16xf32, #tpu.memory_space<vmem>>, vector<16xf32>,
      %broadcast_in_dim3A_275 = arith.constant 8 : i32
      %broadcast_in_dim3A_276 = vector.broadcast %broadcast_in_dim3A_275 : i32 to vector<16xi32>
      %gather3A_277 = tpu.vector_load_idx %arg7[%broadcast_in_dim3A_276] : memref<16xf32, #tpu.memory_space<vmem>>[vector<16xi32>], vector<16xf32>,
      %mul3A_278 = arith.constant 16 : i32
      %mul3A_279 = arith.muli %scan3A_84, %mul3A_278 : i32
      %add3A_280 = arith.constant 8 : i32
      %add3A_281 = arith.addi %mul3A_279, %add3A_280 : i32
      %swap3A_282 = arith.index_cast %add3A_281 : i32 to index
      %swap3A_283 = arith.constant 0 : index
      %swap3A_284 = tpu.vector_load %arg8[%swap3A_282, %swap3A_283] {strides = array<i32>} : memref<640x16xf32, #tpu.memory_space<vmem>>, vector<16xf32>,
      tpu.vector_store %arg8[%swap3A_282, %swap3A_283], %gather3A_277 {strides = array<i32>} : memref<640x16xf32, #tpu.memory_space<vmem>>, vector<16xf32>,
      %broadcast_in_dim3A_285 = arith.constant 9 : i32
      %broadcast_in_dim3A_286 = vector.broadcast %broadcast_in_dim3A_285 : i32 to vector<16xi32>
      %gather3A_287 = tpu.vector_load_idx %arg7[%broadcast_in_dim3A_286] : memref<16xf32, #tpu.memory_space<vmem>>[vector<16xi32>], vector<16xf32>,
      %mul3A_288 = arith.constant 16 : i32
      %mul3A_289 = arith.muli %scan3A_84, %mul3A_288 : i32
      %add3A_290 = arith.constant 9 : i32
      %add3A_291 = arith.addi %mul3A_289, %add3A_290 : i32
      %swap3A_292 = arith.index_cast %add3A_291 : i32 to index
      %swap3A_293 = arith.constant 0 : index
      %swap3A_294 = tpu.vector_load %arg8[%swap3A_292, %swap3A_293] {strides = array<i32>} : memref<640x16xf32, #tpu.memory_space<vmem>>, vector<16xf32>,
      tpu.vector_store %arg8[%swap3A_292, %swap3A_293], %gather3A_287 {strides = array<i32>} : memref<640x16xf32, #tpu.memory_space<vmem>>, vector<16xf32>,
      %broadcast_in_dim3A_295 = arith.constant 10 : i32
      %broadcast_in_dim3A_296 = vector.broadcast %broadcast_in_dim3A_295 : i32 to vector<16xi32>
      %gather3A_297 = tpu.vector_load_idx %arg7[%broadcast_in_dim3A_296] : memref<16xf32, #tpu.memory_space<vmem>>[vector<16xi32>], vector<16xf32>,
      %mul3A_298 = arith.constant 16 : i32
      %mul3A_299 = arith.muli %scan3A_84, %mul3A_298 : i32
      %add3A_300 = arith.constant 10 : i32
      %add3A_301 = arith.addi %mul3A_299, %add3A_300 : i32
      %swap3A_302 = arith.index_cast %add3A_301 : i32 to index
      %swap3A_303 = arith.constant 0 : index
      %swap3A_304 = tpu.vector_load %arg8[%swap3A_302, %swap3A_303] {strides = array<i32>} : memref<640x16xf32, #tpu.memory_space<vmem>>, vector<16xf32>,
      tpu.vector_store %arg8[%swap3A_302, %swap3A_303], %gather3A_297 {strides = array<i32>} : memref<640x16xf32, #tpu.memory_space<vmem>>, vector<16xf32>,
      %broadcast_in_dim3A_305 = arith.constant 11 : i32
      %broadcast_in_dim3A_306 = vector.broadcast %broadcast_in_dim3A_305 : i32 to vector<16xi32>
      %gather3A_307 = tpu.vector_load_idx %arg7[%broadcast_in_dim3A_306] : memref<16xf32, #tpu.memory_space<vmem>>[vector<16xi32>], vector<16xf32>,
      %mul3A_308 = arith.constant 16 : i32
      %mul3A_309 = arith.muli %scan3A_84, %mul3A_308 : i32
      %add3A_310 = arith.constant 11 : i32
      %add3A_311 = arith.addi %mul3A_309, %add3A_310 : i32
      %swap3A_312 = arith.index_cast %add3A_311 : i32 to index
      %swap3A_313 = arith.constant 0 : index
      %swap3A_314 = tpu.vector_load %arg8[%swap3A_312, %swap3A_313] {strides = array<i32>} : memref<640x16xf32, #tpu.memory_space<vmem>>, vector<16xf32>,
      tpu.vector_store %arg8[%swap3A_312, %swap3A_313], %gather3A_307 {strides = array<i32>} : memref<640x16xf32, #tpu.memory_space<vmem>>, vector<16xf32>,
      %broadcast_in_dim3A_315 = arith.constant 12 : i32
      %broadcast_in_dim3A_316 = vector.broadcast %broadcast_in_dim3A_315 : i32 to vector<16xi32>
      %gather3A_317 = tpu.vector_load_idx %arg7[%broadcast_in_dim3A_316] : memref<16xf32, #tpu.memory_space<vmem>>[vector<16xi32>], vector<16xf32>,
      %mul3A_318 = arith.constant 16 : i32
      %mul3A_319 = arith.muli %scan3A_84, %mul3A_318 : i32
      %add3A_320 = arith.constant 12 : i32
      %add3A_321 = arith.addi %mul3A_319, %add3A_320 : i32
      %swap3A_322 = arith.index_cast %add3A_321 : i32 to index
      %swap3A_323 = arith.constant 0 : index
      %swap3A_324 = tpu.vector_load %arg8[%swap3A_322, %swap3A_323] {strides = array<i32>} : memref<640x16xf32, #tpu.memory_space<vmem>>, vector<16xf32>,
      tpu.vector_store %arg8[%swap3A_322, %swap3A_323], %gather3A_317 {strides = array<i32>} : memref<640x16xf32, #tpu.memory_space<vmem>>, vector<16xf32>,
      %broadcast_in_dim3A_325 = arith.constant 13 : i32
      %broadcast_in_dim3A_326 = vector.broadcast %broadcast_in_dim3A_325 : i32 to vector<16xi32>
      %gather3A_327 = tpu.vector_load_idx %arg7[%broadcast_in_dim3A_326] : memref<16xf32, #tpu.memory_space<vmem>>[vector<16xi32>], vector<16xf32>,
      %mul3A_328 = arith.constant 16 : i32
      %mul3A_329 = arith.muli %scan3A_84, %mul3A_328 : i32
      %add3A_330 = arith.constant 13 : i32
      %add3A_331 = arith.addi %mul3A_329, %add3A_330 : i32
      %swap3A_332 = arith.index_cast %add3A_331 : i32 to index
      %swap3A_333 = arith.constant 0 : index
      %swap3A_334 = tpu.vector_load %arg8[%swap3A_332, %swap3A_333] {strides = array<i32>} : memref<640x16xf32, #tpu.memory_space<vmem>>, vector<16xf32>,
      tpu.vector_store %arg8[%swap3A_332, %swap3A_333], %gather3A_327 {strides = array<i32>} : memref<640x16xf32, #tpu.memory_space<vmem>>, vector<16xf32>,
      %broadcast_in_dim3A_335 = arith.constant 14 : i32
      %broadcast_in_dim3A_336 = vector.broadcast %broadcast_in_dim3A_335 : i32 to vector<16xi32>
      %gather3A_337 = tpu.vector_load_idx %arg7[%broadcast_in_dim3A_336] : memref<16xf32, #tpu.memory_space<vmem>>[vector<16xi32>], vector<16xf32>,
      %mul3A_338 = arith.constant 16 : i32
      %mul3A_339 = arith.muli %scan3A_84, %mul3A_338 : i32
      %add3A_340 = arith.constant 14 : i32
      %add3A_341 = arith.addi %mul3A_339, %add3A_340 : i32
      %swap3A_342 = arith.index_cast %add3A_341 : i32 to index
      %swap3A_343 = arith.constant 0 : index
      %swap3A_344 = tpu.vector_load %arg8[%swap3A_342, %swap3A_343] {strides = array<i32>} : memref<640x16xf32, #tpu.memory_space<vmem>>, vector<16xf32>,
      tpu.vector_store %arg8[%swap3A_342, %swap3A_343], %gather3A_337 {strides = array<i32>} : memref<640x16xf32, #tpu.memory_space<vmem>>, vector<16xf32>,
      %broadcast_in_dim3A_345 = arith.constant 15 : i32
      %broadcast_in_dim3A_346 = vector.broadcast %broadcast_in_dim3A_345 : i32 to vector<16xi32>
      %gather3A_347 = tpu.vector_load_idx %arg7[%broadcast_in_dim3A_346] : memref<16xf32, #tpu.memory_space<vmem>>[vector<16xi32>], vector<16xf32>,
      %mul3A_348 = arith.constant 16 : i32
      %mul3A_349 = arith.muli %scan3A_84, %mul3A_348 : i32
      %add3A_350 = arith.constant 15 : i32
      %add3A_351 = arith.addi %mul3A_349, %add3A_350 : i32
      %swap3A_352 = arith.index_cast %add3A_351 : i32 to index
      %swap3A_353 = arith.constant 0 : index
      %swap3A_354 = tpu.vector_load %arg8[%swap3A_352, %swap3A_353] {strides = array<i32>} : memref<640x16xf32, #tpu.memory_space<vmem>>, vector<16xf32>,
      tpu.vector_store %arg8[%swap3A_352, %swap3A_353], %gather3A_347 {strides = array<i32>} : memref<640x16xf32, #tpu.memory_space<vmem>>, vector<16xf32>,
    }
    %scan3A_81 = arith.constant 40 : i32
    %mul3A_82 = arith.constant 640 : i32
    %mul3A_83 = arith.muli %arg1, %mul3A_82 : i32
    "tpu.region"() ({
      %run_scoped3A_84 = tpu.sem_alloc : memref<!tpu.dma_semaphore, #tpu.memory_space<semaphore_mem>>
      %dma_start3A = arith.constant 0 : i32
      %dma_start3A_85 = arith.constant 0 : i32
      %dma_start3A_86 = tpu.memref_slice %arg3[%arg0, %dma_start3A, %dma_start3A_85] : memref<2x10240x16xf32, #tpu.memory_space<hbm>> -> memref<1x10240x16xf32, #tpu.memory_space<hbm>>
      %dma_start3A_87 = tpu.memref_squeeze %dma_start3A_86 : memref<1x10240x16xf32, #tpu.memory_space<hbm>> -> memref<10240x16xf32, #tpu.memory_space<hbm>>
      %dma_start3A_88 = arith.constant 0 : i32
      %dma_start3A_89 = tpu.memref_slice %dma_start3A_87[%mul3A_83, %dma_start3A_88] : memref<10240x16xf32, #tpu.memory_space<hbm>> -> memref<640x16xf32, #tpu.memory_space<hbm>>
      %dma_start3A_90 = arith.constant 0 : i32
      %dma_start3A_91 = arith.constant 0 : i32
      %dma_start3A_92 = tpu.memref_slice %arg3[%arg0, %dma_start3A_90, %dma_start3A_91] : memref<2x10240x16xf32, #tpu.memory_space<hbm>> -> memref<1x10240x16xf32, #tpu.memory_space<hbm>>
      %dma_start3A_93 = tpu.memref_squeeze %dma_start3A_92 : memref<1x10240x16xf32, #tpu.memory_space<hbm>> -> memref<10240x16xf32, #tpu.memory_space<hbm>>
      %dma_start3A_94 = arith.constant 0 : i32
      %dma_start3A_95 = tpu.memref_slice %dma_start3A_93[%mul3A_83, %dma_start3A_94] : memref<10240x16xf32, #tpu.memory_space<hbm>> -> memref<640x16xf32, #tpu.memory_space<hbm>>
      tpu.enqueue_dma source(%arg8 : memref<640x16xf32, #tpu.memory_space<vmem>>) target(%dma_start3A_95 : memref<640x16xf32, #tpu.memory_space<hbm>>) target_semaphore(%run_scoped3A_84 : memref<!tpu.dma_semaphore, #tpu.memory_space<semaphore_mem>>)
      %dma_wait3A = arith.constant 0 : i32
      %dma_wait3A_96 = arith.constant 0 : i32
      %dma_wait3A_97 = tpu.memref_slice %arg3[%arg0, %dma_wait3A, %dma_wait3A_96] : memref<2x10240x16xf32, #tpu.memory_space<hbm>> -> memref<1x10240x16xf32, #tpu.memory_space<hbm>>
      %dma_wait3A_98 = tpu.memref_squeeze %dma_wait3A_97 : memref<1x10240x16xf32, #tpu.memory_space<hbm>> -> memref<10240x16xf32, #tpu.memory_space<hbm>>
      %dma_wait3A_99 = arith.constant 0 : i32
      %dma_wait3A_100 = tpu.memref_slice %dma_wait3A_98[%mul3A_83, %dma_wait3A_99] : memref<10240x16xf32, #tpu.memory_space<hbm>> -> memref<640x16xf32, #tpu.memory_space<hbm>>
      %dma_wait3A_101 = arith.constant 0 : i32
      %dma_wait3A_102 = arith.constant 0 : i32
      %dma_wait3A_103 = tpu.memref_slice %arg3[%arg0, %dma_wait3A_101, %dma_wait3A_102] : memref<2x10240x16xf32, #tpu.memory_space<hbm>> -> memref<1x10240x16xf32, #tpu.memory_space<hbm>>
      %dma_wait3A_104 = tpu.memref_squeeze %dma_wait3A_103 : memref<1x10240x16xf32, #tpu.memory_space<hbm>> -> memref<10240x16xf32, #tpu.memory_space<hbm>>
      %dma_wait3A_105 = arith.constant 0 : i32
      %dma_wait3A_106 = tpu.memref_slice %dma_wait3A_104[%mul3A_83, %dma_wait3A_105] : memref<10240x16xf32, #tpu.memory_space<hbm>> -> memref<640x16xf32, #tpu.memory_space<hbm>>
      tpu.wait_dma2 semaphore(%run_scoped3A_84 : memref<!tpu.dma_semaphore, #tpu.memory_space<semaphore_mem>>) src(%arg8 : memref<640x16xf32, #tpu.memory_space<vmem>>) dst(%dma_wait3A_106 : memref<640x16xf32, #tpu.memory_space<hbm>>)
      tpu.yield
    }) : () -> ()
    return
  }
}

#map = affine_map<(d0, d1) -> (0, 0)>
#map1 = affine_map<(d0, d1) -> (0, 0, 0)>
module attributes {stable_mosaic.version = 14 : i64} {
  func.func @k(%arg0: i32, %arg1: i32, %arg2: memref<10240x128xf32, #tpu.memory_space<hbm>>, %arg3: memref<32x40x125xi32, #tpu.memory_space<hbm>>, %arg4: memref<32x40x125xi32, #tpu.memory_space<hbm>>, %arg5: memref<2x10240x128xf32, #tpu.memory_space<hbm>>, %arg6: memref<2x10240x128xf32, #tpu.memory_space<hbm>>, %arg7: memref<10240x128xf32, #tpu.memory_space<vmem_shared>>, %arg8: memref<40x125xi32, #tpu.memory_space<vmem>>, %arg9: memref<40x125xi32, #tpu.memory_space<vmem>>, %arg10: memref<125x128xf32, #tpu.memory_space<vmem>>, %arg11: memref<125x128xf32, #tpu.memory_space<vmem>>, %arg12: memref<!tpu.dma_semaphore, #tpu.memory_space<semaphore_mem>>, %arg13: memref<!tpu.dma_semaphore, #tpu.memory_space<semaphore_mem>>) attributes {dimension_semantics = [#tpu.dimension_semantics<core_parallel>, #tpu.dimension_semantics<subcore_parallel>], iteration_bounds = array<i64: 2, 16>, scalar_prefetch = 0 : i64, scratch_operands = 7 : i64, tpu.core_type = #tpu.core_type<sc_vector_subcore>, window_params = [{transform_indices = #map}, {transform_indices = #map1}, {transform_indices = #map1}, {transform_indices = #map1}, {transform_indices = #map1}]} {
    %mul3A = arith.constant 16 : i32
    %mul3A_0 = arith.muli %arg0, %mul3A : i32
    %add3A = arith.addi %mul3A_0, %arg1 : i32
    %mul3A_1 = arith.constant 640 : i32
    %mul3A_2 = arith.muli %arg1, %mul3A_1 : i32
    %mul3A_3 = arith.constant 640 : i32
    %mul3A_4 = arith.muli %arg1, %mul3A_3 : i32
    "tpu.region"() ({
      %run_scoped3A = tpu.sem_alloc : memref<!tpu.dma_semaphore, #tpu.memory_space<semaphore_mem>>
      %dma_start3A_28 = arith.constant 0 : i32
      %dma_start3A_29 = tpu.memref_slice %arg7[%mul3A_4, %dma_start3A_28] : memref<10240x128xf32, #tpu.memory_space<vmem_shared>> -> memref<640x128xf32, #tpu.memory_space<vmem_shared>>
      %dma_start3A_30 = arith.constant 0 : i32
      %dma_start3A_31 = arith.constant 0 : i32
      %dma_start3A_32 = tpu.memref_slice %arg5[%arg0, %dma_start3A_30, %dma_start3A_31] : memref<2x10240x128xf32, #tpu.memory_space<hbm>> -> memref<1x10240x128xf32, #tpu.memory_space<hbm>>
      %dma_start3A_33 = tpu.memref_squeeze %dma_start3A_32 : memref<1x10240x128xf32, #tpu.memory_space<hbm>> -> memref<10240x128xf32, #tpu.memory_space<hbm>>
      %dma_start3A_34 = arith.constant 0 : i32
      %dma_start3A_35 = tpu.memref_slice %dma_start3A_33[%mul3A_2, %dma_start3A_34] : memref<10240x128xf32, #tpu.memory_space<hbm>> -> memref<640x128xf32, #tpu.memory_space<hbm>>
      tpu.enqueue_dma source(%dma_start3A_35 : memref<640x128xf32, #tpu.memory_space<hbm>>) target(%dma_start3A_29 : memref<640x128xf32, #tpu.memory_space<vmem_shared>>) target_semaphore(%run_scoped3A : memref<!tpu.dma_semaphore, #tpu.memory_space<semaphore_mem>>)
      %dma_wait3A = arith.constant 0 : i32
      %dma_wait3A_36 = tpu.memref_slice %arg7[%mul3A_4, %dma_wait3A] : memref<10240x128xf32, #tpu.memory_space<vmem_shared>> -> memref<640x128xf32, #tpu.memory_space<vmem_shared>>
      %dma_wait3A_37 = arith.constant 0 : i32
      %dma_wait3A_38 = arith.constant 0 : i32
      %dma_wait3A_39 = tpu.memref_slice %arg5[%arg0, %dma_wait3A_37, %dma_wait3A_38] : memref<2x10240x128xf32, #tpu.memory_space<hbm>> -> memref<1x10240x128xf32, #tpu.memory_space<hbm>>
      %dma_wait3A_40 = tpu.memref_squeeze %dma_wait3A_39 : memref<1x10240x128xf32, #tpu.memory_space<hbm>> -> memref<10240x128xf32, #tpu.memory_space<hbm>>
      %dma_wait3A_41 = arith.constant 0 : i32
      %dma_wait3A_42 = tpu.memref_slice %dma_wait3A_40[%mul3A_2, %dma_wait3A_41] : memref<10240x128xf32, #tpu.memory_space<hbm>> -> memref<640x128xf32, #tpu.memory_space<hbm>>
      tpu.wait_dma2 semaphore(%run_scoped3A : memref<!tpu.dma_semaphore, #tpu.memory_space<semaphore_mem>>) src(%dma_wait3A_42 : memref<640x128xf32, #tpu.memory_space<hbm>>) dst(%dma_wait3A_36 : memref<640x128xf32, #tpu.memory_space<vmem_shared>>)
      tpu.yield
    }) : () -> ()
    "tpu.region"() ({
      %run_scoped3A = tpu.sem_alloc : memref<!tpu.dma_semaphore, #tpu.memory_space<semaphore_mem>>
      %dma_start3A_28 = arith.constant 0 : i32
      %dma_start3A_29 = arith.constant 0 : i32
      %dma_start3A_30 = tpu.memref_slice %arg3[%add3A, %dma_start3A_28, %dma_start3A_29] : memref<32x40x125xi32, #tpu.memory_space<hbm>> -> memref<1x40x125xi32, #tpu.memory_space<hbm>>
      %dma_start3A_31 = tpu.memref_squeeze %dma_start3A_30 : memref<1x40x125xi32, #tpu.memory_space<hbm>> -> memref<40x125xi32, #tpu.memory_space<hbm>>
      %dma_start3A_32 = arith.constant 0 : i32
      %dma_start3A_33 = arith.constant 0 : i32
      %dma_start3A_34 = tpu.memref_slice %arg3[%add3A, %dma_start3A_32, %dma_start3A_33] : memref<32x40x125xi32, #tpu.memory_space<hbm>> -> memref<1x40x125xi32, #tpu.memory_space<hbm>>
      %dma_start3A_35 = tpu.memref_squeeze %dma_start3A_34 : memref<1x40x125xi32, #tpu.memory_space<hbm>> -> memref<40x125xi32, #tpu.memory_space<hbm>>
      tpu.enqueue_dma source(%dma_start3A_35 : memref<40x125xi32, #tpu.memory_space<hbm>>) target(%arg8 : memref<40x125xi32, #tpu.memory_space<vmem>>) target_semaphore(%run_scoped3A : memref<!tpu.dma_semaphore, #tpu.memory_space<semaphore_mem>>)
      %dma_wait3A = arith.constant 0 : i32
      %dma_wait3A_36 = arith.constant 0 : i32
      %dma_wait3A_37 = tpu.memref_slice %arg3[%add3A, %dma_wait3A, %dma_wait3A_36] : memref<32x40x125xi32, #tpu.memory_space<hbm>> -> memref<1x40x125xi32, #tpu.memory_space<hbm>>
      %dma_wait3A_38 = tpu.memref_squeeze %dma_wait3A_37 : memref<1x40x125xi32, #tpu.memory_space<hbm>> -> memref<40x125xi32, #tpu.memory_space<hbm>>
      %dma_wait3A_39 = arith.constant 0 : i32
      %dma_wait3A_40 = arith.constant 0 : i32
      %dma_wait3A_41 = tpu.memref_slice %arg3[%add3A, %dma_wait3A_39, %dma_wait3A_40] : memref<32x40x125xi32, #tpu.memory_space<hbm>> -> memref<1x40x125xi32, #tpu.memory_space<hbm>>
      %dma_wait3A_42 = tpu.memref_squeeze %dma_wait3A_41 : memref<1x40x125xi32, #tpu.memory_space<hbm>> -> memref<40x125xi32, #tpu.memory_space<hbm>>
      tpu.wait_dma2 semaphore(%run_scoped3A : memref<!tpu.dma_semaphore, #tpu.memory_space<semaphore_mem>>) src(%dma_wait3A_42 : memref<40x125xi32, #tpu.memory_space<hbm>>) dst(%arg8 : memref<40x125xi32, #tpu.memory_space<vmem>>)
      tpu.yield
    }) : () -> ()
    "tpu.region"() ({
      %run_scoped3A = tpu.sem_alloc : memref<!tpu.dma_semaphore, #tpu.memory_space<semaphore_mem>>
      %dma_start3A_28 = arith.constant 0 : i32
      %dma_start3A_29 = arith.constant 0 : i32
      %dma_start3A_30 = tpu.memref_slice %arg4[%add3A, %dma_start3A_28, %dma_start3A_29] : memref<32x40x125xi32, #tpu.memory_space<hbm>> -> memref<1x40x125xi32, #tpu.memory_space<hbm>>
      %dma_start3A_31 = tpu.memref_squeeze %dma_start3A_30 : memref<1x40x125xi32, #tpu.memory_space<hbm>> -> memref<40x125xi32, #tpu.memory_space<hbm>>
      %dma_start3A_32 = arith.constant 0 : i32
      %dma_start3A_33 = arith.constant 0 : i32
      %dma_start3A_34 = tpu.memref_slice %arg4[%add3A, %dma_start3A_32, %dma_start3A_33] : memref<32x40x125xi32, #tpu.memory_space<hbm>> -> memref<1x40x125xi32, #tpu.memory_space<hbm>>
      %dma_start3A_35 = tpu.memref_squeeze %dma_start3A_34 : memref<1x40x125xi32, #tpu.memory_space<hbm>> -> memref<40x125xi32, #tpu.memory_space<hbm>>
      tpu.enqueue_dma source(%dma_start3A_35 : memref<40x125xi32, #tpu.memory_space<hbm>>) target(%arg9 : memref<40x125xi32, #tpu.memory_space<vmem>>) target_semaphore(%run_scoped3A : memref<!tpu.dma_semaphore, #tpu.memory_space<semaphore_mem>>)
      %dma_wait3A = arith.constant 0 : i32
      %dma_wait3A_36 = arith.constant 0 : i32
      %dma_wait3A_37 = tpu.memref_slice %arg4[%add3A, %dma_wait3A, %dma_wait3A_36] : memref<32x40x125xi32, #tpu.memory_space<hbm>> -> memref<1x40x125xi32, #tpu.memory_space<hbm>>
      %dma_wait3A_38 = tpu.memref_squeeze %dma_wait3A_37 : memref<1x40x125xi32, #tpu.memory_space<hbm>> -> memref<40x125xi32, #tpu.memory_space<hbm>>
      %dma_wait3A_39 = arith.constant 0 : i32
      %dma_wait3A_40 = arith.constant 0 : i32
      %dma_wait3A_41 = tpu.memref_slice %arg4[%add3A, %dma_wait3A_39, %dma_wait3A_40] : memref<32x40x125xi32, #tpu.memory_space<hbm>> -> memref<1x40x125xi32, #tpu.memory_space<hbm>>
      %dma_wait3A_42 = tpu.memref_squeeze %dma_wait3A_41 : memref<1x40x125xi32, #tpu.memory_space<hbm>> -> memref<40x125xi32, #tpu.memory_space<hbm>>
      tpu.wait_dma2 semaphore(%run_scoped3A : memref<!tpu.dma_semaphore, #tpu.memory_space<semaphore_mem>>) src(%dma_wait3A_42 : memref<40x125xi32, #tpu.memory_space<hbm>>) dst(%arg9 : memref<40x125xi32, #tpu.memory_space<vmem>>)
      tpu.yield
    }) : () -> ()
    %barrier3A = arith.constant 0 : index
    tpu.barrier barrier_id(%barrier3A)
    %dma_start3A = arith.constant 0 : i32
    %dma_start3A_5 = arith.constant 0 : i32
    %dma_start3A_6 = tpu.memref_slice %arg8[%dma_start3A, %dma_start3A_5] : memref<40x125xi32, #tpu.memory_space<vmem>> -> memref<1x125xi32, #tpu.memory_space<vmem>>
    %dma_start3A_7 = tpu.memref_squeeze %dma_start3A_6 : memref<1x125xi32, #tpu.memory_space<vmem>> -> memref<125xi32, #tpu.memory_space<vmem>>
    %dma_start3A_8 = arith.constant 0 : i32
    %dma_start3A_9 = arith.constant 0 : i32
    %dma_start3A_10 = tpu.memref_slice %arg2[%dma_start3A_8, %dma_start3A_9] : memref<10240x128xf32, #tpu.memory_space<hbm>> -> memref<10240x128xf32, #tpu.memory_space<hbm>>
    tpu.enqueue_indirect_dma source(%dma_start3A_10 : memref<10240x128xf32, #tpu.memory_space<hbm>>) target(%arg10 : memref<125x128xf32, #tpu.memory_space<vmem>>) offsets(%dma_start3A_7 : memref<125xi32, #tpu.memory_space<vmem>>) semaphore(%arg12 : memref<!tpu.dma_semaphore, #tpu.memory_space<semaphore_mem>>)
    %dma_start3A_11 = arith.constant 1 : i32
    %dma_start3A_12 = arith.constant 0 : i32
    %dma_start3A_13 = tpu.memref_slice %arg8[%dma_start3A_11, %dma_start3A_12] : memref<40x125xi32, #tpu.memory_space<vmem>> -> memref<1x125xi32, #tpu.memory_space<vmem>>
    %dma_start3A_14 = tpu.memref_squeeze %dma_start3A_13 : memref<1x125xi32, #tpu.memory_space<vmem>> -> memref<125xi32, #tpu.memory_space<vmem>>
    %dma_start3A_15 = arith.constant 0 : i32
    %dma_start3A_16 = arith.constant 0 : i32
    %dma_start3A_17 = tpu.memref_slice %arg2[%dma_start3A_15, %dma_start3A_16] : memref<10240x128xf32, #tpu.memory_space<hbm>> -> memref<10240x128xf32, #tpu.memory_space<hbm>>
    tpu.enqueue_indirect_dma source(%dma_start3A_17 : memref<10240x128xf32, #tpu.memory_space<hbm>>) target(%arg11 : memref<125x128xf32, #tpu.memory_space<vmem>>) offsets(%dma_start3A_14 : memref<125xi32, #tpu.memory_space<vmem>>) semaphore(%arg13 : memref<!tpu.dma_semaphore, #tpu.memory_space<semaphore_mem>>)
    %scan3A = arith.constant 0 : i32
    %scan3A_18 = arith.constant 0 : i32
    %scan3A_19 = arith.constant 20 : i32
    %scan3A_20 = arith.addi %scan3A_18, %scan3A_19 : i32
    %scan3A_21 = arith.constant 1 : i32
    scf.for %scan3A_28 = %scan3A_18 to %scan3A_20 step %scan3A_21  : i32 {
      %mul3A_29 = arith.constant 2 : i32
      %mul3A_30 = arith.muli %scan3A_28, %mul3A_29 : i32
      %add3A_31 = arith.constant 0 : i32
      %add3A_32 = arith.addi %mul3A_30, %add3A_31 : i32
      %dma_wait3A = arith.constant 0 : i32
      %dma_wait3A_33 = tpu.memref_slice %arg8[%add3A_32, %dma_wait3A] : memref<40x125xi32, #tpu.memory_space<vmem>> -> memref<1x125xi32, #tpu.memory_space<vmem>>
      %dma_wait3A_34 = tpu.memref_squeeze %dma_wait3A_33 : memref<1x125xi32, #tpu.memory_space<vmem>> -> memref<125xi32, #tpu.memory_space<vmem>>
      %dma_wait3A_35 = arith.constant 0 : i32
      %dma_wait3A_36 = arith.constant 0 : i32
      %dma_wait3A_37 = tpu.memref_slice %arg2[%dma_wait3A_35, %dma_wait3A_36] : memref<10240x128xf32, #tpu.memory_space<hbm>> -> memref<10240x128xf32, #tpu.memory_space<hbm>>
      tpu.wait_indirect_dma semaphore(%arg12 : memref<!tpu.dma_semaphore, #tpu.memory_space<semaphore_mem>>) src(%dma_wait3A_37 : memref<10240x128xf32, #tpu.memory_space<hbm>>) dst(%arg10 : memref<125x128xf32, #tpu.memory_space<vmem>>)
      "tpu.region"() ({
        %run_scoped3A = tpu.sem_alloc : memref<!tpu.dma_semaphore, #tpu.memory_space<semaphore_mem>>
        %dma_start3A_59 = arith.constant 0 : i32
        %dma_start3A_60 = tpu.memref_slice %arg9[%add3A_32, %dma_start3A_59] : memref<40x125xi32, #tpu.memory_space<vmem>> -> memref<1x125xi32, #tpu.memory_space<vmem>>
        %dma_start3A_61 = tpu.memref_squeeze %dma_start3A_60 : memref<1x125xi32, #tpu.memory_space<vmem>> -> memref<125xi32, #tpu.memory_space<vmem>>
        %dma_start3A_62 = arith.constant 0 : i32
        %dma_start3A_63 = arith.constant 0 : i32
        %dma_start3A_64 = tpu.memref_slice %arg7[%dma_start3A_62, %dma_start3A_63] : memref<10240x128xf32, #tpu.memory_space<vmem_shared>> -> memref<10240x128xf32, #tpu.memory_space<vmem_shared>>
        tpu.enqueue_indirect_dma source(%arg10 : memref<125x128xf32, #tpu.memory_space<vmem>>) target(%dma_start3A_64 : memref<10240x128xf32, #tpu.memory_space<vmem_shared>>) offsets(%dma_start3A_61 : memref<125xi32, #tpu.memory_space<vmem>>) semaphore(%run_scoped3A : memref<!tpu.dma_semaphore, #tpu.memory_space<semaphore_mem>>) {add = true}
        %dma_wait3A_65 = arith.constant 0 : i32
        %dma_wait3A_66 = tpu.memref_slice %arg9[%add3A_32, %dma_wait3A_65] : memref<40x125xi32, #tpu.memory_space<vmem>> -> memref<1x125xi32, #tpu.memory_space<vmem>>
        %dma_wait3A_67 = tpu.memref_squeeze %dma_wait3A_66 : memref<1x125xi32, #tpu.memory_space<vmem>> -> memref<125xi32, #tpu.memory_space<vmem>>
        %dma_wait3A_68 = arith.constant 0 : i32
        %dma_wait3A_69 = arith.constant 0 : i32
        %dma_wait3A_70 = tpu.memref_slice %arg7[%dma_wait3A_68, %dma_wait3A_69] : memref<10240x128xf32, #tpu.memory_space<vmem_shared>> -> memref<10240x128xf32, #tpu.memory_space<vmem_shared>>
        tpu.wait_indirect_dma semaphore(%run_scoped3A : memref<!tpu.dma_semaphore, #tpu.memory_space<semaphore_mem>>) src(%arg10 : memref<125x128xf32, #tpu.memory_space<vmem>>) dst(%dma_wait3A_70 : memref<10240x128xf32, #tpu.memory_space<vmem_shared>>)
        tpu.yield
      }) : () -> ()
      %add3A_38 = arith.constant 2 : i32
      %add3A_39 = arith.addi %add3A_32, %add3A_38 : i32
      %lt3A = arith.constant 40 : i32
      %lt3A_40 = arith.cmpi slt, %add3A_39, %lt3A : i32
      %convert_element_type3A = arith.extui %lt3A_40 : i1 to i32
      %cond3A = arith.constant 0 : i32
      %cond3A_41 = arith.cmpi ne, %convert_element_type3A, %cond3A : i32
      scf.if %cond3A_41 {
        %add3A_59 = arith.constant 2 : i32
        %add3A_60 = arith.addi %add3A_32, %add3A_59 : i32
        %dma_start3A_61 = arith.constant 0 : i32
        %dma_start3A_62 = tpu.memref_slice %arg8[%add3A_60, %dma_start3A_61] : memref<40x125xi32, #tpu.memory_space<vmem>> -> memref<1x125xi32, #tpu.memory_space<vmem>>
        %dma_start3A_63 = tpu.memref_squeeze %dma_start3A_62 : memref<1x125xi32, #tpu.memory_space<vmem>> -> memref<125xi32, #tpu.memory_space<vmem>>
        %dma_start3A_64 = arith.constant 0 : i32
        %dma_start3A_65 = arith.constant 0 : i32
        %dma_start3A_66 = tpu.memref_slice %arg2[%dma_start3A_64, %dma_start3A_65] : memref<10240x128xf32, #tpu.memory_space<hbm>> -> memref<10240x128xf32, #tpu.memory_space<hbm>>
        tpu.enqueue_indirect_dma source(%dma_start3A_66 : memref<10240x128xf32, #tpu.memory_space<hbm>>) target(%arg10 : memref<125x128xf32, #tpu.memory_space<vmem>>) offsets(%dma_start3A_63 : memref<125xi32, #tpu.memory_space<vmem>>) semaphore(%arg12 : memref<!tpu.dma_semaphore, #tpu.memory_space<semaphore_mem>>)
      } else {
      }
      %mul3A_42 = arith.constant 2 : i32
      %mul3A_43 = arith.muli %scan3A_28, %mul3A_42 : i32
      %add3A_44 = arith.constant 1 : i32
      %add3A_45 = arith.addi %mul3A_43, %add3A_44 : i32
      %dma_wait3A_46 = arith.constant 0 : i32
      %dma_wait3A_47 = tpu.memref_slice %arg8[%add3A_45, %dma_wait3A_46] : memref<40x125xi32, #tpu.memory_space<vmem>> -> memref<1x125xi32, #tpu.memory_space<vmem>>
      %dma_wait3A_48 = tpu.memref_squeeze %dma_wait3A_47 : memref<1x125xi32, #tpu.memory_space<vmem>> -> memref<125xi32, #tpu.memory_space<vmem>>
      %dma_wait3A_49 = arith.constant 0 : i32
      %dma_wait3A_50 = arith.constant 0 : i32
      %dma_wait3A_51 = tpu.memref_slice %arg2[%dma_wait3A_49, %dma_wait3A_50] : memref<10240x128xf32, #tpu.memory_space<hbm>> -> memref<10240x128xf32, #tpu.memory_space<hbm>>
      tpu.wait_indirect_dma semaphore(%arg13 : memref<!tpu.dma_semaphore, #tpu.memory_space<semaphore_mem>>) src(%dma_wait3A_51 : memref<10240x128xf32, #tpu.memory_space<hbm>>) dst(%arg11 : memref<125x128xf32, #tpu.memory_space<vmem>>)
      "tpu.region"() ({
        %run_scoped3A = tpu.sem_alloc : memref<!tpu.dma_semaphore, #tpu.memory_space<semaphore_mem>>
        %dma_start3A_59 = arith.constant 0 : i32
        %dma_start3A_60 = tpu.memref_slice %arg9[%add3A_45, %dma_start3A_59] : memref<40x125xi32, #tpu.memory_space<vmem>> -> memref<1x125xi32, #tpu.memory_space<vmem>>
        %dma_start3A_61 = tpu.memref_squeeze %dma_start3A_60 : memref<1x125xi32, #tpu.memory_space<vmem>> -> memref<125xi32, #tpu.memory_space<vmem>>
        %dma_start3A_62 = arith.constant 0 : i32
        %dma_start3A_63 = arith.constant 0 : i32
        %dma_start3A_64 = tpu.memref_slice %arg7[%dma_start3A_62, %dma_start3A_63] : memref<10240x128xf32, #tpu.memory_space<vmem_shared>> -> memref<10240x128xf32, #tpu.memory_space<vmem_shared>>
        tpu.enqueue_indirect_dma source(%arg11 : memref<125x128xf32, #tpu.memory_space<vmem>>) target(%dma_start3A_64 : memref<10240x128xf32, #tpu.memory_space<vmem_shared>>) offsets(%dma_start3A_61 : memref<125xi32, #tpu.memory_space<vmem>>) semaphore(%run_scoped3A : memref<!tpu.dma_semaphore, #tpu.memory_space<semaphore_mem>>) {add = true}
        %dma_wait3A_65 = arith.constant 0 : i32
        %dma_wait3A_66 = tpu.memref_slice %arg9[%add3A_45, %dma_wait3A_65] : memref<40x125xi32, #tpu.memory_space<vmem>> -> memref<1x125xi32, #tpu.memory_space<vmem>>
        %dma_wait3A_67 = tpu.memref_squeeze %dma_wait3A_66 : memref<1x125xi32, #tpu.memory_space<vmem>> -> memref<125xi32, #tpu.memory_space<vmem>>
        %dma_wait3A_68 = arith.constant 0 : i32
        %dma_wait3A_69 = arith.constant 0 : i32
        %dma_wait3A_70 = tpu.memref_slice %arg7[%dma_wait3A_68, %dma_wait3A_69] : memref<10240x128xf32, #tpu.memory_space<vmem_shared>> -> memref<10240x128xf32, #tpu.memory_space<vmem_shared>>
        tpu.wait_indirect_dma semaphore(%run_scoped3A : memref<!tpu.dma_semaphore, #tpu.memory_space<semaphore_mem>>) src(%arg11 : memref<125x128xf32, #tpu.memory_space<vmem>>) dst(%dma_wait3A_70 : memref<10240x128xf32, #tpu.memory_space<vmem_shared>>)
        tpu.yield
      }) : () -> ()
      %add3A_52 = arith.constant 2 : i32
      %add3A_53 = arith.addi %add3A_45, %add3A_52 : i32
      %lt3A_54 = arith.constant 40 : i32
      %lt3A_55 = arith.cmpi slt, %add3A_53, %lt3A_54 : i32
      %convert_element_type3A_56 = arith.extui %lt3A_55 : i1 to i32
      %cond3A_57 = arith.constant 0 : i32
      %cond3A_58 = arith.cmpi ne, %convert_element_type3A_56, %cond3A_57 : i32
      scf.if %cond3A_58 {
        %add3A_59 = arith.constant 2 : i32
        %add3A_60 = arith.addi %add3A_45, %add3A_59 : i32
        %dma_start3A_61 = arith.constant 0 : i32
        %dma_start3A_62 = tpu.memref_slice %arg8[%add3A_60, %dma_start3A_61] : memref<40x125xi32, #tpu.memory_space<vmem>> -> memref<1x125xi32, #tpu.memory_space<vmem>>
        %dma_start3A_63 = tpu.memref_squeeze %dma_start3A_62 : memref<1x125xi32, #tpu.memory_space<vmem>> -> memref<125xi32, #tpu.memory_space<vmem>>
        %dma_start3A_64 = arith.constant 0 : i32
        %dma_start3A_65 = arith.constant 0 : i32
        %dma_start3A_66 = tpu.memref_slice %arg2[%dma_start3A_64, %dma_start3A_65] : memref<10240x128xf32, #tpu.memory_space<hbm>> -> memref<10240x128xf32, #tpu.memory_space<hbm>>
        tpu.enqueue_indirect_dma source(%dma_start3A_66 : memref<10240x128xf32, #tpu.memory_space<hbm>>) target(%arg11 : memref<125x128xf32, #tpu.memory_space<vmem>>) offsets(%dma_start3A_63 : memref<125xi32, #tpu.memory_space<vmem>>) semaphore(%arg13 : memref<!tpu.dma_semaphore, #tpu.memory_space<semaphore_mem>>)
      } else {
      }
    }
    %scan3A_22 = arith.constant 20 : i32
    %barrier3A_23 = arith.constant 0 : index
    tpu.barrier barrier_id(%barrier3A_23)
    %mul3A_24 = arith.constant 640 : i32
    %mul3A_25 = arith.muli %arg1, %mul3A_24 : i32
    %mul3A_26 = arith.constant 640 : i32
    %mul3A_27 = arith.muli %arg1, %mul3A_26 : i32
    "tpu.region"() ({
      %run_scoped3A = tpu.sem_alloc : memref<!tpu.dma_semaphore, #tpu.memory_space<semaphore_mem>>
      %dma_start3A_28 = arith.constant 0 : i32
      %dma_start3A_29 = arith.constant 0 : i32
      %dma_start3A_30 = tpu.memref_slice %arg6[%arg0, %dma_start3A_28, %dma_start3A_29] : memref<2x10240x128xf32, #tpu.memory_space<hbm>> -> memref<1x10240x128xf32, #tpu.memory_space<hbm>>
      %dma_start3A_31 = tpu.memref_squeeze %dma_start3A_30 : memref<1x10240x128xf32, #tpu.memory_space<hbm>> -> memref<10240x128xf32, #tpu.memory_space<hbm>>
      %dma_start3A_32 = arith.constant 0 : i32
      %dma_start3A_33 = tpu.memref_slice %dma_start3A_31[%mul3A_27, %dma_start3A_32] : memref<10240x128xf32, #tpu.memory_space<hbm>> -> memref<640x128xf32, #tpu.memory_space<hbm>>
      %dma_start3A_34 = arith.constant 0 : i32
      %dma_start3A_35 = tpu.memref_slice %arg7[%mul3A_25, %dma_start3A_34] : memref<10240x128xf32, #tpu.memory_space<vmem_shared>> -> memref<640x128xf32, #tpu.memory_space<vmem_shared>>
      tpu.enqueue_dma source(%dma_start3A_35 : memref<640x128xf32, #tpu.memory_space<vmem_shared>>) target(%dma_start3A_33 : memref<640x128xf32, #tpu.memory_space<hbm>>) target_semaphore(%run_scoped3A : memref<!tpu.dma_semaphore, #tpu.memory_space<semaphore_mem>>)
      %dma_wait3A = arith.constant 0 : i32
      %dma_wait3A_36 = arith.constant 0 : i32
      %dma_wait3A_37 = tpu.memref_slice %arg6[%arg0, %dma_wait3A, %dma_wait3A_36] : memref<2x10240x128xf32, #tpu.memory_space<hbm>> -> memref<1x10240x128xf32, #tpu.memory_space<hbm>>
      %dma_wait3A_38 = tpu.memref_squeeze %dma_wait3A_37 : memref<1x10240x128xf32, #tpu.memory_space<hbm>> -> memref<10240x128xf32, #tpu.memory_space<hbm>>
      %dma_wait3A_39 = arith.constant 0 : i32
      %dma_wait3A_40 = tpu.memref_slice %dma_wait3A_38[%mul3A_27, %dma_wait3A_39] : memref<10240x128xf32, #tpu.memory_space<hbm>> -> memref<640x128xf32, #tpu.memory_space<hbm>>
      %dma_wait3A_41 = arith.constant 0 : i32
      %dma_wait3A_42 = tpu.memref_slice %arg7[%mul3A_25, %dma_wait3A_41] : memref<10240x128xf32, #tpu.memory_space<vmem_shared>> -> memref<640x128xf32, #tpu.memory_space<vmem_shared>>
      tpu.wait_dma2 semaphore(%run_scoped3A : memref<!tpu.dma_semaphore, #tpu.memory_space<semaphore_mem>>) src(%dma_wait3A_42 : memref<640x128xf32, #tpu.memory_space<vmem_shared>>) dst(%dma_wait3A_40 : memref<640x128xf32, #tpu.memory_space<hbm>>)
      tpu.yield
    }) : () -> ()
    return
  }
}

module attributes {stable_mosaic.version = 14 : i64} {
  func.func @body(%arg0: i32, %arg1: memref<512x128xf32, #tpu.memory_space<vmem>>, %arg2: memref<128x128xf32, #tpu.memory_space<vmem>>, %arg3: memref<1x128xf32, #tpu.memory_space<vmem>>, %arg4: memref<2x512x16xf32, #tpu.memory_space<vmem>>, %arg5: memref<512x128xf32, #tpu.memory_space<vmem>>) attributes {dimension_semantics = [#tpu.dimension_semantics<arbitrary>], iteration_bounds = array<i64: 20>, scalar_prefetch = 0 : i64, scratch_operands = 0 : i64, tpu.core_type = #tpu.core_type<tc>, window_params = [{transform_indices = @transform_0, window_bounds = array<i64: 512, 128>}, {pipeline_mode = #tpu.pipeline_mode<synchronous>, transform_indices = @transform_1, window_bounds = array<i64: 128, 128>}, {pipeline_mode = #tpu.pipeline_mode<synchronous>, transform_indices = @transform_2, window_bounds = array<i64: 1, 128>}, {transform_indices = @transform_3, window_bounds = array<i64: 2, 512, 16>}, {transform_indices = @transform_4, window_bounds = array<i64: 512, 128>}]} {
    %get3A = arith.constant 0 : index
    %get3A_0 = arith.constant 0 : index
    %get3A_1 = vector.load %arg2[%get3A, %get3A_0] : memref<128x128xf32, #tpu.memory_space<vmem>>, vector<128x128xf32>
    %get3A_2 = arith.constant 0 : index
    %get3A_3 = arith.constant 0 : index
    %get3A_4 = vector.load %arg3[%get3A_2, %get3A_3] : memref<1x128xf32, #tpu.memory_space<vmem>>, vector<1x128xf32>
    %dot_general3A = arith.constant dense<0.000000e+00> : vector<1x128xf32>
    %dot_general3A_5 = tpu.matmul %get3A_4, %get3A_1, %dot_general3A {dimension_numbers = #tpu.dot_dimension_numbers<[1], [0], [0], [1], [0, 0, 1, 1], [], []>, transpose_lhs_hint = false} : vector<1x128xf32>, vector<128x128xf32>, vector<1x128xf32> -> vector<1x128xf32>
    %mul3A = arith.mulf %dot_general3A_5, %dot_general3A_5 : vector<1x128xf32>
    %reduce_sum3A = vector.shape_cast %mul3A : vector<1x128xf32> to vector<1x1x128xf32>
    %reduce_sum3A_6 = arith.constant dense<0.000000e+00> : vector<1xf32>
    %reduce_sum3A_7 = vector.multi_reduction <add>, %reduce_sum3A, %reduce_sum3A_6 [1, 2] : vector<1x1x128xf32> to vector<1xf32>
    %reduce_sum3A_8 = vector.shape_cast %reduce_sum3A_7 : vector<1xf32> to vector<1x1x1xf32>
    %reduce_sum3A_9 = vector.extract %reduce_sum3A_8[0, 0, 0] : f32 from vector<1x1x1xf32>
    %sqrt3A = math.sqrt %reduce_sum3A_9 : f32
    %add3A = arith.constant 9.99999996E-13 : f32
    %add3A_10 = arith.addf %sqrt3A, %add3A : f32
    %div3A = vector.broadcast %add3A_10 : f32 to vector<1x128xf32>
    %div3A_11 = arith.divf %dot_general3A_5, %div3A : vector<1x128xf32>
    %dot_general3A_12 = arith.constant dense<0.000000e+00> : vector<1x128xf32>
    %dot_general3A_13 = tpu.matmul %div3A_11, %get3A_1, %dot_general3A_12 {dimension_numbers = #tpu.dot_dimension_numbers<[1], [1], [0], [0], [0, 0, 1, 0], [], []>, transpose_lhs_hint = false} : vector<1x128xf32>, vector<128x128xf32>, vector<1x128xf32> -> vector<1x128xf32>
    %mul3A_14 = arith.mulf %dot_general3A_13, %dot_general3A_13 : vector<1x128xf32>
    %reduce_sum3A_15 = vector.shape_cast %mul3A_14 : vector<1x128xf32> to vector<1x1x128xf32>
    %reduce_sum3A_16 = arith.constant dense<0.000000e+00> : vector<1xf32>
    %reduce_sum3A_17 = vector.multi_reduction <add>, %reduce_sum3A_15, %reduce_sum3A_16 [1, 2] : vector<1x1x128xf32> to vector<1xf32>
    %reduce_sum3A_18 = vector.shape_cast %reduce_sum3A_17 : vector<1xf32> to vector<1x1x1xf32>
    %reduce_sum3A_19 = vector.extract %reduce_sum3A_18[0, 0, 0] : f32 from vector<1x1x1xf32>
    %sqrt3A_20 = math.sqrt %reduce_sum3A_19 : f32
    %add3A_21 = arith.constant 9.99999996E-13 : f32
    %add3A_22 = arith.addf %sqrt3A_20, %add3A_21 : f32
    %div3A_23 = vector.broadcast %add3A_22 : f32 to vector<1x128xf32>
    %div3A_24 = arith.divf %dot_general3A_13, %div3A_23 : vector<1x128xf32>
    %mul3A_25 = arith.mulf %div3A_24, %dot_general3A_13 : vector<1x128xf32>
    %reduce_sum3A_26 = vector.shape_cast %mul3A_25 : vector<1x128xf32> to vector<1x1x128xf32>
    %reduce_sum3A_27 = arith.constant dense<0.000000e+00> : vector<1xf32>
    %reduce_sum3A_28 = vector.multi_reduction <add>, %reduce_sum3A_26, %reduce_sum3A_27 [1, 2] : vector<1x1x128xf32> to vector<1xf32>
    %reduce_sum3A_29 = vector.shape_cast %reduce_sum3A_28 : vector<1xf32> to vector<1x1x1xf32>
    %reduce_sum3A_30 = vector.extract %reduce_sum3A_29[0, 0, 0] : f32 from vector<1x1x1xf32>
    %div3A_31 = vector.broadcast %reduce_sum3A_30 : f32 to vector<128x128xf32>
    %div3A_32 = arith.divf %get3A_1, %div3A_31 : vector<128x128xf32>
    %get3A_33 = arith.constant 0 : index
    %get3A_34 = arith.constant 0 : index
    %get3A_35 = arith.constant 0 : index
    %get3A_36 = vector.load %arg4[%get3A_33, %get3A_34, %get3A_35] : memref<2x512x16xf32, #tpu.memory_space<vmem>>, vector<2x512x16xf32>
    %slice3A = vector.extract_strided_slice %get3A_36 {offsets = [0, 0, 0], sizes = [1, 512, 16], strides = [1, 1, 1]} : vector<2x512x16xf32> to vector<1x512x16xf32>
    %squeeze3A = vector.shape_cast %slice3A : vector<1x512x16xf32> to vector<512x16xf32>
    %slice3A_37 = vector.extract_strided_slice %get3A_36 {offsets = [1, 0, 0], sizes = [1, 512, 16], strides = [1, 1, 1]} : vector<2x512x16xf32> to vector<1x512x16xf32>
    %squeeze3A_38 = vector.shape_cast %slice3A_37 : vector<1x512x16xf32> to vector<512x16xf32>
    %add3A_39 = arith.addf %squeeze3A, %squeeze3A_38 : vector<512x16xf32>
    %add3A_40 = arith.constant 1.000000e+00 : f32
    %add3A_41 = vector.broadcast %add3A_40 : f32 to vector<512x16xf32>
    %add3A_42 = arith.addf %add3A_39, %add3A_41 : vector<512x16xf32>
    %slice3A_43 = vector.extract_strided_slice %add3A_42 {offsets = [0, 0], sizes = [512, 1], strides = [1, 1]} : vector<512x16xf32> to vector<512x1xf32>
    %rsqrt3A = math.rsqrt %slice3A_43 : vector<512x1xf32>
    %get3A_44 = arith.constant 0 : index
    %get3A_45 = arith.constant 0 : index
    %get3A_46 = vector.load %arg1[%get3A_44, %get3A_45] : memref<512x128xf32, #tpu.memory_space<vmem>>, vector<512x128xf32>
    %dot_general3A_47 = arith.constant dense<0.000000e+00> : vector<512x128xf32>
    %dot_general3A_48 = tpu.matmul %get3A_46, %div3A_32, %dot_general3A_47 {dimension_numbers = #tpu.dot_dimension_numbers<[1], [1], [0], [0], [0, 0, 1, 0], [], []>, transpose_lhs_hint = false} : vector<512x128xf32>, vector<128x128xf32>, vector<512x128xf32> -> vector<512x128xf32>
    %mul3A_49 = vector.broadcast %rsqrt3A : vector<512x1xf32> to vector<512x128xf32>
    %mul3A_50 = arith.mulf %dot_general3A_48, %mul3A_49 : vector<512x128xf32>
    %swap3A = arith.constant 0 : index
    %swap3A_51 = arith.constant 0 : index
    %swap3A_52 = vector.load %arg5[%swap3A, %swap3A_51] : memref<512x128xf32, #tpu.memory_space<vmem>>, vector<512x128xf32>
    tpu.vector_store %arg5[%swap3A, %swap3A_51], %mul3A_50 {strides = array<i32>} : memref<512x128xf32, #tpu.memory_space<vmem>>, vector<512x128xf32>,
    return
  }
  func.func @transform_0(%arg0: i32) -> (i32, i32) {
    %c0_i32 = arith.constant 0 : i32
    %c0_i32_0 = arith.constant 0 : i32
    return %arg0, %c0_i32 : i32, i32
  }
  func.func @transform_1(%arg0: i32) -> (i32, i32) {
    %c0_i32 = arith.constant 0 : i32
    %c0_i32_0 = arith.constant 0 : i32
    %c0_i32_1 = arith.constant 0 : i32
    return %c0_i32, %c0_i32_0 : i32, i32
  }
  func.func @transform_2(%arg0: i32) -> (i32, i32) {
    %c0_i32 = arith.constant 0 : i32
    %c0_i32_0 = arith.constant 0 : i32
    %c0_i32_1 = arith.constant 0 : i32
    return %c0_i32, %c0_i32_0 : i32, i32
  }
  func.func @transform_3(%arg0: i32) -> (i32, i32, i32) {
    %c0_i32 = arith.constant 0 : i32
    %c0_i32_0 = arith.constant 0 : i32
    %c0_i32_1 = arith.constant 0 : i32
    return %c0_i32, %arg0, %c0_i32_0 : i32, i32, i32
  }
  func.func @transform_4(%arg0: i32) -> (i32, i32) {
    %c0_i32 = arith.constant 0 : i32
    %c0_i32_0 = arith.constant 0 : i32
    return %arg0, %c0_i32 : i32, i32
  }
}

module attributes {stable_mosaic.version = 14 : i64} {
  func.func @body(%arg0: i32, %arg1: memref<2x512x128xf32, #tpu.memory_space<vmem>>, %arg2: memref<512x128xf32, #tpu.memory_space<vmem>>, %arg3: memref<2x512x16xf32, #tpu.memory_space<vmem>>, %arg4: memref<1x128xf32, #tpu.memory_space<vmem>>, %arg5: memref<1x1xf32, #tpu.memory_space<smem>>, %arg6: memref<512x128xf32, #tpu.memory_space<vmem>>) attributes {dimension_semantics = [#tpu.dimension_semantics<arbitrary>], iteration_bounds = array<i64: 20>, scalar_prefetch = 0 : i64, scratch_operands = 0 : i64, tpu.core_type = #tpu.core_type<tc>, window_params = [{transform_indices = @transform_0, window_bounds = array<i64: 2, 512, 128>}, {transform_indices = @transform_1, window_bounds = array<i64: 512, 128>}, {transform_indices = @transform_2, window_bounds = array<i64: 2, 512, 16>}, {pipeline_mode = #tpu.pipeline_mode<synchronous>, transform_indices = @transform_3, window_bounds = array<i64: 1, 128>}, {transform_indices = @transform_4, window_bounds = array<i64: 1, 1>}, {transform_indices = @transform_5, window_bounds = array<i64: 512, 128>}]} {
    %get3A = arith.constant 0 : index
    %get3A_0 = arith.constant 0 : index
    %get3A_1 = arith.constant 0 : index
    %get3A_2 = vector.load %arg1[%get3A, %get3A_0, %get3A_1] : memref<2x512x128xf32, #tpu.memory_space<vmem>>, vector<1x512x128xf32>
    %get3A_3 = vector.shape_cast %get3A_2 : vector<1x512x128xf32> to vector<512x128xf32>
    %get3A_4 = arith.constant 1 : index
    %get3A_5 = arith.constant 0 : index
    %get3A_6 = arith.constant 0 : index
    %get3A_7 = vector.load %arg1[%get3A_4, %get3A_5, %get3A_6] : memref<2x512x128xf32, #tpu.memory_space<vmem>>, vector<1x512x128xf32>
    %get3A_8 = vector.shape_cast %get3A_7 : vector<1x512x128xf32> to vector<512x128xf32>
    %add3A = arith.addf %get3A_3, %get3A_8 : vector<512x128xf32>
    %get3A_9 = arith.constant 0 : index
    %get3A_10 = arith.constant 0 : index
    %get3A_11 = arith.constant 0 : index
    %get3A_12 = vector.load %arg3[%get3A_9, %get3A_10, %get3A_11] : memref<2x512x16xf32, #tpu.memory_space<vmem>>, vector<2x512x16xf32>
    %slice3A = vector.extract_strided_slice %get3A_12 {offsets = [0, 0, 0], sizes = [1, 512, 16], strides = [1, 1, 1]} : vector<2x512x16xf32> to vector<1x512x16xf32>
    %squeeze3A = vector.shape_cast %slice3A : vector<1x512x16xf32> to vector<512x16xf32>
    %slice3A_13 = vector.extract_strided_slice %get3A_12 {offsets = [1, 0, 0], sizes = [1, 512, 16], strides = [1, 1, 1]} : vector<2x512x16xf32> to vector<1x512x16xf32>
    %squeeze3A_14 = vector.shape_cast %slice3A_13 : vector<1x512x16xf32> to vector<512x16xf32>
    %add3A_15 = arith.addf %squeeze3A, %squeeze3A_14 : vector<512x16xf32>
    %add3A_16 = arith.constant 1.000000e+00 : f32
    %add3A_17 = vector.broadcast %add3A_16 : f32 to vector<512x16xf32>
    %add3A_18 = arith.addf %add3A_15, %add3A_17 : vector<512x16xf32>
    %slice3A_19 = vector.extract_strided_slice %add3A_18 {offsets = [0, 0], sizes = [512, 1], strides = [1, 1]} : vector<512x16xf32> to vector<512x1xf32>
    %rsqrt3A = math.rsqrt %slice3A_19 : vector<512x1xf32>
    %get3A_20 = arith.constant 0 : index
    %get3A_21 = arith.constant 0 : index
    %get3A_22 = vector.load %arg2[%get3A_20, %get3A_21] : memref<512x128xf32, #tpu.memory_space<vmem>>, vector<512x128xf32>
    %add3A_23 = arith.addf %add3A, %get3A_22 : vector<512x128xf32>
    %mul3A = vector.broadcast %rsqrt3A : vector<512x1xf32> to vector<512x128xf32>
    %mul3A_24 = arith.mulf %mul3A, %add3A_23 : vector<512x128xf32>
    %get3A_25 = arith.constant 0 : index
    %get3A_26 = arith.constant 0 : index
    %get3A_27 = vector.load %arg4[%get3A_25, %get3A_26] : memref<1x128xf32, #tpu.memory_space<vmem>>, vector<1x128xf32>
    %add3A_28 = vector.broadcast %get3A_27 : vector<1x128xf32> to vector<512x128xf32>
    %add3A_29 = arith.addf %mul3A_24, %add3A_28 : vector<512x128xf32>
    %get3A_30 = arith.constant 0 : index
    %get3A_31 = arith.constant 0 : index
    %get3A_32 = memref.load %arg5[%get3A_30, %get3A_31] : memref<1x1xf32, #tpu.memory_space<smem>>
    %ge3A = arith.constant 0.000000e+00 : f32
    %ge3A_33 = vector.broadcast %ge3A : f32 to vector<512x128xf32>
    %ge3A_34 = arith.cmpf oge, %add3A_29, %ge3A_33 : vector<512x128xf32>
    %mul3A_35 = vector.broadcast %get3A_32 : f32 to vector<512x128xf32>
    %mul3A_36 = arith.mulf %mul3A_35, %add3A_29 : vector<512x128xf32>
    %select_n3A = arith.select %ge3A_34, %add3A_29, %mul3A_36 : vector<512x128xi1>, vector<512x128xf32>
    %swap3A = arith.constant 0 : index
    %swap3A_37 = arith.constant 0 : index
    %swap3A_38 = vector.load %arg6[%swap3A, %swap3A_37] : memref<512x128xf32, #tpu.memory_space<vmem>>, vector<512x128xf32>
    tpu.vector_store %arg6[%swap3A, %swap3A_37], %select_n3A {strides = array<i32>} : memref<512x128xf32, #tpu.memory_space<vmem>>, vector<512x128xf32>,
    return
  }
  func.func @transform_0(%arg0: i32) -> (i32, i32, i32) {
    %c0_i32 = arith.constant 0 : i32
    %c0_i32_0 = arith.constant 0 : i32
    %c0_i32_1 = arith.constant 0 : i32
    return %c0_i32, %arg0, %c0_i32_0 : i32, i32, i32
  }
  func.func @transform_1(%arg0: i32) -> (i32, i32) {
    %c0_i32 = arith.constant 0 : i32
    %c0_i32_0 = arith.constant 0 : i32
    return %arg0, %c0_i32 : i32, i32
  }
  func.func @transform_2(%arg0: i32) -> (i32, i32, i32) {
    %c0_i32 = arith.constant 0 : i32
    %c0_i32_0 = arith.constant 0 : i32
    %c0_i32_1 = arith.constant 0 : i32
    return %c0_i32, %arg0, %c0_i32_0 : i32, i32, i32
  }
  func.func @transform_3(%arg0: i32) -> (i32, i32) {
    %c0_i32 = arith.constant 0 : i32
    %c0_i32_0 = arith.constant 0 : i32
    %c0_i32_1 = arith.constant 0 : i32
    return %c0_i32, %c0_i32_0 : i32, i32
  }
  func.func @transform_4(%arg0: i32) -> (i32, i32) {
    %c0_i32 = arith.constant 0 : i32
    %c0_i32_0 = arith.constant 0 : i32
    %c0_i32_1 = arith.constant 0 : i32
    return %c0_i32, %c0_i32_0 : i32, i32
  }
  func.func @transform_5(%arg0: i32) -> (i32, i32) {
    %c0_i32 = arith.constant 0 : i32
    %c0_i32_0 = arith.constant 0 : i32
    return %arg0, %c0_i32 : i32, i32
  }
}

</mosaic_0001>

<sc_bundles>
// kernel: kernel.10.cloned.1.call-start
scs
__scs_entry_jumppad:
0x0: {  	(pc) =	sbr.rel $0x88, $3  }
0x1: {  	(tag) =	ssettag $0x0;
	lr =	simm.s32 $0x1  }
0x2: {  	[smem:$0x3F9B] =	sst lr;
	_ =	strace $0xD0000000  }
0x3: {  	_ = 	snop  }
0x4: {  	_ = 	snop  }
0x5: {  	_ = 	snop  }
0x6: {  	_ = 	snop  }
0x7: {  	_ = 	snop  }
__scs_overlays_trampoline_lowered:
0x8: {  	[smem:$0x3FAA] =	sst s0  }
0x9: {  	[smem:$0x3FAB] =	sst s1  }
0xa: {  	[smem:$0x3FAC] =	sst s2  }
0xb: {  	[smem:$0x3FAD] =	sst s3  }
0xc: {  	[smem:$0x3FAE] =	sst s4  }
0xd: {  	[smem:$0x3FAF] =	sst s5  }
0xe: {  	[smem:$0x3FB0] =	sst s6  }
0xf: {  	[smem:$0x3FB1] =	sst s7  }
0x10: {  	[smem:$0x3FB2] =	sst s8  }
0x11: {  	[smem:$0x3FB3] =	sst s9;
	s0 =	simm.s32 @!p0 $0x0  }
0x12: {  	s1 =	sld [smem:$0x3F99];
	s0 =	simm.s32 @p0 $0x1  }
0x13: {  	[smem:$0x3FB4] =	sst s0;
	s0 =	simm.s32 @!p1 $0x0  }
0x14: {  	s2 =	sld [smem:$0x3F98];
	s0 =	simm.s32 @p1 $0x1  }
0x15: {  	[smem:$0x3FB5] =	sst s0;
	s0 =	simm.s32 @!p2 $0x0  }
0x16: {  	s3 =	sld [smem:$0x3FDB];
	s0 =	simm.s32 @p2 $0x1  }
0x17: {  	s4 =	simm.s32 $0x1BF5;
	[smem:$0x3FB7] =	sst s0  }
0x18: {  	s0 =	sld [smem:$0x3F9A];
	_ =	swait.ge [sflag:s4], $0x0  }
0x19: {  	s7 =	sld [smem:$0x3F9B]  }
0x1a: {  	s8 =	sadd.s32 $0xFFFFE003, lr  }
0x1b: {  	s9 =	sadd.s32 $0xFFFFFEF7, lr;
	s5 =	simm.s32 $0xFFFFFFFF;
	p2 =	slt.u32 s8, $0xFFFFF086  }
0x1c: {  	p1 =	slt.u32 s9, $0xF7A;
	s5 =	simm.s32 @!p2 $0x0  }
0x1d: {  	s5 =	simm.s32 @p1 $0x1;
	p0 =	seq.s32 s7, s2  }
0x1e: {  	s7 =	smul.u32 @!p0 $0xF7A, s2;
	p2 =	seq.s32 @!p0 s5, $0x0  }
0x1f: {  	s9 =	smul.u32 $0xF7A, s1;
	s8 =	simm.s32 @!p0 $0x1BF5;
	p2 =	por !p2, p0  }
0x20: {  	[sflag:s8] =	ssyncset.s32 @!p0 $0xFFFFF086;
	s6 =	sadd.s32 @!p0 s3, s7;
	s7 =	simm.s32 @!p0 $0x108  }
0x21: {  	s3 =	sadd.s32 s3, s9;
	s6 =	sadd.s32 @!p0 $0x88, s6;
	s7 =	simm.s32 @p2 $0x1082  }
0x22: {  	[simem:s7], [sflag:s8] =	dma.local @!p0 [hbm:s6], $0xF7A  }
0x23: {  	s9 =	sor.u32 $0xD0000000, s2;
	s6 =	simm.s32 $0x108;
	_ =	swait.ge @!p0 [sflag:s8], $0x0  }
0x24: {  	s3 =	sadd.s32 $0x88, s3;
	s6 =	simm.s32 @!p1 $0x1082;
	[sflag:s4] =	ssyncset.s32 $0xFFFFF086  }
0x25: {  	[simem:s6], [sflag:s4] =	dma.local [hbm:s3], $0xF7A  }
0x26: {  	[smem:$0x3F9B] =	sst s1;
	(tag) =	ssettag s2;
	_ =	strace s9  }
0x27: {  	s1 =	sld [smem:$0x3FAB]  }
0x28: {  	s2 =	sld [smem:$0x3FAC]  }
0x29: {  	s4 =	sld [smem:$0x3FAE]  }
0x2a: {  	p0 =	seq.s32 s5, $0x0;
	s5 =	sld [smem:$0x3FAF]  }
0x2b: {  	s6 =	sld [smem:$0x3FB0]  }
0x2c: {  	s7 =	sld [smem:$0x3FB1]  }
0x2d: {  	s3 =	simm.s32 $0x108;
	s8 =	sld [smem:$0x3FB2]  }
0x2e: {  	s3 =	simm.s32 @!p0 $0x1082;
	s9 =	sld [smem:$0x3FB3]  }
0x2f: {  	lr =	sadd.s32 s0, s3;
	s0 =	sld [smem:$0x3FAA]  }
0x30: {  	s3 =	sld [smem:$0x3FAD]  }
0x31: {  	[smem:$0x3FB6] =	sst s10  }
0x32: {  	s10 =	sld [smem:$0x3FB4];
	_ =	sdelay $0x3  }
0x33: {  	p0 =	seq.s32 s10, $0x1;
	s10 =	sld [smem:$0x3FB6];
	_ =	sdelay $0x3  }
0x34: {  	[smem:$0x3FB6] =	sst s10  }
0x35: {  	s10 =	sld [smem:$0x3FB5];
	_ =	sdelay $0x3  }
0x36: {  	p1 =	seq.s32 s10, $0x1;
	s10 =	sld [smem:$0x3FB6];
	_ =	sdelay $0x3  }
0x37: {  	[smem:$0x3FB6] =	sst s10  }
0x38: {  	s10 =	sld [smem:$0x3FB7]  }
0x39: {  	_ = 	snop;
	(pc) =	sbr.ind lr, $3  }
0x3a: {  	_ = 	snop  }
0x3b: {  	_ = 	snop  }
0x3c: {  	p2 =	seq.s32 s10, $0x1;
	s10 =	sld [smem:$0x3FB6]  }
0x3d: {  	_ =	shalt  }
0x3e: {  	_ =	shalt  }
0x3f: {  	_ =	shalt  }
0x40: {  	_ =	shalt  }
0x41: {  	_ =	shalt  }
0x42: {  	_ =	shalt  }
0x43: {  	_ =	shalt  }
0x44: {  	_ =	shalt  }
0x45: {  	_ =	shalt  }
0x46: {  	_ =	shalt  }
0x47: {  	_ =	shalt  }
0x48: {  	_ =	shalt  }
0x49: {  	_ =	shalt  }
0x4a: {  	_ =	shalt  }
0x4b: {  	_ =	shalt  }
0x4c: {  	_ =	shalt  }
0x4d: {  	_ =	shalt  }
0x4e: {  	_ =	shalt  }
0x4f: {  	_ =	shalt  }
0x50: {  	_ =	shalt  }
0x51: {  	_ =	shalt  }
0x52: {  	_ =	shalt  }
0x53: {  	_ =	shalt  }
0x54: {  	_ =	shalt  }
0x55: {  	_ =	shalt  }
0x56: {  	_ =	shalt  }
0x57: {  	_ =	shalt  }
0x58: {  	_ =	shalt  }
0x59: {  	_ =	shalt  }
0x5a: {  	_ =	shalt  }
0x5b: {  	_ =	shalt  }
0x5c: {  	_ =	shalt  }
0x5d: {  	_ =	shalt  }
0x5e: {  	_ =	shalt  }
0x5f: {  	_ =	shalt  }
0x60: {  	_ =	shalt  }
0x61: {  	_ =	shalt  }
0x62: {  	_ =	shalt  }
0x63: {  	_ =	shalt  }
0x64: {  	_ =	shalt  }
0x65: {  	_ =	shalt  }
0x66: {  	_ =	shalt  }
0x67: {  	_ =	shalt  }
0x68: {  	_ =	shalt  }
0x69: {  	_ =	shalt  }
0x6a: {  	_ =	shalt  }
0x6b: {  	_ =	shalt  }
0x6c: {  	_ =	shalt  }
0x6d: {  	_ =	shalt  }
0x6e: {  	_ =	shalt  }
0x6f: {  	_ =	shalt  }
0x70: {  	_ =	shalt  }
0x71: {  	_ =	shalt  }
0x72: {  	_ =	shalt  }
0x73: {  	_ =	shalt  }
0x74: {  	_ =	shalt  }
0x75: {  	_ =	shalt  }
0x76: {  	_ =	shalt  }
0x77: {  	_ =	shalt  }
0x78: {  	_ =	shalt  }
0x79: {  	_ =	shalt  }
0x7a: {  	_ =	shalt  }
0x7b: {  	_ =	shalt  }
0x7c: {  	_ =	shalt  }
0x7d: {  	_ =	shalt  }
0x7e: {  	_ =	shalt  }
0x7f: {  	_ =	shalt  }
0x80: {  	_ =	shalt  }
0x81: {  	_ =	shalt  }
0x82: {  	_ =	shalt  }
0x83: {  	_ =	shalt  }
0x84: {  	_ =	shalt  }
0x85: {  	_ =	shalt  }
0x86: {  	_ =	shalt  }
0x87: {  	_ =	shalt  }
.Lfunc_end0:
.L_simem_size_0:
called_computation.1_lowered:
.L_overlay_start_0:
0x88: {  	s2 =	sld [smem:$0x3FD9]  }
0x89: {  	s3 =	sld [smem:$0x3FFE];
	_ =	sdelay $0x1  }
0x8a: {  	s1 =	srdreg.scid  }
0x8b: {  	s0 =	sand.u32 $0x1, s1  }
0x8c: {  	s17 =	sshll.u32 s0, $0xA;
	s2 =	sadd.s32 s3, s2  }
0x8d: {  	s2 =	sadd.s32 s2, s17  }
0x8e: {  	[smem:$0x3FC2] =	sst s2  }
0x8f: {  	_ = 	snop  }
0x90: {  	s2 =	sld [smem:$0x3FD0];
	(tm) =	ssettm $0x1  }
0x91: {  	s18 =	sld [smem:$0x3FFB];
	_ =	sdelay $0x3  }
0x92: {  	_ =	strace s18  }
0x93: {  	s3 =	sld [smem:$0x3FFC];
	_ =	sdelay $0x3  }
0x94: {  	_ =	strace s3  }
0x95: {  	s3 =	sld [smem:$0x3FFD];
	_ =	sdelay $0x3  }
0x96: {  	_ =	strace s3  }
0x97: {  	_ =	strace $0x8FFFFFFF  }
0x98: {  	s19 =	sld [smem:$0x3FDB];
	_ =	sdelay $0x1  }
0x99: {  	s4 =	simm.s32 $_scs_section_size  }
0x9a: {  	s5 =	simm.s32 $_size__tile_overlayer_lowered;
	s6 =	simm.s32 $_tile_overlayer_lowered  }
0x9b: {  	s22 =	simm.s32 $0x1BFF;
	s21 =	sshll.u32 s6, $0x1;
	s3 =	sadd.s32 s4, s19  }
0x9c: {  	s7 =	simm.s32 $0x0;
	s20 =	sshll.u32 s5, $0x1;
	s5 =	sadd.s32 s21, s3  }
0x9d: {  	[timem:s7], [sflag:s22] =	dma.local [hbm:s5], s20  }
0x9e: {  	_ =	swait.ge [sflag:s22], s20  }
0x9f: {  	s4 =	ssub.s32 $0x0, s20;
	[sflag:s22] =	ssyncset.done $0x0  }
0xa0: {  	[sflag:s22] =	ssyncadd.s32 s4;
	_ =	sdelay $0x1  }
0xa1: {  	s23 =	simm.s32 $0x1B8B  }
0xa2: {  	_ =	swait.ge [sflag:s23], $0x1  }
0xa3: {  	[sflag:s23] =	ssyncset.done $0x0  }
0xa4: {  	s25 =	simm.s32 $0x1B8E;
	s24 =	sld [smem:$0x3FFE];
	[sflag:s23] =	ssyncadd.s32 $0xFFFFFFFF  }
0xa5: {  	s26 =	simm.s32 $execute0_lowered;
	[smem:$0x3FD2] =	sst s25  }
0xa6: {  	s5 =	sshll.u32 s26, $0x1;
	_ =	strace $0x80000049;
	[dreg:$0x1] =	wrdreg $0xFFFFFFFF  }
0xa7: {  	s28 =	simm.s32 $_size_execute0_lowered;
	s3 =	sadd.s32 s3, s5;
	[dreg:$0x0] =	wrdreg $0x0  }
0xa8: {  	s5 =	sshll.u32 s28, $0x1;
	[dreg:$0x2] =	wrdreg s3  }
0xa9: {  	[dreg:$0x3] =	wrdreg s5  }
0xaa: {  	[dreg:$0x4] =	wrdreg $0xC0  }
0xab: {  	_ =	task [dreg:s7], $0x5FFFF  }
0xac: {  	[dreg:$0x1] =	wrdreg $0xFFFFFFFF  }
0xad: {  	[dreg:$0x0] =	wrdreg $0x60  }
0xae: {  	[dreg:$0x2] =	wrdreg s24  }
0xaf: {  	[dreg:$0x3] =	wrdreg s2  }
0xb0: {  	[dreg:$0x4] =	wrdreg $0x0  }
0xb1: {  	[dreg:$0x5] =	wrdreg $0x9  }
0xb2: {  	_ =	task.clear_ibuf [dreg:s7], $0x6FFFF;
	_ =	strace $0x90000049  }
0xb3: {  	s29 =	simm.s32 $0x9;
	_ =	strace $0x8000004B  }
0xb4: {  	_ =	swait.ge [sflag:s29], $0x1  }
0xb5: {  	[sflag:s29] =	ssyncadd.s32 $0xFFFFFFFF  }
0xb6: {  	_ =	strace $0x9000004B  }
0xb7: {  	_ =	sfence  }
0xb8: {  	s30 =	sld [smem:$0x0];
	_ =	sdelay $0x2  }
0xb9: {  	s31 =	sshll.u32 s1, $0xD;
	s1 =	sshrl.u32 s1, $0x2  }
0xba: {  	s3 =	sand.u32 $0x4000, s31;
	s1 =	sadd.s32 s1, s30  }
0xbb: {  	s0 =	sor.u32 s3, s0;
	s1 =	sshll.u32 s1, $0x11  }
0xbc: {  	s0 =	sor.u32 s1, s0  }
0xbd: {  	s0 =	sadd.s32 $0x8F2B, s0  }
0xbe: {  	[sflag:s0] =	ssyncadd.remote.s32 $0x1  }
0xbf: {  	_ =	sfence.sel $0xFFFF  }
0xc0: {  	[dreg:$0x0] =	wrdreg $0xFFFFFFFF;
	(pc) =	sbr.abs _section_cstart, $3  }
0xc1: {  	[dreg:$0x1] =	wrdreg $0xFFFFFFFF  }
0xc2: {  	_ =	task.clear_ibuf [dreg:s7], $0x2FFFF;
	_ =	strace $0x9FFFFFFF  }
0xc3: {  	(tm) =	ssettm $0x7FFFFFFF  }
tec
execute0_lowered:
.L_overlay_start_1:
0x0: {  	(tag) =	ssettag $0x1  }
0x1: {  	s6 =	rddreg [dreg:$0x0]  }
0x2: {  	s0 =	srdreg.scid;
	s2 =	rddreg [dreg:$0x1]  }
0x3: {  	s3 =	rddreg [dreg:$0x2];
	s1 =	stileid.u32  }
0x4: {  	s4 =	simm.s32 $0x0;
	s12 =	simm.s32 $0x14000;
	s13 =	simm.s32 $0x15400  }
0x5: {  	s14 =	simm.s32 $0x7D;
	s15 =	simm.s32 $0x16800;
	s16 =	simm.s32 $0x14080  }
0x6: {  	s17 =	simm.s32 $0x1A800;
	s18 =	simm.s32 $0x1;
	s19 =	simm.s32 $0x2  }
0x7: {  	s20 =	simm.s32 $0x16700;
	s7 =	sand.u32 $0x1, s0;
	s0 =	rddreg [dreg:$0x3]  }
0x8: {  	s21 =	simm.s32 $0x16780;
	[smem:$0x7FF] =	sst s4;
	s10 =	smul.u32 $0x50000, s1  }
0x9: {  	s31 =	sshll.u32 s1, $0x6;
	s23 =	smul.u32 $0x2800, s1;
	s5 =	sshll.u32 s7, $0x4  }
0xa: {  	_ =	strace $0x8000004A;
	s9 =	smul.u32 $0x28000, s7;
	s7 =	ssub.s32 $0x2, s7  }
0xb: {  	s5 =	sor.u32 s1, s5;
	s29 =	sshrl.u32 s7, $0x1;
	s30 =	sshrl.u32 s10, $0x2  }
0xc: {  	s8 =	smul.u32 $0x280, s5;
	s5 =	sadd.s32 $0x66200, s6;
	s9 =	sadd.s32 s9, s6  }
0xd: {  	s11 =	ssub.s32 s7, s29;
	s10 =	sadd.s32 s30, s3;
	s22 =	sadd.s32 $0x8E200, s9  }
0xe: {  	s9 =	smax.u32 s11, $0x1;
	s10 =	sshrl.u32 s10, $0x3;
	s11 =	simm.s32 $0x3  }
0xf: {  	s8 =	sadd.s32 s8, s6;
	s6 =	sor.u32 $0x1C03, s31;
	s22 =	sadd.s32 s23, s22  }
0x10: {  	s23 =	simm.s32 $0x0;
	s7 =	sadd.s32 $0x57200, s8;
	s8 =	sadd.s32 $0x52200, s8  }
.LBB2_1:
0x11: {  	[spmem:s10], [sflag:s6] =	dma.local [hbm:s2], $0x2800  }
0x12: {  	_ =	swait.ge [sflag:s11], $0x2800  }
0x13: {  	[sflag:s11] =	ssyncset.done $0x0  }
0x14: {  	[sflag:s11] =	ssyncadd.s32 $0xFFFFD800  }
0x15: {  	[tilespmem:s12], [sflag:$0x3] =	stream.linear.gather [hbm4b:s7+s4], $0x1400, $0x38;
	[tilespmem:$0x1E800] =	vst v63  }
0x16: {  	_ =	swait.ge [sflag:s11], $0x1400  }
0x17: {  	[sflag:s11] =	ssyncset.done $0x0  }
0x18: {  	[sflag:s11] =	ssyncadd.s32 $0xFFFFEC00  }
0x19: {  	[tilespmem:s13], [sflag:$0x3] =	stream.linear.gather [hbm4b:s8+s4], $0x1400, $0x38;
	[tilespmem:$0x1E800] =	vst v63  }
0x1a: {  	_ =	swait.ge [sflag:s11], $0x1400  }
0x1b: {  	[sflag:s11] =	ssyncset.done $0x0  }
0x1c: {  	[sflag:s11] =	ssyncadd.s32 $0xFFFFEC00  }
0x1d: {  	[bflag:$0x0] =	sbarrier.arrive $0xFFFF  }
0x1e: {  	[tilespmem:s15], [sflag:$0x1] =	stream.indirect.gather [hbm4b:s5+s14], $0x80, s12, s14, $0xb8;
	[tilespmem:$0x1E800] =	vst v63  }
0x1f: {  	_ = 	snop  }
0x20: {  	[tilespmem:s17], [sflag:$0x2] =	stream.indirect.gather [hbm4b:s5+s14], $0x80, s16, s14, $0xb8;
	[tilespmem:$0x1E800] =	vst v63  }
0x21: {  	_ =	swait.ge [sflag:s18], $0x3E80  }
0x22: {  	[sflag:s18] =	ssyncset.done $0x0  }
0x23: {  	s24 =	simm.s32 $0x15400;
	[sflag:s18] =	ssyncadd.s32 $0xFFFFC180  }
0x24: {  	[spmem:s3] =	stream.indirect.scatter.add.f32 [tilespmem:s15], [sflag:$0x3], $0x80, s24, s14, $0xb8;
	[tilespmem:$0x1E800] =	vst v63  }
0x25: {  	_ =	swait.ge [sflag:s11], $0x3E80  }
0x26: {  	[sflag:s11] =	ssyncset.done $0x0  }
0x27: {  	s30 =	simm.s32 $0x14100;
	[sflag:s11] =	ssyncadd.s32 $0xFFFFC180  }
0x28: {  	[tilespmem:s15], [sflag:$0x1] =	stream.indirect.gather [hbm4b:s5+s14], $0x80, s30, s14, $0xb8;
	[tilespmem:$0x1E800] =	vst v63  }
0x29: {  	_ =	swait.ge [sflag:s19], $0x3E80  }
0x2a: {  	[sflag:s19] =	ssyncset.done $0x0  }
0x2b: {  	s31 =	simm.s32 $0x15480;
	[sflag:s19] =	ssyncadd.s32 $0xFFFFC180  }
0x2c: {  	[spmem:s3] =	stream.indirect.scatter.add.f32 [tilespmem:s17], [sflag:$0x3], $0x80, s31, s14, $0xb8;
	[tilespmem:$0x1E800] =	vst v63  }
0x2d: {  	_ =	swait.ge [sflag:s11], $0x3E80  }
0x2e: {  	[sflag:s11] =	ssyncset.done $0x0  }
0x2f: {  	s25 =	simm.s32 $0x14180;
	s24 =	simm.s32 $0x400;
	[sflag:s11] =	ssyncadd.s32 $0xFFFFC180  }
.LBB2_2:
0x30: {  	[tilespmem:s17], [sflag:$0x2] =	stream.indirect.gather [hbm4b:s5+s14], $0x80, s25, s14, $0xb8;
	[tilespmem:$0x1E800] =	vst v63  }
0x31: {  	s25 =	smov.u32 s24  }
0x32: {  	p0 =	sne.s32 s24, $0x4800;
	s24 =	sadd.s32 $0x400, s24;
	_ =	swait.ge [sflag:s18], $0x3E80  }
0x33: {  	s25 =	sshra.s32 s25, $0x2;
	[sflag:s18] =	ssyncset.done $0x0  }
0x34: {  	s26 =	sadd.s32 $0x15400, s25;
	[sflag:s18] =	ssyncadd.s32 $0xFFFFC180  }
0x35: {  	[spmem:s3] =	stream.indirect.scatter.add.f32 [tilespmem:s15], [sflag:$0x3], $0x80, s26, s14, $0xb8;
	[tilespmem:$0x1E800] =	vst v63  }
0x36: {  	_ =	swait.ge [sflag:s11], $0x3E80  }
0x37: {  	[sflag:s11] =	ssyncset.done $0x0  }
0x38: {  	s26 =	sadd.s32 $0x14100, s25;
	[sflag:s11] =	ssyncadd.s32 $0xFFFFC180  }
0x39: {  	[tilespmem:s15], [sflag:$0x1] =	stream.indirect.gather [hbm4b:s5+s14], $0x80, s26, s14, $0xb8;
	[tilespmem:$0x1E800] =	vst v63  }
0x3a: {  	_ =	swait.ge [sflag:s19], $0x3E80  }
0x3b: {  	[sflag:s19] =	ssyncset.done $0x0  }
.Ltmp0:
0x3c: {  	s26 =	sadd.s32 $0x15480, s25;
	[sflag:s19] =	ssyncadd.s32 $0xFFFFC180;
	(pc) =	sbr.rel @p0 .LBB2_2-.Ltmp0, $4  }
0x3d: {  	[spmem:s3] =	stream.indirect.scatter.add.f32 [tilespmem:s17], [sflag:$0x3], $0x80, s26, s14, $0xb8;
	[tilespmem:$0x1E800] =	vst v63  }
0x3e: {  	_ =	swait.ge [sflag:s11], $0x3E80  }
0x3f: {  	[sflag:s11] =	ssyncset.done $0x0  }
0x40: {  	s25 =	sadd.s32 $0x14180, s25;
	[sflag:s11] =	ssyncadd.s32 $0xFFFFC180  }
0x41: {  	[tilespmem:s17], [sflag:$0x2] =	stream.indirect.gather [hbm4b:s5+s14], $0x80, s25, s14, $0xb8;
	[tilespmem:$0x1E800] =	vst v63  }
0x42: {  	_ =	swait.ge [sflag:s18], $0x3E80  }
0x43: {  	[sflag:s18] =	ssyncset.done $0x0  }
0x44: {  	[sflag:s18] =	ssyncadd.s32 $0xFFFFC180  }
0x45: {  	[spmem:s3] =	stream.indirect.scatter.add.f32 [tilespmem:s15], [sflag:$0x3], $0x80, s20, s14, $0xb8;
	[tilespmem:$0x1E800] =	vst v63  }
0x46: {  	_ =	swait.ge [sflag:s11], $0x3E80  }
0x47: {  	[sflag:s11] =	ssyncset.done $0x0  }
0x48: {  	[sflag:s11] =	ssyncadd.s32 $0xFFFFC180  }
0x49: {  	_ =	swait.ge [sflag:s19], $0x3E80  }
0x4a: {  	[sflag:s19] =	ssyncset.done $0x0  }
0x4b: {  	[sflag:s19] =	ssyncadd.s32 $0xFFFFC180  }
0x4c: {  	[spmem:s3] =	stream.indirect.scatter.add.f32 [tilespmem:s17], [sflag:$0x3], $0x80, s21, s14, $0xb8;
	[tilespmem:$0x1E800] =	vst v63  }
0x4d: {  	_ =	swait.ge [sflag:s11], $0x3E80  }
0x4e: {  	s23 =	sadd.s32 $0x1, s23;
	[sflag:s11] =	ssyncset.done $0x0  }
0x4f: {  	p0 =	sne.s32 s23, s9;
	[sflag:s11] =	ssyncadd.s32 $0xFFFFC180  }
.Ltmp1:
0x50: {  	[bflag:$0x0] =	sbarrier.arrive $0xFFFF;
	(pc) =	sbr.rel @p0 .LBB2_1-.Ltmp1, $4  }
0x51: {  	[hbm:s22], [sflag:s6] =	dma.local [spmem:s10], $0x2800  }
0x52: {  	_ =	swait.ge [sflag:s11], $0x2800  }
0x53: {  	[sflag:s11] =	ssyncset.done $0x0  }
0x54: {  	[sflag:s11] =	ssyncadd.s32 $0xFFFFD800  }
0x55: {  	_ =	sfence.sel $0x180000  }
0x56: {  	[bflag:$0x0] =	sbarrier.arrive $0xFFFF  }
0x57: {  	p0 =	sne.s32 s1, $0x0;
	_ =	strace $0x9000004A  }
0x58: {  	s0 =	sadd.s32 @!p0 $0x100000, s0;
	[bflag:$0x2] =	sbarrier.arrive $0xFFFF  }
0x59: {  	[sflag:s0] =	ssyncadd.tile.s32 @!p0 $0x1;
	_ =	shalt  }
.Lfunc_end2:
_tile_overlayer_lowered:
.L_overlay_start_2:
0x5a: {  	(tag) =	ssettag $0x2  }
0x5b: {  	s0 =	rddreg [dreg:$0x0];
	s2 =	stileid.u32  }
0x5c: {  	s1 =	rddreg [dreg:$0x1];
	p0 =	sne.s32 s2, $0x0  }
0x5d: {  	s3 =	rddreg [dreg:$0x2];
	[bflag:$0x3] =	sbarrier.arrive $0xFFFF;
	s2 =	simm.s32 @!p0 $0x1C03  }
0x5e: {  	[timem:s3], [sflag:s2] =	dma.local @!p0 [hbm:s0], s1  }
0x5f: {  	s0 =	simm.s32 @!p0 $0x3  }
0x60: {  	_ =	swait.ge @!p0 [sflag:s0], s1  }
0x61: {  	s1 =	ssub.s32 @!p0 $0x0, s1;
	[sflag:s0] =	ssyncset.done @!p0 $0x0  }
0x62: {  	[sflag:s0] =	ssyncadd.s32 @!p0 s1  }
0x63: {  	[bflag:$0x3] =	sbarrier.arrive $0xFFFF  }
0x64: {  	_ =	shalt  }

// kernel: kernel.13.cloned.1.call-start
scs
__scs_entry_jumppad:
0x0: {  	(pc) =	sbr.rel $0x88, $3  }
0x1: {  	(tag) =	ssettag $0x0;
	lr =	simm.s32 $0x1  }
0x2: {  	[smem:$0x3F9B] =	sst lr;
	_ =	strace $0xD0000000  }
0x3: {  	_ = 	snop  }
0x4: {  	_ = 	snop  }
0x5: {  	_ = 	snop  }
0x6: {  	_ = 	snop  }
0x7: {  	_ = 	snop  }
__scs_overlays_trampoline_lowered:
0x8: {  	[smem:$0x3FAA] =	sst s0  }
0x9: {  	[smem:$0x3FAB] =	sst s1  }
0xa: {  	[smem:$0x3FAC] =	sst s2  }
0xb: {  	[smem:$0x3FAD] =	sst s3  }
0xc: {  	[smem:$0x3FAE] =	sst s4  }
0xd: {  	[smem:$0x3FAF] =	sst s5  }
0xe: {  	[smem:$0x3FB0] =	sst s6  }
0xf: {  	[smem:$0x3FB1] =	sst s7  }
0x10: {  	[smem:$0x3FB2] =	sst s8  }
0x11: {  	[smem:$0x3FB3] =	sst s9;
	s0 =	simm.s32 @!p0 $0x0  }
0x12: {  	s1 =	sld [smem:$0x3F99];
	s0 =	simm.s32 @p0 $0x1  }
0x13: {  	[smem:$0x3FB4] =	sst s0;
	s0 =	simm.s32 @!p1 $0x0  }
0x14: {  	s2 =	sld [smem:$0x3F98];
	s0 =	simm.s32 @p1 $0x1  }
0x15: {  	[smem:$0x3FB5] =	sst s0;
	s0 =	simm.s32 @!p2 $0x0  }
0x16: {  	s3 =	sld [smem:$0x3FDB];
	s0 =	simm.s32 @p2 $0x1  }
0x17: {  	s4 =	simm.s32 $0x1BF5;
	[smem:$0x3FB7] =	sst s0  }
0x18: {  	s0 =	sld [smem:$0x3F9A];
	_ =	swait.ge [sflag:s4], $0x0  }
0x19: {  	s7 =	sld [smem:$0x3F9B]  }
0x1a: {  	s8 =	sadd.s32 $0xFFFFE003, lr  }
0x1b: {  	s9 =	sadd.s32 $0xFFFFFEF7, lr;
	s5 =	simm.s32 $0xFFFFFFFF;
	p2 =	slt.u32 s8, $0xFFFFF086  }
0x1c: {  	p1 =	slt.u32 s9, $0xF7A;
	s5 =	simm.s32 @!p2 $0x0  }
0x1d: {  	s5 =	simm.s32 @p1 $0x1;
	p0 =	seq.s32 s7, s2  }
0x1e: {  	s7 =	smul.u32 @!p0 $0xF7A, s2;
	p2 =	seq.s32 @!p0 s5, $0x0  }
0x1f: {  	s9 =	smul.u32 $0xF7A, s1;
	s8 =	simm.s32 @!p0 $0x1BF5;
	p2 =	por !p2, p0  }
0x20: {  	[sflag:s8] =	ssyncset.s32 @!p0 $0xFFFFF086;
	s6 =	sadd.s32 @!p0 s3, s7;
	s7 =	simm.s32 @!p0 $0x108  }
0x21: {  	s3 =	sadd.s32 s3, s9;
	s6 =	sadd.s32 @!p0 $0x88, s6;
	s7 =	simm.s32 @p2 $0x1082  }
0x22: {  	[simem:s7], [sflag:s8] =	dma.local @!p0 [hbm:s6], $0xF7A  }
0x23: {  	s9 =	sor.u32 $0xD0000000, s2;
	s6 =	simm.s32 $0x108;
	_ =	swait.ge @!p0 [sflag:s8], $0x0  }
0x24: {  	s3 =	sadd.s32 $0x88, s3;
	s6 =	simm.s32 @!p1 $0x1082;
	[sflag:s4] =	ssyncset.s32 $0xFFFFF086  }
0x25: {  	[simem:s6], [sflag:s4] =	dma.local [hbm:s3], $0xF7A  }
0x26: {  	[smem:$0x3F9B] =	sst s1;
	(tag) =	ssettag s2;
	_ =	strace s9  }
0x27: {  	s1 =	sld [smem:$0x3FAB]  }
0x28: {  	s2 =	sld [smem:$0x3FAC]  }
0x29: {  	s4 =	sld [smem:$0x3FAE]  }
0x2a: {  	p0 =	seq.s32 s5, $0x0;
	s5 =	sld [smem:$0x3FAF]  }
0x2b: {  	s6 =	sld [smem:$0x3FB0]  }
0x2c: {  	s7 =	sld [smem:$0x3FB1]  }
0x2d: {  	s3 =	simm.s32 $0x108;
	s8 =	sld [smem:$0x3FB2]  }
0x2e: {  	s3 =	simm.s32 @!p0 $0x1082;
	s9 =	sld [smem:$0x3FB3]  }
0x2f: {  	lr =	sadd.s32 s0, s3;
	s0 =	sld [smem:$0x3FAA]  }
0x30: {  	s3 =	sld [smem:$0x3FAD]  }
0x31: {  	[smem:$0x3FB6] =	sst s10  }
0x32: {  	s10 =	sld [smem:$0x3FB4];
	_ =	sdelay $0x3  }
0x33: {  	p0 =	seq.s32 s10, $0x1;
	s10 =	sld [smem:$0x3FB6];
	_ =	sdelay $0x3  }
0x34: {  	[smem:$0x3FB6] =	sst s10  }
0x35: {  	s10 =	sld [smem:$0x3FB5];
	_ =	sdelay $0x3  }
0x36: {  	p1 =	seq.s32 s10, $0x1;
	s10 =	sld [smem:$0x3FB6];
	_ =	sdelay $0x3  }
0x37: {  	[smem:$0x3FB6] =	sst s10  }
0x38: {  	s10 =	sld [smem:$0x3FB7]  }
0x39: {  	_ = 	snop;
	(pc) =	sbr.ind lr, $3  }
0x3a: {  	_ = 	snop  }
0x3b: {  	_ = 	snop  }
0x3c: {  	p2 =	seq.s32 s10, $0x1;
	s10 =	sld [smem:$0x3FB6]  }
0x3d: {  	_ =	shalt  }
0x3e: {  	_ =	shalt  }
0x3f: {  	_ =	shalt  }
0x40: {  	_ =	shalt  }
0x41: {  	_ =	shalt  }
0x42: {  	_ =	shalt  }
0x43: {  	_ =	shalt  }
0x44: {  	_ =	shalt  }
0x45: {  	_ =	shalt  }
0x46: {  	_ =	shalt  }
0x47: {  	_ =	shalt  }
0x48: {  	_ =	shalt  }
0x49: {  	_ =	shalt  }
0x4a: {  	_ =	shalt  }
0x4b: {  	_ =	shalt  }
0x4c: {  	_ =	shalt  }
0x4d: {  	_ =	shalt  }
0x4e: {  	_ =	shalt  }
0x4f: {  	_ =	shalt  }
0x50: {  	_ =	shalt  }
0x51: {  	_ =	shalt  }
0x52: {  	_ =	shalt  }
0x53: {  	_ =	shalt  }
0x54: {  	_ =	shalt  }
0x55: {  	_ =	shalt  }
0x56: {  	_ =	shalt  }
0x57: {  	_ =	shalt  }
0x58: {  	_ =	shalt  }
0x59: {  	_ =	shalt  }
0x5a: {  	_ =	shalt  }
0x5b: {  	_ =	shalt  }
0x5c: {  	_ =	shalt  }
0x5d: {  	_ =	shalt  }
0x5e: {  	_ =	shalt  }
0x5f: {  	_ =	shalt  }
0x60: {  	_ =	shalt  }
0x61: {  	_ =	shalt  }
0x62: {  	_ =	shalt  }
0x63: {  	_ =	shalt  }
0x64: {  	_ =	shalt  }
0x65: {  	_ =	shalt  }
0x66: {  	_ =	shalt  }
0x67: {  	_ =	shalt  }
0x68: {  	_ =	shalt  }
0x69: {  	_ =	shalt  }
0x6a: {  	_ =	shalt  }
0x6b: {  	_ =	shalt  }
0x6c: {  	_ =	shalt  }
0x6d: {  	_ =	shalt  }
0x6e: {  	_ =	shalt  }
0x6f: {  	_ =	shalt  }
0x70: {  	_ =	shalt  }
0x71: {  	_ =	shalt  }
0x72: {  	_ =	shalt  }
0x73: {  	_ =	shalt  }
0x74: {  	_ =	shalt  }
0x75: {  	_ =	shalt  }
0x76: {  	_ =	shalt  }
0x77: {  	_ =	shalt  }
0x78: {  	_ =	shalt  }
0x79: {  	_ =	shalt  }
0x7a: {  	_ =	shalt  }
0x7b: {  	_ =	shalt  }
0x7c: {  	_ =	shalt  }
0x7d: {  	_ =	shalt  }
0x7e: {  	_ =	shalt  }
0x7f: {  	_ =	shalt  }
0x80: {  	_ =	shalt  }
0x81: {  	_ =	shalt  }
0x82: {  	_ =	shalt  }
0x83: {  	_ =	shalt  }
0x84: {  	_ =	shalt  }
0x85: {  	_ =	shalt  }
0x86: {  	_ =	shalt  }
0x87: {  	_ =	shalt  }
.Lfunc_end0:
.L_simem_size_0:
called_computation.2_lowered:
.L_overlay_start_0:
0x88: {  	s2 =	sld [smem:$0x3FD9]  }
0x89: {  	s3 =	sld [smem:$0x3FFE];
	_ =	sdelay $0x1  }
0x8a: {  	s1 =	srdreg.scid  }
0x8b: {  	s0 =	sand.u32 $0x1, s1  }
0x8c: {  	s16 =	sshll.u32 s0, $0xA;
	s2 =	sadd.s32 s3, s2  }
0x8d: {  	s2 =	sadd.s32 s2, s16  }
0x8e: {  	[smem:$0x3FC2] =	sst s2  }
0x8f: {  	_ = 	snop  }
0x90: {  	(tm) =	ssettm $0x1  }
0x91: {  	s17 =	sld [smem:$0x3FFB];
	_ =	sdelay $0x3  }
0x92: {  	_ =	strace s17  }
0x93: {  	s2 =	sld [smem:$0x3FFC];
	_ =	sdelay $0x3  }
0x94: {  	_ =	strace s2  }
0x95: {  	s2 =	sld [smem:$0x3FFD];
	_ =	sdelay $0x3  }
0x96: {  	_ =	strace s2  }
0x97: {  	_ =	strace $0x8FFFFFFF  }
0x98: {  	s18 =	sld [smem:$0x3FDB];
	_ =	sdelay $0x1  }
0x99: {  	s19 =	simm.s32 $_scs_section_size  }
0x9a: {  	s4 =	simm.s32 $_size__tile_overlayer_lowered;
	s5 =	simm.s32 $_tile_overlayer_lowered  }
0x9b: {  	s22 =	simm.s32 $0x1BFF;
	s21 =	sshll.u32 s5, $0x1;
	s2 =	sadd.s32 s19, s18  }
0x9c: {  	s6 =	simm.s32 $0x0;
	s20 =	sshll.u32 s4, $0x1;
	s4 =	sadd.s32 s21, s2  }
0x9d: {  	[timem:s6], [sflag:s22] =	dma.local [hbm:s4], s20  }
0x9e: {  	_ =	swait.ge [sflag:s22], s20  }
0x9f: {  	s3 =	ssub.s32 $0x0, s20;
	[sflag:s22] =	ssyncset.done $0x0  }
0xa0: {  	[sflag:s22] =	ssyncadd.s32 s3;
	_ =	sdelay $0x1  }
0xa1: {  	s23 =	simm.s32 $0x1B8B  }
0xa2: {  	_ =	swait.ge [sflag:s23], $0x1  }
0xa3: {  	[sflag:s23] =	ssyncset.done $0x0  }
0xa4: {  	s25 =	simm.s32 $0x1B8E;
	s24 =	sld [smem:$0x3FFE];
	[sflag:s23] =	ssyncadd.s32 $0xFFFFFFFF  }
0xa5: {  	s26 =	simm.s32 $execute0_lowered;
	[smem:$0x3FD2] =	sst s25  }
0xa6: {  	s4 =	sshll.u32 s26, $0x1;
	_ =	strace $0x8000004C;
	[dreg:$0x1] =	wrdreg $0xFFFFFFFF  }
0xa7: {  	s28 =	simm.s32 $_size_execute0_lowered;
	s2 =	sadd.s32 s2, s4;
	[dreg:$0x0] =	wrdreg $0x0  }
0xa8: {  	s4 =	sshll.u32 s28, $0x1;
	[dreg:$0x2] =	wrdreg s2  }
0xa9: {  	[dreg:$0x3] =	wrdreg s4  }
0xaa: {  	[dreg:$0x4] =	wrdreg $0xC0  }
0xab: {  	_ =	task [dreg:s6], $0x5FFFF  }
0xac: {  	[dreg:$0x1] =	wrdreg $0xFFFFFFFF  }
0xad: {  	[dreg:$0x0] =	wrdreg $0x60  }
0xae: {  	[dreg:$0x2] =	wrdreg s24  }
0xaf: {  	[dreg:$0x3] =	wrdreg $0x0  }
0xb0: {  	[dreg:$0x4] =	wrdreg $0x9  }
0xb1: {  	_ =	task.clear_ibuf [dreg:s6], $0x5FFFF;
	_ =	strace $0x9000004C  }
0xb2: {  	s29 =	simm.s32 $0x9;
	_ =	strace $0x8000004E  }
0xb3: {  	_ =	swait.ge [sflag:s29], $0x1  }
0xb4: {  	[sflag:s29] =	ssyncadd.s32 $0xFFFFFFFF  }
0xb5: {  	_ =	strace $0x9000004E  }
0xb6: {  	_ =	sfence  }
0xb7: {  	s30 =	sld [smem:$0x0];
	_ =	sdelay $0x2  }
0xb8: {  	s31 =	sshll.u32 s1, $0xD;
	s1 =	sshrl.u32 s1, $0x2  }
0xb9: {  	s3 =	sand.u32 $0x4000, s31;
	s1 =	sadd.s32 s1, s30  }
0xba: {  	s0 =	sor.u32 s3, s0;
	s1 =	sshll.u32 s1, $0x11  }
0xbb: {  	s0 =	sor.u32 s1, s0  }
0xbc: {  	s0 =	sadd.s32 $0x8F2B, s0  }
0xbd: {  	[sflag:s0] =	ssyncadd.remote.s32 $0x1  }
0xbe: {  	_ =	sfence.sel $0xFFFF  }
0xbf: {  	[dreg:$0x0] =	wrdreg $0xFFFFFFFF;
	(pc) =	sbr.abs _section_cstart, $3  }
0xc0: {  	[dreg:$0x1] =	wrdreg $0xFFFFFFFF  }
0xc1: {  	_ =	task.clear_ibuf [dreg:s6], $0x2FFFF;
	_ =	strace $0x9FFFFFFF  }
0xc2: {  	(tm) =	ssettm $0x7FFFFFFF  }
0xc3: {  	_ =	shalt  }
tec
execute0_lowered:
.L_overlay_start_1:
0x0: {  	(tag) =	ssettag $0x1  }
0x1: {  	s5 =	rddreg [dreg:$0x0]  }
0x2: {  	s0 =	srdreg.scid;
	s2 =	rddreg [dreg:$0x1]  }
0x3: {  	s3 =	simm.s32 $0x0;
	s14 =	simm.s32 $0x7D;
	s15 =	simm.s32 $0x16800  }
0x4: {  	s16 =	simm.s32 $0x14080;
	s17 =	simm.s32 $0x1A800;
	s18 =	simm.s32 $0x1  }
0x5: {  	s19 =	simm.s32 $0x2;
	s20 =	simm.s32 $0x16700;
	s4 =	sand.u32 $0x1, s0  }
0x6: {  	s21 =	simm.s32 $0x16780;
	s0 =	stileid.u32;
	s7 =	smul.u32 $0x28000, s4  }
0x7: {  	[smem:$0x7FF] =	sst s3;
	s1 =	sshll.u32 s4, $0x4;
	s9 =	smul.u32 $0x50000, s0  }
0x8: {  	s8 =	ssub.s32 $0x2, s4;
	s4 =	sadd.s32 $0x66200, s5;
	s22 =	smul.u32 $0x2800, s0  }
0x9: {  	s31 =	sshll.u32 s0, $0x6;
	s6 =	sor.u32 s0, s1;
	s1 =	rddreg [dreg:$0x2]  }
0xa: {  	_ =	strace $0x8000004D;
	s10 =	sshrl.u32 s8, $0x1;
	s6 =	smul.u32 $0x280, s6  }
0xb: {  	s12 =	sadd.s32 s7, s5;
	s10 =	ssub.s32 s8, s10;
	s29 =	sshrl.u32 s9, $0x2  }
0xc: {  	s30 =	sadd.s32 s22, s12;
	s13 =	sadd.s32 s29, s2;
	s23 =	sadd.s32 $0xDE200, s12  }
0xd: {  	s9 =	smax.u32 s10, $0x1;
	s12 =	simm.s32 $0x14000;
	s11 =	sadd.s32 s6, s5  }
0xe: {  	s5 =	sadd.s32 $0x8E200, s30;
	s6 =	sor.u32 $0x1C03, s31;
	s10 =	sshrl.u32 s13, $0x3  }
0xf: {  	s13 =	simm.s32 $0x15400;
	s22 =	sadd.s32 s22, s23;
	s23 =	simm.s32 $0x0  }
0x10: {  	s7 =	sadd.s32 $0x61200, s11;
	s8 =	sadd.s32 $0x5C200, s11;
	s11 =	simm.s32 $0x3  }
.LBB2_1:
0x11: {  	[spmem:s10], [sflag:s6] =	dma.local [hbm:s5], $0x2800  }
0x12: {  	_ =	swait.ge [sflag:s11], $0x2800  }
0x13: {  	[sflag:s11] =	ssyncset.done $0x0  }
0x14: {  	[sflag:s11] =	ssyncadd.s32 $0xFFFFD800  }
0x15: {  	[tilespmem:s12], [sflag:$0x3] =	stream.linear.gather [hbm4b:s7+s3], $0x1400, $0x38;
	[tilespmem:$0x1E800] =	vst v63  }
0x16: {  	_ =	swait.ge [sflag:s11], $0x1400  }
0x17: {  	[sflag:s11] =	ssyncset.done $0x0  }
0x18: {  	[sflag:s11] =	ssyncadd.s32 $0xFFFFEC00  }
0x19: {  	[tilespmem:s13], [sflag:$0x3] =	stream.linear.gather [hbm4b:s8+s3], $0x1400, $0x38;
	[tilespmem:$0x1E800] =	vst v63  }
0x1a: {  	_ =	swait.ge [sflag:s11], $0x1400  }
0x1b: {  	[sflag:s11] =	ssyncset.done $0x0  }
0x1c: {  	[sflag:s11] =	ssyncadd.s32 $0xFFFFEC00  }
0x1d: {  	[bflag:$0x0] =	sbarrier.arrive $0xFFFF  }
0x1e: {  	[tilespmem:s15], [sflag:$0x1] =	stream.indirect.gather [hbm4b:s4+s14], $0x80, s12, s14, $0xb8;
	[tilespmem:$0x1E800] =	vst v63  }
0x1f: {  	_ = 	snop  }
0x20: {  	[tilespmem:s17], [sflag:$0x2] =	stream.indirect.gather [hbm4b:s4+s14], $0x80, s16, s14, $0xb8;
	[tilespmem:$0x1E800] =	vst v63  }
0x21: {  	_ =	swait.ge [sflag:s18], $0x3E80  }
0x22: {  	[sflag:s18] =	ssyncset.done $0x0  }
0x23: {  	s24 =	simm.s32 $0x15400;
	[sflag:s18] =	ssyncadd.s32 $0xFFFFC180  }
0x24: {  	[spmem:s2] =	stream.indirect.scatter.add.f32 [tilespmem:s15], [sflag:$0x3], $0x80, s24, s14, $0xb8;
	[tilespmem:$0x1E800] =	vst v63  }
0x25: {  	_ =	swait.ge [sflag:s11], $0x3E80  }
0x26: {  	[sflag:s11] =	ssyncset.done $0x0  }
0x27: {  	s30 =	simm.s32 $0x14100;
	[sflag:s11] =	ssyncadd.s32 $0xFFFFC180  }
0x28: {  	[tilespmem:s15], [sflag:$0x1] =	stream.indirect.gather [hbm4b:s4+s14], $0x80, s30, s14, $0xb8;
	[tilespmem:$0x1E800] =	vst v63  }
0x29: {  	_ =	swait.ge [sflag:s19], $0x3E80  }
0x2a: {  	[sflag:s19] =	ssyncset.done $0x0  }
0x2b: {  	s31 =	simm.s32 $0x15480;
	[sflag:s19] =	ssyncadd.s32 $0xFFFFC180  }
0x2c: {  	[spmem:s2] =	stream.indirect.scatter.add.f32 [tilespmem:s17], [sflag:$0x3], $0x80, s31, s14, $0xb8;
	[tilespmem:$0x1E800] =	vst v63  }
0x2d: {  	_ =	swait.ge [sflag:s11], $0x3E80  }
0x2e: {  	[sflag:s11] =	ssyncset.done $0x0  }
0x2f: {  	s25 =	simm.s32 $0x14180;
	s24 =	simm.s32 $0x400;
	[sflag:s11] =	ssyncadd.s32 $0xFFFFC180  }
.LBB2_2:
0x30: {  	[tilespmem:s17], [sflag:$0x2] =	stream.indirect.gather [hbm4b:s4+s14], $0x80, s25, s14, $0xb8;
	[tilespmem:$0x1E800] =	vst v63  }
0x31: {  	s25 =	smov.u32 s24  }
0x32: {  	p0 =	sne.s32 s24, $0x4800;
	s24 =	sadd.s32 $0x400, s24;
	_ =	swait.ge [sflag:s18], $0x3E80  }
0x33: {  	s25 =	sshra.s32 s25, $0x2;
	[sflag:s18] =	ssyncset.done $0x0  }
0x34: {  	s26 =	sadd.s32 $0x15400, s25;
	[sflag:s18] =	ssyncadd.s32 $0xFFFFC180  }
0x35: {  	[spmem:s2] =	stream.indirect.scatter.add.f32 [tilespmem:s15], [sflag:$0x3], $0x80, s26, s14, $0xb8;
	[tilespmem:$0x1E800] =	vst v63  }
0x36: {  	_ =	swait.ge [sflag:s11], $0x3E80  }
0x37: {  	[sflag:s11] =	ssyncset.done $0x0  }
0x38: {  	s26 =	sadd.s32 $0x14100, s25;
	[sflag:s11] =	ssyncadd.s32 $0xFFFFC180  }
0x39: {  	[tilespmem:s15], [sflag:$0x1] =	stream.indirect.gather [hbm4b:s4+s14], $0x80, s26, s14, $0xb8;
	[tilespmem:$0x1E800] =	vst v63  }
0x3a: {  	_ =	swait.ge [sflag:s19], $0x3E80  }
0x3b: {  	[sflag:s19] =	ssyncset.done $0x0  }
.Ltmp0:
0x3c: {  	s26 =	sadd.s32 $0x15480, s25;
	[sflag:s19] =	ssyncadd.s32 $0xFFFFC180;
	(pc) =	sbr.rel @p0 .LBB2_2-.Ltmp0, $4  }
0x3d: {  	[spmem:s2] =	stream.indirect.scatter.add.f32 [tilespmem:s17], [sflag:$0x3], $0x80, s26, s14, $0xb8;
	[tilespmem:$0x1E800] =	vst v63  }
0x3e: {  	_ =	swait.ge [sflag:s11], $0x3E80  }
0x3f: {  	[sflag:s11] =	ssyncset.done $0x0  }
0x40: {  	s25 =	sadd.s32 $0x14180, s25;
	[sflag:s11] =	ssyncadd.s32 $0xFFFFC180  }
0x41: {  	[tilespmem:s17], [sflag:$0x2] =	stream.indirect.gather [hbm4b:s4+s14], $0x80, s25, s14, $0xb8;
	[tilespmem:$0x1E800] =	vst v63  }
0x42: {  	_ =	swait.ge [sflag:s18], $0x3E80  }
0x43: {  	[sflag:s18] =	ssyncset.done $0x0  }
0x44: {  	[sflag:s18] =	ssyncadd.s32 $0xFFFFC180  }
0x45: {  	[spmem:s2] =	stream.indirect.scatter.add.f32 [tilespmem:s15], [sflag:$0x3], $0x80, s20, s14, $0xb8;
	[tilespmem:$0x1E800] =	vst v63  }
0x46: {  	_ =	swait.ge [sflag:s11], $0x3E80  }
0x47: {  	[sflag:s11] =	ssyncset.done $0x0  }
0x48: {  	[sflag:s11] =	ssyncadd.s32 $0xFFFFC180  }
0x49: {  	_ =	swait.ge [sflag:s19], $0x3E80  }
0x4a: {  	[sflag:s19] =	ssyncset.done $0x0  }
0x4b: {  	[sflag:s19] =	ssyncadd.s32 $0xFFFFC180  }
0x4c: {  	[spmem:s2] =	stream.indirect.scatter.add.f32 [tilespmem:s17], [sflag:$0x3], $0x80, s21, s14, $0xb8;
	[tilespmem:$0x1E800] =	vst v63  }
0x4d: {  	_ =	swait.ge [sflag:s11], $0x3E80  }
0x4e: {  	s23 =	sadd.s32 $0x1, s23;
	[sflag:s11] =	ssyncset.done $0x0  }
0x4f: {  	p0 =	sne.s32 s23, s9;
	[sflag:s11] =	ssyncadd.s32 $0xFFFFC180  }
.Ltmp1:
0x50: {  	[bflag:$0x0] =	sbarrier.arrive $0xFFFF;
	(pc) =	sbr.rel @p0 .LBB2_1-.Ltmp1, $4  }
0x51: {  	[hbm:s22], [sflag:s6] =	dma.local [spmem:s10], $0x2800  }
0x52: {  	_ =	swait.ge [sflag:s11], $0x2800  }
0x53: {  	[sflag:s11] =	ssyncset.done $0x0  }
0x54: {  	[sflag:s11] =	ssyncadd.s32 $0xFFFFD800  }
0x55: {  	_ =	sfence.sel $0x180000  }
0x56: {  	[bflag:$0x0] =	sbarrier.arrive $0xFFFF  }
0x57: {  	p0 =	sne.s32 s0, $0x0;
	_ =	strace $0x9000004D  }
0x58: {  	s0 =	sadd.s32 @!p0 $0x100000, s1;
	[bflag:$0x2] =	sbarrier.arrive $0xFFFF  }
0x59: {  	[sflag:s0] =	ssyncadd.tile.s32 @!p0 $0x1;
	_ =	shalt  }
.Lfunc_end2:
_tile_overlayer_lowered:
.L_overlay_start_2:
0x5a: {  	(tag) =	ssettag $0x2  }
0x5b: {  	s0 =	rddreg [dreg:$0x0];
	s2 =	stileid.u32  }
0x5c: {  	s1 =	rddreg [dreg:$0x1];
	p0 =	sne.s32 s2, $0x0  }
0x5d: {  	s3 =	rddreg [dreg:$0x2];
	[bflag:$0x3] =	sbarrier.arrive $0xFFFF;
	s2 =	simm.s32 @!p0 $0x1C03  }
0x5e: {  	[timem:s3], [sflag:s2] =	dma.local @!p0 [hbm:s0], s1  }
0x5f: {  	s0 =	simm.s32 @!p0 $0x3  }
0x60: {  	_ =	swait.ge @!p0 [sflag:s0], s1  }
0x61: {  	s1 =	ssub.s32 @!p0 $0x0, s1;
	[sflag:s0] =	ssyncset.done @!p0 $0x0  }
0x62: {  	[sflag:s0] =	ssyncadd.s32 @!p0 s1  }
0x63: {  	[bflag:$0x3] =	sbarrier.arrive $0xFFFF  }
0x64: {  	_ =	shalt  }

// kernel: kernel.7.cloned.1.call-start
scs
__scs_entry_jumppad:
0x0: {  	(pc) =	sbr.rel $0x88, $3  }
0x1: {  	(tag) =	ssettag $0x0;
	lr =	simm.s32 $0x1  }
0x2: {  	[smem:$0x3F9B] =	sst lr;
	_ =	strace $0xD0000000  }
0x3: {  	_ = 	snop  }
0x4: {  	_ = 	snop  }
0x5: {  	_ = 	snop  }
0x6: {  	_ = 	snop  }
0x7: {  	_ = 	snop  }
__scs_overlays_trampoline_lowered:
0x8: {  	[smem:$0x3FAA] =	sst s0  }
0x9: {  	[smem:$0x3FAB] =	sst s1  }
0xa: {  	[smem:$0x3FAC] =	sst s2  }
0xb: {  	[smem:$0x3FAD] =	sst s3  }
0xc: {  	[smem:$0x3FAE] =	sst s4  }
0xd: {  	[smem:$0x3FAF] =	sst s5  }
0xe: {  	[smem:$0x3FB0] =	sst s6  }
0xf: {  	[smem:$0x3FB1] =	sst s7  }
0x10: {  	[smem:$0x3FB2] =	sst s8  }
0x11: {  	[smem:$0x3FB3] =	sst s9;
	s0 =	simm.s32 @!p0 $0x0  }
0x12: {  	s1 =	sld [smem:$0x3F99];
	s0 =	simm.s32 @p0 $0x1  }
0x13: {  	[smem:$0x3FB4] =	sst s0;
	s0 =	simm.s32 @!p1 $0x0  }
0x14: {  	s2 =	sld [smem:$0x3F98];
	s0 =	simm.s32 @p1 $0x1  }
0x15: {  	[smem:$0x3FB5] =	sst s0;
	s0 =	simm.s32 @!p2 $0x0  }
0x16: {  	s3 =	sld [smem:$0x3FDB];
	s0 =	simm.s32 @p2 $0x1  }
0x17: {  	s4 =	simm.s32 $0x1BF5;
	[smem:$0x3FB7] =	sst s0  }
0x18: {  	s0 =	sld [smem:$0x3F9A];
	_ =	swait.ge [sflag:s4], $0x0  }
0x19: {  	s7 =	sld [smem:$0x3F9B]  }
0x1a: {  	s8 =	sadd.s32 $0xFFFFE003, lr  }
0x1b: {  	s9 =	sadd.s32 $0xFFFFFEF7, lr;
	s5 =	simm.s32 $0xFFFFFFFF;
	p2 =	slt.u32 s8, $0xFFFFF086  }
0x1c: {  	p1 =	slt.u32 s9, $0xF7A;
	s5 =	simm.s32 @!p2 $0x0  }
0x1d: {  	s5 =	simm.s32 @p1 $0x1;
	p0 =	seq.s32 s7, s2  }
0x1e: {  	s7 =	smul.u32 @!p0 $0xF7A, s2;
	p2 =	seq.s32 @!p0 s5, $0x0  }
0x1f: {  	s9 =	smul.u32 $0xF7A, s1;
	s8 =	simm.s32 @!p0 $0x1BF5;
	p2 =	por !p2, p0  }
0x20: {  	[sflag:s8] =	ssyncset.s32 @!p0 $0xFFFFF086;
	s6 =	sadd.s32 @!p0 s3, s7;
	s7 =	simm.s32 @!p0 $0x108  }
0x21: {  	s3 =	sadd.s32 s3, s9;
	s6 =	sadd.s32 @!p0 $0x88, s6;
	s7 =	simm.s32 @p2 $0x1082  }
0x22: {  	[simem:s7], [sflag:s8] =	dma.local @!p0 [hbm:s6], $0xF7A  }
0x23: {  	s9 =	sor.u32 $0xD0000000, s2;
	s6 =	simm.s32 $0x108;
	_ =	swait.ge @!p0 [sflag:s8], $0x0  }
0x24: {  	s3 =	sadd.s32 $0x88, s3;
	s6 =	simm.s32 @!p1 $0x1082;
	[sflag:s4] =	ssyncset.s32 $0xFFFFF086  }
0x25: {  	[simem:s6], [sflag:s4] =	dma.local [hbm:s3], $0xF7A  }
0x26: {  	[smem:$0x3F9B] =	sst s1;
	(tag) =	ssettag s2;
	_ =	strace s9  }
0x27: {  	s1 =	sld [smem:$0x3FAB]  }
0x28: {  	s2 =	sld [smem:$0x3FAC]  }
0x29: {  	s4 =	sld [smem:$0x3FAE]  }
0x2a: {  	p0 =	seq.s32 s5, $0x0;
	s5 =	sld [smem:$0x3FAF]  }
0x2b: {  	s6 =	sld [smem:$0x3FB0]  }
0x2c: {  	s7 =	sld [smem:$0x3FB1]  }
0x2d: {  	s3 =	simm.s32 $0x108;
	s8 =	sld [smem:$0x3FB2]  }
0x2e: {  	s3 =	simm.s32 @!p0 $0x1082;
	s9 =	sld [smem:$0x3FB3]  }
0x2f: {  	lr =	sadd.s32 s0, s3;
	s0 =	sld [smem:$0x3FAA]  }
0x30: {  	s3 =	sld [smem:$0x3FAD]  }
0x31: {  	[smem:$0x3FB6] =	sst s10  }
0x32: {  	s10 =	sld [smem:$0x3FB4];
	_ =	sdelay $0x3  }
0x33: {  	p0 =	seq.s32 s10, $0x1;
	s10 =	sld [smem:$0x3FB6];
	_ =	sdelay $0x3  }
0x34: {  	[smem:$0x3FB6] =	sst s10  }
0x35: {  	s10 =	sld [smem:$0x3FB5];
	_ =	sdelay $0x3  }
0x36: {  	p1 =	seq.s32 s10, $0x1;
	s10 =	sld [smem:$0x3FB6];
	_ =	sdelay $0x3  }
0x37: {  	[smem:$0x3FB6] =	sst s10  }
0x38: {  	s10 =	sld [smem:$0x3FB7]  }
0x39: {  	_ = 	snop;
	(pc) =	sbr.ind lr, $3  }
0x3a: {  	_ = 	snop  }
0x3b: {  	_ = 	snop  }
0x3c: {  	p2 =	seq.s32 s10, $0x1;
	s10 =	sld [smem:$0x3FB6]  }
0x3d: {  	_ =	shalt  }
0x3e: {  	_ =	shalt  }
0x3f: {  	_ =	shalt  }
0x40: {  	_ =	shalt  }
0x41: {  	_ =	shalt  }
0x42: {  	_ =	shalt  }
0x43: {  	_ =	shalt  }
0x44: {  	_ =	shalt  }
0x45: {  	_ =	shalt  }
0x46: {  	_ =	shalt  }
0x47: {  	_ =	shalt  }
0x48: {  	_ =	shalt  }
0x49: {  	_ =	shalt  }
0x4a: {  	_ =	shalt  }
0x4b: {  	_ =	shalt  }
0x4c: {  	_ =	shalt  }
0x4d: {  	_ =	shalt  }
0x4e: {  	_ =	shalt  }
0x4f: {  	_ =	shalt  }
0x50: {  	_ =	shalt  }
0x51: {  	_ =	shalt  }
0x52: {  	_ =	shalt  }
0x53: {  	_ =	shalt  }
0x54: {  	_ =	shalt  }
0x55: {  	_ =	shalt  }
0x56: {  	_ =	shalt  }
0x57: {  	_ =	shalt  }
0x58: {  	_ =	shalt  }
0x59: {  	_ =	shalt  }
0x5a: {  	_ =	shalt  }
0x5b: {  	_ =	shalt  }
0x5c: {  	_ =	shalt  }
0x5d: {  	_ =	shalt  }
0x5e: {  	_ =	shalt  }
0x5f: {  	_ =	shalt  }
0x60: {  	_ =	shalt  }
0x61: {  	_ =	shalt  }
0x62: {  	_ =	shalt  }
0x63: {  	_ =	shalt  }
0x64: {  	_ =	shalt  }
0x65: {  	_ =	shalt  }
0x66: {  	_ =	shalt  }
0x67: {  	_ =	shalt  }
0x68: {  	_ =	shalt  }
0x69: {  	_ =	shalt  }
0x6a: {  	_ =	shalt  }
0x6b: {  	_ =	shalt  }
0x6c: {  	_ =	shalt  }
0x6d: {  	_ =	shalt  }
0x6e: {  	_ =	shalt  }
0x6f: {  	_ =	shalt  }
0x70: {  	_ =	shalt  }
0x71: {  	_ =	shalt  }
0x72: {  	_ =	shalt  }
0x73: {  	_ =	shalt  }
0x74: {  	_ =	shalt  }
0x75: {  	_ =	shalt  }
0x76: {  	_ =	shalt  }
0x77: {  	_ =	shalt  }
0x78: {  	_ =	shalt  }
0x79: {  	_ =	shalt  }
0x7a: {  	_ =	shalt  }
0x7b: {  	_ =	shalt  }
0x7c: {  	_ =	shalt  }
0x7d: {  	_ =	shalt  }
0x7e: {  	_ =	shalt  }
0x7f: {  	_ =	shalt  }
0x80: {  	_ =	shalt  }
0x81: {  	_ =	shalt  }
0x82: {  	_ =	shalt  }
0x83: {  	_ =	shalt  }
0x84: {  	_ =	shalt  }
0x85: {  	_ =	shalt  }
0x86: {  	_ =	shalt  }
0x87: {  	_ =	shalt  }
.Lfunc_end0:
.L_simem_size_0:
called_computation_lowered:
.L_overlay_start_0:
0x88: {  	s2 =	sld [smem:$0x3FD9]  }
0x89: {  	s3 =	sld [smem:$0x3FFE];
	_ =	sdelay $0x1  }
0x8a: {  	s1 =	srdreg.scid  }
0x8b: {  	s0 =	sand.u32 $0x1, s1  }
0x8c: {  	s17 =	sshll.u32 s0, $0xA;
	s2 =	sadd.s32 s3, s2  }
0x8d: {  	s2 =	sadd.s32 s2, s17  }
0x8e: {  	[smem:$0x3FC2] =	sst s2  }
0x8f: {  	_ = 	snop  }
0x90: {  	s2 =	sld [smem:$0x3FD0];
	(tm) =	ssettm $0x1  }
0x91: {  	s18 =	sld [smem:$0x3FFB];
	_ =	sdelay $0x3  }
0x92: {  	_ =	strace s18  }
0x93: {  	s3 =	sld [smem:$0x3FFC];
	_ =	sdelay $0x3  }
0x94: {  	_ =	strace s3  }
0x95: {  	s3 =	sld [smem:$0x3FFD];
	_ =	sdelay $0x3  }
0x96: {  	_ =	strace s3  }
0x97: {  	_ =	strace $0x8FFFFFFF  }
0x98: {  	s19 =	sld [smem:$0x3FDB];
	_ =	sdelay $0x1  }
0x99: {  	s4 =	simm.s32 $_scs_section_size  }
0x9a: {  	s5 =	simm.s32 $_size__tile_overlayer_lowered;
	s6 =	simm.s32 $_tile_overlayer_lowered  }
0x9b: {  	s22 =	simm.s32 $0x1BFF;
	s21 =	sshll.u32 s6, $0x1;
	s3 =	sadd.s32 s4, s19  }
0x9c: {  	s7 =	simm.s32 $0x0;
	s20 =	sshll.u32 s5, $0x1;
	s5 =	sadd.s32 s21, s3  }
0x9d: {  	[timem:s7], [sflag:s22] =	dma.local [hbm:s5], s20  }
0x9e: {  	_ =	swait.ge [sflag:s22], s20  }
0x9f: {  	s4 =	ssub.s32 $0x0, s20;
	[sflag:s22] =	ssyncset.done $0x0  }
0xa0: {  	[sflag:s22] =	ssyncadd.s32 s4;
	_ =	sdelay $0x1  }
0xa1: {  	s23 =	simm.s32 $0x1B8B  }
0xa2: {  	_ =	swait.ge [sflag:s23], $0x1  }
0xa3: {  	[sflag:s23] =	ssyncset.done $0x0  }
0xa4: {  	s25 =	simm.s32 $0x1B8E;
	s24 =	sld [smem:$0x3FFE];
	[sflag:s23] =	ssyncadd.s32 $0xFFFFFFFF  }
0xa5: {  	s26 =	simm.s32 $execute0_lowered;
	[smem:$0x3FD2] =	sst s25  }
0xa6: {  	s5 =	sshll.u32 s26, $0x1;
	_ =	strace $0x80000046;
	[dreg:$0x1] =	wrdreg $0xFFFFFFFF  }
0xa7: {  	s28 =	simm.s32 $_size_execute0_lowered;
	s3 =	sadd.s32 s3, s5;
	[dreg:$0x0] =	wrdreg $0x0  }
0xa8: {  	s5 =	sshll.u32 s28, $0x1;
	[dreg:$0x2] =	wrdreg s3  }
0xa9: {  	[dreg:$0x3] =	wrdreg s5  }
0xaa: {  	[dreg:$0x4] =	wrdreg $0xC0  }
0xab: {  	_ =	task [dreg:s7], $0x5FFFF  }
0xac: {  	[dreg:$0x1] =	wrdreg $0xFFFFFFFF  }
0xad: {  	[dreg:$0x0] =	wrdreg $0x60  }
0xae: {  	[dreg:$0x2] =	wrdreg s2  }
0xaf: {  	[dreg:$0x3] =	wrdreg s24  }
0xb0: {  	[dreg:$0x4] =	wrdreg $0x1B8000  }
0xb1: {  	[dreg:$0x5] =	wrdreg $0x9  }
0xb2: {  	_ =	task.clear_ibuf [dreg:s7], $0x6FFFF;
	_ =	strace $0x90000046  }
0xb3: {  	s29 =	simm.s32 $0x9;
	_ =	strace $0x80000048  }
0xb4: {  	_ =	swait.ge [sflag:s29], $0x1  }
0xb5: {  	[sflag:s29] =	ssyncadd.s32 $0xFFFFFFFF  }
0xb6: {  	_ =	strace $0x90000048  }
0xb7: {  	_ =	sfence  }
0xb8: {  	s30 =	sld [smem:$0x0];
	_ =	sdelay $0x2  }
0xb9: {  	s31 =	sshll.u32 s1, $0xD;
	s1 =	sshrl.u32 s1, $0x2  }
0xba: {  	s3 =	sand.u32 $0x4000, s31;
	s1 =	sadd.s32 s1, s30  }
0xbb: {  	s0 =	sor.u32 s3, s0;
	s1 =	sshll.u32 s1, $0x11  }
0xbc: {  	s0 =	sor.u32 s1, s0  }
0xbd: {  	s0 =	sadd.s32 $0x8F2B, s0  }
0xbe: {  	[sflag:s0] =	ssyncadd.remote.s32 $0x1  }
0xbf: {  	_ =	sfence.sel $0xFFFF  }
0xc0: {  	[dreg:$0x0] =	wrdreg $0xFFFFFFFF;
	(pc) =	sbr.abs _section_cstart, $3  }
0xc1: {  	[dreg:$0x1] =	wrdreg $0xFFFFFFFF  }
0xc2: {  	_ =	task.clear_ibuf [dreg:s7], $0x2FFFF;
	_ =	strace $0x9FFFFFFF  }
0xc3: {  	(tm) =	ssettm $0x7FFFFFFF  }
tec
execute0_lowered:
.L_overlay_start_1:
0x0: {  	(tag) =	ssettag $0x1  }
0x1: {  	s0 =	rddreg [dreg:$0x0]  }
0x2: {  	s1 =	rddreg [dreg:$0x1];
	s3 =	srdreg.scid  }
0x3: {  	s2 =	rddreg [dreg:$0x2];
	s10 =	simm.s32 $0x0;
	s3 =	sand.u32 $0x1, s3  }
0x4: {  	s9 =	stileid.u32;
	[smem:$0x7FF] =	sst s10;
	s5 =	sshll.u32 s3, $0x4  }
0x5: {  	s25 =	sshll.u32 s9, $0x7;
	s4 =	smul.u32 $0x28000, s3;
	s5 =	sor.u32 s9, s5  }
0x6: {  	s6 =	sshrl.u32 s9, $0x3;
	s8 =	smul.u32 $0x1400, s9;
	s24 =	sshrl.u32 s5, $0x3  }
0x7: {  	s3 =	ssub.s32 $0x2, s3;
	s1 =	sadd.s32 s4, s1;
	s4 =	smul.u32 $0x13C00, s24  }
0x8: {  	s6 =	smul.u32 $0x50000, s6;
	s7 =	sshrl.u32 s3, $0x1;
	s5 =	sand.u32 $0x380, s25  }
0x9: {  	_ =	strace $0x80000047;
	s3 =	ssub.s32 s3, s7;
	s4 =	sor.u32 s5, s4  }
0xa: {  	s6 =	sshrl.u32 s6, $0x2;
	s24 =	smax.u32 s3, $0x1;
	s4 =	sshrl.u32 s4, $0x3  }
0xb: {  	s26 =	sadd.s32 s6, s2;
	[dreg:$0x15] =	wrdreg s24;
	s0 =	sadd.s32 s0, s4  }
0xc: {  	s4 =	sadd.s32 s8, s2;
	[dreg:$0x4] =	wrdreg s0;
	s0 =	sadd.s32 s5, s26  }
0xd: {  	s5 =	sadd.s32 $0x80, s4;
	[dreg:$0x5] =	wrdreg s0  }
0xe: {  	s6 =	sadd.s32 $0x100, s4;
	[dreg:$0x6] =	wrdreg s5  }
0xf: {  	s7 =	sadd.s32 $0x180, s4;
	[dreg:$0x7] =	wrdreg s6  }
0x10: {  	s8 =	sadd.s32 $0x200, s4;
	[dreg:$0x8] =	wrdreg s7  }
0x11: {  	s11 =	sadd.s32 $0x280, s4;
	[dreg:$0x9] =	wrdreg s8  }
0x12: {  	s12 =	sadd.s32 $0x300, s4;
	[dreg:$0xa] =	wrdreg s11  }
0x13: {  	s13 =	sadd.s32 $0x380, s4;
	[dreg:$0xb] =	wrdreg s12  }
0x14: {  	s14 =	sadd.s32 $0x14000, s4;
	[dreg:$0xc] =	wrdreg s13  }
0x15: {  	s15 =	sadd.s32 $0x14080, s4;
	[dreg:$0xd] =	wrdreg s14  }
0x16: {  	s16 =	sadd.s32 $0x14100, s4;
	[dreg:$0xe] =	wrdreg s15  }
0x17: {  	s17 =	sadd.s32 $0x14180, s4;
	[dreg:$0xf] =	wrdreg s16  }
0x18: {  	s18 =	sadd.s32 $0x14200, s4;
	[dreg:$0x10] =	wrdreg s17  }
0x19: {  	s19 =	sadd.s32 $0x14280, s4;
	[dreg:$0x11] =	wrdreg s18  }
0x1a: {  	s20 =	sadd.s32 $0x14300, s4;
	[dreg:$0x12] =	wrdreg s19  }
0x1b: {  	s21 =	sadd.s32 $0x14380, s4;
	[dreg:$0x13] =	wrdreg s20  }
0x1c: {  	s25 =	sadd.s32 $0x400, s4;
	[dreg:$0x14] =	wrdreg s21  }
0x1d: {  	s26 =	sadd.s32 $0x800, s4;
	[dreg:$0x16] =	wrdreg s25  }
0x1e: {  	s22 =	sadd.s32 $0x2200, s1;
	s1 =	sadd.s32 $0xC00, s4;
	[dreg:$0x17] =	wrdreg s26  }
0x1f: {  	s2 =	sadd.s32 $0x1000, s4;
	[dreg:$0x19] =	wrdreg s1  }
0x20: {  	s3 =	sadd.s32 $0x480, s4;
	[dreg:$0x1a] =	wrdreg s2  }
0x21: {  	s23 =	smul.u32 $0x2800, s9;
	s9 =	sadd.s32 $0x900, s4;
	[dreg:$0x1b] =	wrdreg s3  }
0x22: {  	s24 =	sadd.s32 $0x1280, s4;
	[smem:$0x7D5] =	sst s9  }
0x23: {  	s0 =	sadd.s32 s23, s22;
	[smem:$0x7E3] =	sst s24  }
0x24: {  	s5 =	sadd.s32 $0x880, s4;
	[dreg:$0x18] =	wrdreg s0  }
0x25: {  	s6 =	sadd.s32 $0xC80, s4;
	[dreg:$0x1c] =	wrdreg s5  }
0x26: {  	s7 =	sadd.s32 $0x1080, s4;
	[dreg:$0x1d] =	wrdreg s6  }
0x27: {  	s8 =	sadd.s32 $0x500, s4;
	[dreg:$0x1e] =	wrdreg s7  }
0x28: {  	s11 =	sadd.s32 $0xD00, s4;
	[dreg:$0x1f] =	wrdreg s8  }
0x29: {  	s12 =	sadd.s32 $0x1100, s4;
	[smem:$0x7D6] =	sst s11  }
0x2a: {  	s13 =	sadd.s32 $0x580, s4;
	[smem:$0x7D7] =	sst s12  }
0x2b: {  	s14 =	sadd.s32 $0x980, s4;
	[smem:$0x7D8] =	sst s13  }
0x2c: {  	s15 =	sadd.s32 $0xD80, s4;
	[smem:$0x7D9] =	sst s14  }
0x2d: {  	s16 =	sadd.s32 $0x1180, s4;
	[smem:$0x7DA] =	sst s15  }
0x2e: {  	s17 =	sadd.s32 $0x600, s4;
	[smem:$0x7DB] =	sst s16  }
0x2f: {  	s18 =	sadd.s32 $0xA00, s4;
	[smem:$0x7DC] =	sst s17  }
0x30: {  	s19 =	sadd.s32 $0xE00, s4;
	[smem:$0x7DD] =	sst s18  }
0x31: {  	s20 =	sadd.s32 $0x1200, s4;
	[smem:$0x7DE] =	sst s19  }
0x32: {  	s21 =	sadd.s32 $0x680, s4;
	[smem:$0x7DF] =	sst s20  }
0x33: {  	s22 =	sadd.s32 $0xA80, s4;
	[smem:$0x7E0] =	sst s21  }
0x34: {  	s23 =	sadd.s32 $0xE80, s4;
	[smem:$0x7E1] =	sst s22  }
0x35: {  	s25 =	sadd.s32 $0x700, s4;
	[smem:$0x7E2] =	sst s23  }
0x36: {  	s26 =	sadd.s32 $0xB00, s4;
	[smem:$0x7E4] =	sst s25  }
0x37: {  	s1 =	sadd.s32 $0xF00, s4;
	[smem:$0x7E5] =	sst s26  }
0x38: {  	s2 =	sadd.s32 $0x1300, s4;
	[smem:$0x7E6] =	sst s1  }
0x39: {  	s3 =	sadd.s32 $0x780, s4;
	[smem:$0x7E7] =	sst s2  }
0x3a: {  	s9 =	sadd.s32 $0x14800, s4;
	[smem:$0x7E8] =	sst s3  }
0x3b: {  	s24 =	sadd.s32 $0x15180, s4;
	[smem:$0x7ED] =	sst s9  }
0x3c: {  	s5 =	sadd.s32 $0xB80, s4;
	[smem:$0x7FB] =	sst s24  }
0x3d: {  	s6 =	sadd.s32 $0xF80, s4;
	[smem:$0x7E9] =	sst s5  }
0x3e: {  	s7 =	sadd.s32 $0x1380, s4;
	[smem:$0x7EA] =	sst s6  }
0x3f: {  	s8 =	sadd.s32 $0x14400, s4;
	[smem:$0x7EB] =	sst s7  }
0x40: {  	s11 =	sadd.s32 $0x14C00, s4;
	[smem:$0x7EC] =	sst s8  }
0x41: {  	s12 =	sadd.s32 $0x15000, s4;
	[smem:$0x7EE] =	sst s11  }
0x42: {  	s13 =	sadd.s32 $0x14480, s4;
	[smem:$0x7EF] =	sst s12  }
0x43: {  	s14 =	sadd.s32 $0x14880, s4;
	[smem:$0x7F0] =	sst s13  }
0x44: {  	s15 =	sadd.s32 $0x14C80, s4;
	[smem:$0x7F1] =	sst s14  }
0x45: {  	s16 =	sadd.s32 $0x15080, s4;
	[smem:$0x7F2] =	sst s15  }
0x46: {  	s17 =	sadd.s32 $0x14500, s4;
	[smem:$0x7F3] =	sst s16  }
0x47: {  	s18 =	sadd.s32 $0x14900, s4;
	[smem:$0x7F4] =	sst s17  }
0x48: {  	s19 =	sadd.s32 $0x14D00, s4;
	[smem:$0x7F5] =	sst s18  }
0x49: {  	s28 =	simm.s32 $0x80;
	s20 =	sadd.s32 $0x15100, s4;
	[smem:$0x7F6] =	sst s19  }
0x4a: {  	s29 =	simm.s32 $0x400;
	s21 =	sadd.s32 $0x14580, s4;
	[smem:$0x7F7] =	sst s20  }
0x4b: {  	s30 =	simm.s32 $0x1;
	s22 =	sadd.s32 $0x14980, s4;
	[smem:$0x7F8] =	sst s21  }
0x4c: {  	s31 =	simm.s32 $0x2780;
	s23 =	sadd.s32 $0x14D80, s4;
	[smem:$0x7F9] =	sst s22  }
0x4d: {  	s25 =	sadd.s32 $0x14600, s4;
	s26 =	sadd.s32 $0x14A00, s4;
	[smem:$0x7FA] =	sst s23  }
0x4e: {  	v0 =	vimm.f32 $0.0e+00;
	v1 =	vimm.f32 $1.000000000e+00;
	s24 =	sadd.s32 $0x14B80, s4;
	s0 =	simm.s32 $0x7780;
	[smem:$0x7FC] =	sst s25  }
0x4f: {  	v2 =	vimm.s32 $0x1;
	v3 =	vimm.s32 $0x2;
	v4 =	vimm.s32 $0x3;
	s1 =	simm.s32 $0x0;
	[smem:$0x7FD] =	sst s26;
	s13 =	sadd.s32 $0x14E00, s4  }
0x50: {  	v5 =	vimm.s32 $0x4;
	v6 =	vimm.s32 $0x5;
	v7 =	vimm.s32 $0x6;
	s14 =	sadd.s32 $0x15200, s4;
	s15 =	sadd.s32 $0x14680, s4;
	s16 =	sadd.s32 $0x14A80, s4  }
0x51: {  	v8 =	vimm.s32 $0x7;
	v9 =	vimm.s32 $0x8;
	v10 =	vimm.s32 $0x9;
	s17 =	sadd.s32 $0x14E80, s4;
	s18 =	sadd.s32 $0x15280, s4;
	s19 =	sadd.s32 $0x14700, s4  }
0x52: {  	v11 =	vimm.s32 $0xA;
	v12 =	vimm.s32 $0xB;
	v13 =	vimm.s32 $0xC;
	s20 =	sadd.s32 $0x14B00, s4;
	s21 =	sadd.s32 $0x14F00, s4;
	s22 =	sadd.s32 $0x15300, s4  }
0x53: {  	v14 =	vimm.s32 $0xD;
	v15 =	vimm.s32 $0xE;
	v16 =	vimm.s32 $0xF;
	s23 =	sadd.s32 $0x14780, s4;
	s25 =	sadd.s32 $0x14F80, s4;
	s26 =	sadd.s32 $0x15380, s4  }
.LBB2_1:
0x54: {  	s2 =	rddreg [dreg:$0x4]  }
0x55: {  	[tilespmem:s10], [sflag:$0x1] =	stream.strided.gather [hbm4b:s2+s28], $0x2780, s29, s28, $0x38;
	[tilespmem:$0x1E000] =	vst v63  }
0x56: {  	_ =	swait.ge [sflag:s30], $0x2780  }
0x57: {  	[sflag:s30] =	ssyncset.done $0x0  }
0x58: {  	s2 =	simm.s32 $0x0;
	[sflag:s30] =	ssyncadd.s32 $0xFFFFD880  }
.LBB2_2:
0x59: {  	p0 =	sne.s32 s2, $0x9FC0  }
.Ltmp0:
0x5a: {  	_ = 	snop;
	(pc) =	sbr.rel @p0 .LBB2_2-.Ltmp0, $3  }
0x5b: {  	_ =	sdelay $0x1  }
0x5c: {  	s3 =	sshra.s32 s2, $0x2  }
0x5d: {  	s2 =	sadd.s32 $0x40, s2;
	[tilespmem:s3+$0x2780] =	vst v0  }
0x5e: {  	s3 =	simm.s32 $0x0;
	s2 =	simm.s32 $0x40  }
.LBB2_4:
0x5f: {  	p0 =	sne.s32 s2, $0x9C00;
	v17 =	vld [tilespmem:s3+$0x0];
	_ =	sdelay $0x3  }
.Ltmp1:
0x60: {  	(pc) =	sbr.rel @p0 .LBB2_4-.Ltmp1, $2  }
0x61: {  	_ =	sdelay $0x2  }
0x62: {  	s3 =	sshra.s32 s2, $0x2;
	s2 =	sadd.s32 $0x40, s2;
	[tilespmem:v17+s31+$0x0] =	vst.idx.add.f32.msk $0xffff, v1  }
0x63: {  	v17 =	vld [tilespmem:s3+$0x0];
	_ =	sdelay $0x7  }
0x64: {  	s2 =	rddreg [dreg:$0x5];
	[tilespmem:v17+s31+$0x0] =	vst.idx.add.f32.msk $0xffff, v1  }
0x65: {  	[spmem:s2] =	stream.strided.scatter [tilespmem:s31], [sflag:$0x1], $0x2800, s29, s28, $0x38;
	[tilespmem:$0x1E000] =	vst v63  }
0x66: {  	_ =	swait.ge [sflag:s30], $0x2800  }
0x67: {  	[sflag:s30] =	ssyncset.done $0x0  }
0x68: {  	[sflag:s30] =	ssyncadd.s32 $0xFFFFD800  }
0x69: {  	s3 =	simm.s32 $0x4F80;
	[bflag:$0x0] =	sbarrier.arrive $0xFFFF  }
0x6a: {  	[tilespmem:s3], [sflag:$0x1] =	stream.linear.gather [spmem:s4], $0x80, $0x38;
	[tilespmem:$0x1E000] =	vst v63  }
0x6b: {  	s6 =	simm.s32 $0x5380;
	s5 =	rddreg [dreg:$0x16]  }
0x6c: {  	[tilespmem:s6], [sflag:$0x1] =	stream.linear.gather [spmem:s5], $0x80, $0x38;
	[tilespmem:$0x1E000] =	vst v63  }
0x6d: {  	s8 =	simm.s32 $0x5780;
	s7 =	rddreg [dreg:$0x17]  }
0x6e: {  	[tilespmem:s8], [sflag:$0x1] =	stream.linear.gather [spmem:s7], $0x80, $0x38;
	[tilespmem:$0x1E000] =	vst v63  }
0x6f: {  	s10 =	simm.s32 $0x5B80;
	s9 =	rddreg [dreg:$0x19]  }
0x70: {  	[tilespmem:s10], [sflag:$0x1] =	stream.linear.gather [spmem:s9], $0x80, $0x38;
	[tilespmem:$0x1E000] =	vst v63  }
0x71: {  	s12 =	simm.s32 $0x5F80;
	s11 =	rddreg [dreg:$0x1a]  }
0x72: {  	[tilespmem:s12], [sflag:$0x1] =	stream.linear.gather [spmem:s11], $0x80, $0x38;
	[tilespmem:$0x1E000] =	vst v63  }
0x73: {  	_ =	swait.ge [sflag:s30], $0x280  }
0x74: {  	[sflag:s30] =	ssyncset.done $0x0  }
0x75: {  	s6 =	simm.s32 $0x5000;
	s5 =	rddreg [dreg:$0x6];
	[sflag:s30] =	ssyncadd.s32 $0xFFFFFD80  }
0x76: {  	[tilespmem:s6], [sflag:$0x1] =	stream.linear.gather [spmem:s5], $0x80, $0x38;
	[tilespmem:$0x1E000] =	vst v63  }
0x77: {  	s8 =	simm.s32 $0x5400;
	s7 =	rddreg [dreg:$0x1b]  }
0x78: {  	[tilespmem:s8], [sflag:$0x1] =	stream.linear.gather [spmem:s7], $0x80, $0x38;
	[tilespmem:$0x1E000] =	vst v63  }
0x79: {  	s10 =	simm.s32 $0x5800;
	s9 =	rddreg [dreg:$0x1c]  }
0x7a: {  	[tilespmem:s10], [sflag:$0x1] =	stream.linear.gather [spmem:s9], $0x80, $0x38;
	[tilespmem:$0x1E000] =	vst v63  }
0x7b: {  	s12 =	simm.s32 $0x5C00;
	s11 =	rddreg [dreg:$0x1d]  }
0x7c: {  	[tilespmem:s12], [sflag:$0x1] =	stream.linear.gather [spmem:s11], $0x80, $0x38;
	[tilespmem:$0x1E000] =	vst v63  }
0x7d: {  	s5 =	rddreg [dreg:$0x1e];
	s6 =	simm.s32 $0x6000  }
0x7e: {  	[tilespmem:s6], [sflag:$0x1] =	stream.linear.gather [spmem:s5], $0x80, $0x38;
	[tilespmem:$0x1E000] =	vst v63  }
0x7f: {  	_ =	swait.ge [sflag:s30], $0x280  }
0x80: {  	[sflag:s30] =	ssyncset.done $0x0;
	s7 =	rddreg [dreg:$0x7]  }
0x81: {  	s8 =	simm.s32 $0x5080;
	s9 =	rddreg [dreg:$0x1f];
	[sflag:s30] =	ssyncadd.s32 $0xFFFFFD80  }
0x82: {  	[tilespmem:s8], [sflag:$0x1] =	stream.linear.gather [spmem:s7], $0x80, $0x38;
	[tilespmem:$0x1E000] =	vst v63  }
0x83: {  	s10 =	simm.s32 $0x5480;
	s11 =	sld [smem:$0x7D5]  }
0x84: {  	[tilespmem:s10], [sflag:$0x1] =	stream.linear.gather [spmem:s9], $0x80, $0x38;
	[tilespmem:$0x1E000] =	vst v63  }
0x85: {  	s12 =	simm.s32 $0x5880;
	s5 =	sld [smem:$0x7D6]  }
0x86: {  	[tilespmem:s12], [sflag:$0x1] =	stream.linear.gather [spmem:s11], $0x80, $0x38;
	[tilespmem:$0x1E000] =	vst v63  }
0x87: {  	s6 =	simm.s32 $0x5C80;
	s7 =	sld [smem:$0x7D7]  }
0x88: {  	[tilespmem:s6], [sflag:$0x1] =	stream.linear.gather [spmem:s5], $0x80, $0x38;
	[tilespmem:$0x1E000] =	vst v63  }
0x89: {  	s8 =	simm.s32 $0x6080  }
0x8a: {  	[tilespmem:s8], [sflag:$0x1] =	stream.linear.gather [spmem:s7], $0x80, $0x38;
	[tilespmem:$0x1E000] =	vst v63  }
0x8b: {  	_ =	swait.ge [sflag:s30], $0x280  }
0x8c: {  	[sflag:s30] =	ssyncset.done $0x0;
	s9 =	rddreg [dreg:$0x8]  }
0x8d: {  	s10 =	simm.s32 $0x5100;
	s11 =	sld [smem:$0x7D8];
	[sflag:s30] =	ssyncadd.s32 $0xFFFFFD80  }
0x8e: {  	[tilespmem:s10], [sflag:$0x1] =	stream.linear.gather [spmem:s9], $0x80, $0x38;
	[tilespmem:$0x1E000] =	vst v63  }
0x8f: {  	s12 =	simm.s32 $0x5500;
	s5 =	sld [smem:$0x7D9]  }
0x90: {  	[tilespmem:s12], [sflag:$0x1] =	stream.linear.gather [spmem:s11], $0x80, $0x38;
	[tilespmem:$0x1E000] =	vst v63  }
0x91: {  	s6 =	simm.s32 $0x5900;
	s7 =	sld [smem:$0x7DA]  }
0x92: {  	[tilespmem:s6], [sflag:$0x1] =	stream.linear.gather [spmem:s5], $0x80, $0x38;
	[tilespmem:$0x1E000] =	vst v63  }
0x93: {  	s8 =	simm.s32 $0x5D00;
	s9 =	sld [smem:$0x7DB]  }
0x94: {  	[tilespmem:s8], [sflag:$0x1] =	stream.linear.gather [spmem:s7], $0x80, $0x38;
	[tilespmem:$0x1E000] =	vst v63  }
0x95: {  	s10 =	simm.s32 $0x6100  }
0x96: {  	[tilespmem:s10], [sflag:$0x1] =	stream.linear.gather [spmem:s9], $0x80, $0x38;
	[tilespmem:$0x1E000] =	vst v63  }
0x97: {  	_ =	swait.ge [sflag:s30], $0x280  }
0x98: {  	[sflag:s30] =	ssyncset.done $0x0;
	s11 =	rddreg [dreg:$0x9]  }
0x99: {  	s12 =	simm.s32 $0x5180;
	s5 =	sld [smem:$0x7DC];
	[sflag:s30] =	ssyncadd.s32 $0xFFFFFD80  }
0x9a: {  	[tilespmem:s12], [sflag:$0x1] =	stream.linear.gather [spmem:s11], $0x80, $0x38;
	[tilespmem:$0x1E000] =	vst v63  }
0x9b: {  	s6 =	simm.s32 $0x5580;
	s7 =	sld [smem:$0x7DD]  }
0x9c: {  	[tilespmem:s6], [sflag:$0x1] =	stream.linear.gather [spmem:s5], $0x80, $0x38;
	[tilespmem:$0x1E000] =	vst v63  }
0x9d: {  	s8 =	simm.s32 $0x5980;
	s9 =	sld [smem:$0x7DE]  }
0x9e: {  	[tilespmem:s8], [sflag:$0x1] =	stream.linear.gather [spmem:s7], $0x80, $0x38;
	[tilespmem:$0x1E000] =	vst v63  }
0x9f: {  	s10 =	simm.s32 $0x5D80;
	s11 =	sld [smem:$0x7DF]  }
0xa0: {  	[tilespmem:s10], [sflag:$0x1] =	stream.linear.gather [spmem:s9], $0x80, $0x38;
	[tilespmem:$0x1E000] =	vst v63  }
0xa1: {  	s12 =	simm.s32 $0x6180  }
0xa2: {  	[tilespmem:s12], [sflag:$0x1] =	stream.linear.gather [spmem:s11], $0x80, $0x38;
	[tilespmem:$0x1E000] =	vst v63  }
0xa3: {  	_ =	swait.ge [sflag:s30], $0x280  }
0xa4: {  	[sflag:s30] =	ssyncset.done $0x0;
	s5 =	rddreg [dreg:$0xa]  }
0xa5: {  	s6 =	simm.s32 $0x5200;
	s7 =	sld [smem:$0x7E0];
	[sflag:s30] =	ssyncadd.s32 $0xFFFFFD80  }
0xa6: {  	[tilespmem:s6], [sflag:$0x1] =	stream.linear.gather [spmem:s5], $0x80, $0x38;
	[tilespmem:$0x1E000] =	vst v63  }
0xa7: {  	s8 =	simm.s32 $0x5600;
	s9 =	sld [smem:$0x7E1]  }
0xa8: {  	[tilespmem:s8], [sflag:$0x1] =	stream.linear.gather [spmem:s7], $0x80, $0x38;
	[tilespmem:$0x1E000] =	vst v63  }
0xa9: {  	s10 =	simm.s32 $0x5A00;
	s11 =	sld [smem:$0x7E2]  }
0xaa: {  	[tilespmem:s10], [sflag:$0x1] =	stream.linear.gather [spmem:s9], $0x80, $0x38;
	[tilespmem:$0x1E000] =	vst v63  }
0xab: {  	s12 =	simm.s32 $0x5E00;
	s5 =	sld [smem:$0x7E3]  }
0xac: {  	[tilespmem:s12], [sflag:$0x1] =	stream.linear.gather [spmem:s11], $0x80, $0x38;
	[tilespmem:$0x1E000] =	vst v63  }
0xad: {  	s6 =	simm.s32 $0x6200  }
0xae: {  	[tilespmem:s6], [sflag:$0x1] =	stream.linear.gather [spmem:s5], $0x80, $0x38;
	[tilespmem:$0x1E000] =	vst v63  }
0xaf: {  	_ =	swait.ge [sflag:s30], $0x280  }
0xb0: {  	[sflag:s30] =	ssyncset.done $0x0;
	s7 =	rddreg [dreg:$0xb]  }
0xb1: {  	s8 =	simm.s32 $0x5280;
	s9 =	sld [smem:$0x7E4];
	[sflag:s30] =	ssyncadd.s32 $0xFFFFFD80  }
0xb2: {  	[tilespmem:s8], [sflag:$0x1] =	stream.linear.gather [spmem:s7], $0x80, $0x38;
	[tilespmem:$0x1E000] =	vst v63  }
0xb3: {  	s10 =	simm.s32 $0x5680;
	s11 =	sld [smem:$0x7E5]  }
0xb4: {  	[tilespmem:s10], [sflag:$0x1] =	stream.linear.gather [spmem:s9], $0x80, $0x38;
	[tilespmem:$0x1E000] =	vst v63  }
0xb5: {  	s12 =	simm.s32 $0x5A80;
	s5 =	sld [smem:$0x7E6]  }
0xb6: {  	[tilespmem:s12], [sflag:$0x1] =	stream.linear.gather [spmem:s11], $0x80, $0x38;
	[tilespmem:$0x1E000] =	vst v63  }
0xb7: {  	s6 =	simm.s32 $0x5E80;
	s7 =	sld [smem:$0x7E7]  }
0xb8: {  	[tilespmem:s6], [sflag:$0x1] =	stream.linear.gather [spmem:s5], $0x80, $0x38;
	[tilespmem:$0x1E000] =	vst v63  }
0xb9: {  	s8 =	simm.s32 $0x6280  }
0xba: {  	[tilespmem:s8], [sflag:$0x1] =	stream.linear.gather [spmem:s7], $0x80, $0x38;
	[tilespmem:$0x1E000] =	vst v63  }
0xbb: {  	_ =	swait.ge [sflag:s30], $0x280  }
0xbc: {  	[sflag:s30] =	ssyncset.done $0x0;
	s9 =	rddreg [dreg:$0xc]  }
0xbd: {  	s10 =	simm.s32 $0x5300;
	s11 =	sld [smem:$0x7E8];
	[sflag:s30] =	ssyncadd.s32 $0xFFFFFD80  }
0xbe: {  	[tilespmem:s10], [sflag:$0x1] =	stream.linear.gather [spmem:s9], $0x80, $0x38;
	[tilespmem:$0x1E000] =	vst v63  }
0xbf: {  	s12 =	simm.s32 $0x5700;
	s5 =	sld [smem:$0x7E9]  }
0xc0: {  	[tilespmem:s12], [sflag:$0x1] =	stream.linear.gather [spmem:s11], $0x80, $0x38;
	[tilespmem:$0x1E000] =	vst v63  }
0xc1: {  	s6 =	simm.s32 $0x5B00;
	s7 =	sld [smem:$0x7EA]  }
0xc2: {  	[tilespmem:s6], [sflag:$0x1] =	stream.linear.gather [spmem:s5], $0x80, $0x38;
	[tilespmem:$0x1E000] =	vst v63  }
0xc3: {  	s8 =	simm.s32 $0x5F00;
	s9 =	sld [smem:$0x7EB]  }
0xc4: {  	[tilespmem:s8], [sflag:$0x1] =	stream.linear.gather [spmem:s7], $0x80, $0x38;
	[tilespmem:$0x1E000] =	vst v63  }
0xc5: {  	s10 =	simm.s32 $0x6300  }
0xc6: {  	[tilespmem:s10], [sflag:$0x1] =	stream.linear.gather [spmem:s9], $0x80, $0x38;
	[tilespmem:$0x1E000] =	vst v63  }
0xc7: {  	_ =	swait.ge [sflag:s30], $0x280  }
0xc8: {  	[sflag:s30] =	ssyncset.done $0x0;
	s11 =	rddreg [dreg:$0xd]  }
0xc9: {  	s12 =	simm.s32 $0x6380;
	s5 =	sld [smem:$0x7EC];
	[sflag:s30] =	ssyncadd.s32 $0xFFFFFD80  }
0xca: {  	[tilespmem:s12], [sflag:$0x1] =	stream.linear.gather [spmem:s11], $0x80, $0x38;
	[tilespmem:$0x1E000] =	vst v63  }
0xcb: {  	s6 =	simm.s32 $0x6780;
	s7 =	sld [smem:$0x7ED]  }
0xcc: {  	[tilespmem:s6], [sflag:$0x1] =	stream.linear.gather [spmem:s5], $0x80, $0x38;
	[tilespmem:$0x1E000] =	vst v63  }
0xcd: {  	s8 =	simm.s32 $0x6B80;
	s9 =	sld [smem:$0x7EE]  }
0xce: {  	[tilespmem:s8], [sflag:$0x1] =	stream.linear.gather [spmem:s7], $0x80, $0x38;
	[tilespmem:$0x1E000] =	vst v63  }
0xcf: {  	s10 =	simm.s32 $0x6F80;
	s11 =	sld [smem:$0x7EF]  }
0xd0: {  	[tilespmem:s10], [sflag:$0x1] =	stream.linear.gather [spmem:s9], $0x80, $0x38;
	[tilespmem:$0x1E000] =	vst v63  }
0xd1: {  	s12 =	simm.s32 $0x7380  }
0xd2: {  	[tilespmem:s12], [sflag:$0x1] =	stream.linear.gather [spmem:s11], $0x80, $0x38;
	[tilespmem:$0x1E000] =	vst v63  }
0xd3: {  	_ =	swait.ge [sflag:s30], $0x280  }
0xd4: {  	[sflag:s30] =	ssyncset.done $0x0;
	s5 =	rddreg [dreg:$0xe]  }
0xd5: {  	s6 =	simm.s32 $0x6400;
	s7 =	sld [smem:$0x7F0];
	[sflag:s30] =	ssyncadd.s32 $0xFFFFFD80  }
0xd6: {  	[tilespmem:s6], [sflag:$0x1] =	stream.linear.gather [spmem:s5], $0x80, $0x38;
	[tilespmem:$0x1E000] =	vst v63  }
0xd7: {  	s8 =	simm.s32 $0x6800;
	s9 =	sld [smem:$0x7F1]  }
0xd8: {  	[tilespmem:s8], [sflag:$0x1] =	stream.linear.gather [spmem:s7], $0x80, $0x38;
	[tilespmem:$0x1E000] =	vst v63  }
0xd9: {  	s10 =	simm.s32 $0x6C00;
	s11 =	sld [smem:$0x7F2]  }
0xda: {  	[tilespmem:s10], [sflag:$0x1] =	stream.linear.gather [spmem:s9], $0x80, $0x38;
	[tilespmem:$0x1E000] =	vst v63  }
0xdb: {  	s12 =	simm.s32 $0x7000;
	s5 =	sld [smem:$0x7F3]  }
0xdc: {  	[tilespmem:s12], [sflag:$0x1] =	stream.linear.gather [spmem:s11], $0x80, $0x38;
	[tilespmem:$0x1E000] =	vst v63  }
0xdd: {  	s6 =	simm.s32 $0x7400  }
0xde: {  	[tilespmem:s6], [sflag:$0x1] =	stream.linear.gather [spmem:s5], $0x80, $0x38;
	[tilespmem:$0x1E000] =	vst v63  }
0xdf: {  	_ =	swait.ge [sflag:s30], $0x280  }
0xe0: {  	[sflag:s30] =	ssyncset.done $0x0;
	s7 =	rddreg [dreg:$0xf]  }
0xe1: {  	s8 =	simm.s32 $0x6480;
	s9 =	sld [smem:$0x7F4];
	[sflag:s30] =	ssyncadd.s32 $0xFFFFFD80  }
0xe2: {  	[tilespmem:s8], [sflag:$0x1] =	stream.linear.gather [spmem:s7], $0x80, $0x38;
	[tilespmem:$0x1E000] =	vst v63  }
0xe3: {  	s10 =	simm.s32 $0x6880;
	s11 =	sld [smem:$0x7F5]  }
0xe4: {  	[tilespmem:s10], [sflag:$0x1] =	stream.linear.gather [spmem:s9], $0x80, $0x38;
	[tilespmem:$0x1E000] =	vst v63  }
0xe5: {  	s12 =	simm.s32 $0x6C80;
	s5 =	sld [smem:$0x7F6]  }
0xe6: {  	[tilespmem:s12], [sflag:$0x1] =	stream.linear.gather [spmem:s11], $0x80, $0x38;
	[tilespmem:$0x1E000] =	vst v63  }
0xe7: {  	s6 =	simm.s32 $0x7080;
	s7 =	sld [smem:$0x7F7]  }
0xe8: {  	[tilespmem:s6], [sflag:$0x1] =	stream.linear.gather [spmem:s5], $0x80, $0x38;
	[tilespmem:$0x1E000] =	vst v63  }
0xe9: {  	s8 =	simm.s32 $0x7480  }
0xea: {  	[tilespmem:s8], [sflag:$0x1] =	stream.linear.gather [spmem:s7], $0x80, $0x38;
	[tilespmem:$0x1E000] =	vst v63  }
0xeb: {  	_ =	swait.ge [sflag:s30], $0x280  }
0xec: {  	[sflag:s30] =	ssyncset.done $0x0;
	s9 =	rddreg [dreg:$0x10]  }
0xed: {  	s10 =	simm.s32 $0x6500;
	s11 =	sld [smem:$0x7F8];
	[sflag:s30] =	ssyncadd.s32 $0xFFFFFD80  }
0xee: {  	[tilespmem:s10], [sflag:$0x1] =	stream.linear.gather [spmem:s9], $0x80, $0x38;
	[tilespmem:$0x1E000] =	vst v63  }
0xef: {  	s12 =	simm.s32 $0x6900;
	s5 =	sld [smem:$0x7F9]  }
0xf0: {  	[tilespmem:s12], [sflag:$0x1] =	stream.linear.gather [spmem:s11], $0x80, $0x38;
	[tilespmem:$0x1E000] =	vst v63  }
0xf1: {  	s6 =	simm.s32 $0x6D00;
	s7 =	sld [smem:$0x7FA]  }
0xf2: {  	[tilespmem:s6], [sflag:$0x1] =	stream.linear.gather [spmem:s5], $0x80, $0x38;
	[tilespmem:$0x1E000] =	vst v63  }
0xf3: {  	s8 =	simm.s32 $0x7100;
	s9 =	sld [smem:$0x7FB]  }
0xf4: {  	[tilespmem:s8], [sflag:$0x1] =	stream.linear.gather [spmem:s7], $0x80, $0x38;
	[tilespmem:$0x1E000] =	vst v63  }
0xf5: {  	s10 =	simm.s32 $0x7500  }
0xf6: {  	[tilespmem:s10], [sflag:$0x1] =	stream.linear.gather [spmem:s9], $0x80, $0x38;
	[tilespmem:$0x1E000] =	vst v63  }
0xf7: {  	_ =	swait.ge [sflag:s30], $0x280  }
0xf8: {  	[sflag:s30] =	ssyncset.done $0x0;
	s11 =	rddreg [dreg:$0x11]  }
0xf9: {  	s12 =	simm.s32 $0x6580;
	s5 =	sld [smem:$0x7FC];
	[sflag:s30] =	ssyncadd.s32 $0xFFFFFD80  }
0xfa: {  	[tilespmem:s12], [sflag:$0x1] =	stream.linear.gather [spmem:s11], $0x80, $0x38;
	[tilespmem:$0x1E000] =	vst v63  }
0xfb: {  	s6 =	simm.s32 $0x6980;
	s7 =	sld [smem:$0x7FD]  }
0xfc: {  	[tilespmem:s6], [sflag:$0x1] =	stream.linear.gather [spmem:s5], $0x80, $0x38;
	[tilespmem:$0x1E000] =	vst v63  }
0xfd: {  	s8 =	simm.s32 $0x6D80  }
0xfe: {  	[tilespmem:s8], [sflag:$0x1] =	stream.linear.gather [spmem:s7], $0x80, $0x38;
	[tilespmem:$0x1E000] =	vst v63  }
0xff: {  	s9 =	simm.s32 $0x7180  }
0x100: {  	[tilespmem:s9], [sflag:$0x1] =	stream.linear.gather [spmem:s13], $0x80, $0x38;
	[tilespmem:$0x1E000] =	vst v63  }
0x101: {  	s10 =	simm.s32 $0x7580  }
0x102: {  	[tilespmem:s10], [sflag:$0x1] =	stream.linear.gather [spmem:s14], $0x80, $0x38;
	[tilespmem:$0x1E000] =	vst v63  }
0x103: {  	_ =	swait.ge [sflag:s30], $0x280  }
0x104: {  	[sflag:s30] =	ssyncset.done $0x0  }
0x105: {  	s12 =	simm.s32 $0x6600;
	s11 =	rddreg [dreg:$0x12];
	[sflag:s30] =	ssyncadd.s32 $0xFFFFFD80  }
0x106: {  	[tilespmem:s12], [sflag:$0x1] =	stream.linear.gather [spmem:s11], $0x80, $0x38;
	[tilespmem:$0x1E000] =	vst v63  }
0x107: {  	s3 =	simm.s32 $0x6A00  }
0x108: {  	[tilespmem:s3], [sflag:$0x1] =	stream.linear.gather [spmem:s15], $0x80, $0x38;
	[tilespmem:$0x1E000] =	vst v63  }
0x109: {  	s5 =	simm.s32 $0x6E00  }
0x10a: {  	[tilespmem:s5], [sflag:$0x1] =	stream.linear.gather [spmem:s16], $0x80, $0x38;
	[tilespmem:$0x1E000] =	vst v63  }
0x10b: {  	s6 =	simm.s32 $0x7200  }
0x10c: {  	[tilespmem:s6], [sflag:$0x1] =	stream.linear.gather [spmem:s17], $0x80, $0x38;
	[tilespmem:$0x1E000] =	vst v63  }
0x10d: {  	s7 =	simm.s32 $0x7600  }
0x10e: {  	[tilespmem:s7], [sflag:$0x1] =	stream.linear.gather [spmem:s18], $0x80, $0x38;
	[tilespmem:$0x1E000] =	vst v63  }
0x10f: {  	_ =	swait.ge [sflag:s30], $0x280  }
0x110: {  	[sflag:s30] =	ssyncset.done $0x0  }
0x111: {  	s9 =	simm.s32 $0x6680;
	s8 =	rddreg [dreg:$0x13];
	[sflag:s30] =	ssyncadd.s32 $0xFFFFFD80  }
0x112: {  	[tilespmem:s9], [sflag:$0x1] =	stream.linear.gather [spmem:s8], $0x80, $0x38;
	[tilespmem:$0x1E000] =	vst v63  }
0x113: {  	s10 =	simm.s32 $0x6A80  }
0x114: {  	[tilespmem:s10], [sflag:$0x1] =	stream.linear.gather [spmem:s19], $0x80, $0x38;
	[tilespmem:$0x1E000] =	vst v63  }
0x115: {  	s11 =	simm.s32 $0x6E80  }
0x116: {  	[tilespmem:s11], [sflag:$0x1] =	stream.linear.gather [spmem:s20], $0x80, $0x38;
	[tilespmem:$0x1E000] =	vst v63  }
0x117: {  	s12 =	simm.s32 $0x7280  }
0x118: {  	[tilespmem:s12], [sflag:$0x1] =	stream.linear.gather [spmem:s21], $0x80, $0x38;
	[tilespmem:$0x1E000] =	vst v63  }
0x119: {  	s3 =	simm.s32 $0x7680  }
0x11a: {  	[tilespmem:s3], [sflag:$0x1] =	stream.linear.gather [spmem:s22], $0x80, $0x38;
	[tilespmem:$0x1E000] =	vst v63  }
0x11b: {  	_ =	swait.ge [sflag:s30], $0x280  }
0x11c: {  	[sflag:s30] =	ssyncset.done $0x0  }
0x11d: {  	s6 =	simm.s32 $0x6700;
	s5 =	rddreg [dreg:$0x14];
	[sflag:s30] =	ssyncadd.s32 $0xFFFFFD80  }
0x11e: {  	[tilespmem:s6], [sflag:$0x1] =	stream.linear.gather [spmem:s5], $0x80, $0x38;
	[tilespmem:$0x1E000] =	vst v63  }
0x11f: {  	s7 =	simm.s32 $0x6B00  }
0x120: {  	[tilespmem:s7], [sflag:$0x1] =	stream.linear.gather [spmem:s23], $0x80, $0x38;
	[tilespmem:$0x1E000] =	vst v63  }
0x121: {  	s8 =	simm.s32 $0x6F00  }
0x122: {  	[tilespmem:s8], [sflag:$0x1] =	stream.linear.gather [spmem:s24], $0x80, $0x38;
	[tilespmem:$0x1E000] =	vst v63  }
0x123: {  	s9 =	simm.s32 $0x7300  }
0x124: {  	[tilespmem:s9], [sflag:$0x1] =	stream.linear.gather [spmem:s25], $0x80, $0x38;
	[tilespmem:$0x1E000] =	vst v63  }
0x125: {  	s10 =	simm.s32 $0x7700  }
0x126: {  	[tilespmem:s10], [sflag:$0x1] =	stream.linear.gather [spmem:s26], $0x80, $0x38;
	[tilespmem:$0x1E000] =	vst v63  }
0x127: {  	s11 =	simm.s32 $0x0;
	_ =	swait.ge [sflag:s30], $0x280  }
0x128: {  	s12 =	sand.u32 $0x70, s11;
	s5 =	sand.u32 $0x1C00, s11;
	[sflag:s30] =	ssyncset.done $0x0  }
0x129: {  	s3 =	sor.u32 s12, s5;
	[sflag:s30] =	ssyncadd.s32 $0xFFFFFD80  }
0x12a: {  	v17 =	vld [tilespmem:s3+$0x4F80]  }
0x12b: {  	v18 =	vld [tilespmem:s3+$0x5000];
	_ =	sdelay $0x1  }
0x12c: {  	v19 =	vld [tilespmem:s3+$0x5080];
	_ =	sdelay $0x1  }
0x12d: {  	v20 =	vld [tilespmem:s3+$0x5100]  }
0x12e: {  	v17 =	vadd.f32 v18, v17  }
0x12f: {  	v18 =	vld [tilespmem:s3+$0x5180]  }
0x130: {  	v17 =	vadd.f32 v19, v17  }
0x131: {  	v19 =	vld [tilespmem:s3+$0x5200]  }
0x132: {  	v17 =	vadd.f32 v20, v17  }
0x133: {  	s2 =	sor.u32 s11, s11;
	v60 =	vld [tilespmem:s3+$0x5280]  }
0x134: {  	s2 =	sor.u32 $0x380, s2;
	v17 =	vadd.f32 v18, v17  }
0x135: {  	v18 =	vld [tilespmem:s2+$0x4F80]  }
0x136: {  	v17 =	vadd.f32 v19, v17  }
0x137: {  	v19 =	vld [tilespmem:s3+$0x6380]  }
0x138: {  	v17 =	vadd.f32 v60, v17  }
0x139: {  	v61 =	vld [tilespmem:s3+$0x6400]  }
0x13a: {  	v17 =	vadd.f32 v18, v17  }
0x13b: {  	v18 =	vld [tilespmem:s3+$0x6480]  }
0x13c: {  	v17 =	vadd.f32 v19, v17  }
0x13d: {  	v19 =	vld [tilespmem:s3+$0x6500]  }
0x13e: {  	v17 =	vadd.f32 v61, v17  }
0x13f: {  	v62 =	vld [tilespmem:s3+$0x6580]  }
0x140: {  	v17 =	vadd.f32 v18, v17  }
0x141: {  	v18 =	vld [tilespmem:s3+$0x6600]  }
0x142: {  	v17 =	vadd.f32 v19, v17  }
0x143: {  	v19 =	vld [tilespmem:s3+$0x6680]  }
0x144: {  	v17 =	vadd.f32 v62, v17  }
0x145: {  	v63 =	vld [tilespmem:s3+$0x6700]  }
0x146: {  	v17 =	vadd.f32 v18, v17;
	_ =	sdelay $0x1  }
0x147: {  	v17 =	vadd.f32 v19, v17;
	_ =	sdelay $0x1  }
0x148: {  	v17 =	vadd.f32 v63, v17;
	_ =	sdelay $0x1  }
0x149: {  	[tilespmem:$0x7780] =	vst v17  }
0x14a: {  	v17 =	vld.msk [tilespmem:s0+$0x0], $0xffff;
	_ =	sdelay $0x3  }
0x14b: {  	s3 =	simm.s32 $0x7C00  }
0x14c: {  	[tilespmem:s3+$0xFFFFFC00] =	vst v17  }
0x14d: {  	v17 =	vld.idx.msk [tilespmem:v2+s0+$0x0], $0xffff;
	_ =	sdelay $0x4  }
0x14e: {  	[tilespmem:s3+$0xFFFFFC80] =	vst v17  }
0x14f: {  	v17 =	vld.idx.msk [tilespmem:v3+s0+$0x0], $0xffff;
	_ =	sdelay $0x4  }
0x150: {  	[tilespmem:s3+$0xFFFFFD00] =	vst v17  }
0x151: {  	v17 =	vld.idx.msk [tilespmem:v4+s0+$0x0], $0xffff;
	_ =	sdelay $0x4  }
0x152: {  	[tilespmem:s3+$0xFFFFFD80] =	vst v17  }
0x153: {  	v17 =	vld.idx.msk [tilespmem:v5+s0+$0x0], $0xffff;
	_ =	sdelay $0x4  }
0x154: {  	[tilespmem:s3+$0xFFFFFE00] =	vst v17  }
0x155: {  	v17 =	vld.idx.msk [tilespmem:v6+s0+$0x0], $0xffff;
	_ =	sdelay $0x4  }
0x156: {  	[tilespmem:s3+$0xFFFFFE80] =	vst v17  }
0x157: {  	v17 =	vld.idx.msk [tilespmem:v7+s0+$0x0], $0xffff;
	_ =	sdelay $0x4  }
0x158: {  	[tilespmem:s3+$0xFFFFFF00] =	vst v17  }
0x159: {  	v17 =	vld.idx.msk [tilespmem:v8+s0+$0x0], $0xffff;
	_ =	sdelay $0x4  }
0x15a: {  	[tilespmem:s3+$0xFFFFFF80] =	vst v17  }
0x15b: {  	v17 =	vld.idx.msk [tilespmem:v9+s0+$0x0], $0xffff;
	_ =	sdelay $0x4  }
0x15c: {  	[tilespmem:s3+$0x0] =	vst v17  }
0x15d: {  	v17 =	vld.idx.msk [tilespmem:v10+s0+$0x0], $0xffff;
	_ =	sdelay $0x4  }
0x15e: {  	[tilespmem:s3+$0x80] =	vst v17  }
0x15f: {  	v17 =	vld.idx.msk [tilespmem:v11+s0+$0x0], $0xffff;
	_ =	sdelay $0x4  }
0x160: {  	[tilespmem:s3+$0x100] =	vst v17  }
0x161: {  	v17 =	vld.idx.msk [tilespmem:v12+s0+$0x0], $0xffff;
	_ =	sdelay $0x4  }
0x162: {  	[tilespmem:s3+$0x180] =	vst v17  }
0x163: {  	v17 =	vld.idx.msk [tilespmem:v13+s0+$0x0], $0xffff;
	_ =	sdelay $0x4  }
0x164: {  	[tilespmem:s3+$0x200] =	vst v17  }
0x165: {  	v17 =	vld.idx.msk [tilespmem:v14+s0+$0x0], $0xffff;
	_ =	sdelay $0x4  }
0x166: {  	[tilespmem:s3+$0x280] =	vst v17  }
0x167: {  	v17 =	vld.idx.msk [tilespmem:v15+s0+$0x0], $0xffff;
	_ =	sdelay $0x4  }
0x168: {  	[tilespmem:s3+$0x300] =	vst v17  }
0x169: {  	v17 =	vld.idx.msk [tilespmem:v16+s0+$0x0], $0xffff  }
0x16a: {  	s6 =	simm.s32 $0x80;
	s5 =	simm.s32 $0x10  }
0x16b: {  	s7 =	sand.u32 $0x70, s5;
	s9 =	simm.s32 $0x20;
	s2 =	simm.s32 $0x8400  }
.LBB2_6:
0x16c: {  	s10 =	sand.u32 $0x70, s9  }
0x16d: {  	s11 =	sand.u32 $0x1C00, s6;
	s12 =	smov.u32 s9;
	s8 =	sadd.s32 $0x10, s9  }
0x16e: {  	p0 =	sne.s32 s9, $0x270;
	s9 =	sor.u32 s7, s11;
	[tilespmem:s3+$0x380] =	vst v17;
	s7 =	smov.u32 s10  }
0x16f: {  	s3 =	smov.u32 s2;
	v17 =	vld [tilespmem:s9+$0x4F80]  }
0x170: {  	v18 =	vld [tilespmem:s9+$0x5000]  }
0x171: {  	v19 =	vld [tilespmem:s9+$0x5080];
	_ =	sdelay $0x1  }
0x172: {  	v20 =	vld [tilespmem:s9+$0x5100];
	_ =	sdelay $0x1  }
0x173: {  	v17 =	vadd.f32 v18, v17;
	v18 =	vld [tilespmem:s9+$0x5180];
	_ =	sdelay $0x1  }
0x174: {  	v17 =	vadd.f32 v19, v17;
	v19 =	vld [tilespmem:s9+$0x5200];
	_ =	sdelay $0x1  }
0x175: {  	s10 =	sor.u32 s6, s5;
	s5 =	smov.u32 s12;
	v17 =	vadd.f32 v20, v17;
	v20 =	vld [tilespmem:s9+$0x5280]  }
0x176: {  	s10 =	sor.u32 $0x380, s10  }
0x177: {  	v17 =	vadd.f32 v18, v17;
	v18 =	vld [tilespmem:s10+$0x4F80];
	_ =	sdelay $0x1  }
0x178: {  	v17 =	vadd.f32 v19, v17;
	v19 =	vld [tilespmem:s9+$0x6380];
	_ =	sdelay $0x1  }
0x179: {  	v17 =	vadd.f32 v20, v17;
	v20 =	vld [tilespmem:s9+$0x6400];
	_ =	sdelay $0x1  }
0x17a: {  	v17 =	vadd.f32 v18, v17;
	v18 =	vld [tilespmem:s9+$0x6480];
	_ =	sdelay $0x1  }
0x17b: {  	v17 =	vadd.f32 v19, v17;
	v19 =	vld [tilespmem:s9+$0x6500];
	_ =	sdelay $0x1  }
0x17c: {  	v17 =	vadd.f32 v20, v17;
	v20 =	vld [tilespmem:s9+$0x6580];
	_ =	sdelay $0x1  }
0x17d: {  	v17 =	vadd.f32 v18, v17;
	v18 =	vld [tilespmem:s9+$0x6600];
	_ =	sdelay $0x1  }
0x17e: {  	v17 =	vadd.f32 v19, v17;
	v19 =	vld [tilespmem:s9+$0x6680];
	_ =	sdelay $0x1  }
0x17f: {  	v17 =	vadd.f32 v20, v17;
	v20 =	vld [tilespmem:s9+$0x6700];
	_ =	sdelay $0x1  }
0x180: {  	v17 =	vadd.f32 v18, v17;
	_ =	sdelay $0x1  }
0x181: {  	v17 =	vadd.f32 v19, v17;
	_ =	sdelay $0x1  }
0x182: {  	v17 =	vadd.f32 v20, v17;
	_ =	sdelay $0x1  }
0x183: {  	[tilespmem:$0x7780] =	vst v17  }
0x184: {  	v17 =	vld.msk [tilespmem:s0+$0x0], $0xffff;
	_ =	sdelay $0x4  }
0x185: {  	[tilespmem:s2+$0xFFFFFC00] =	vst v17  }
0x186: {  	v17 =	vld.idx.msk [tilespmem:v2+s0+$0x0], $0xffff;
	_ =	sdelay $0x5  }
0x187: {  	[tilespmem:s2+$0xFFFFFC80] =	vst v17  }
0x188: {  	v17 =	vld.idx.msk [tilespmem:v3+s0+$0x0], $0xffff;
	_ =	sdelay $0x5  }
0x189: {  	[tilespmem:s2+$0xFFFFFD00] =	vst v17  }
0x18a: {  	v17 =	vld.idx.msk [tilespmem:v4+s0+$0x0], $0xffff;
	_ =	sdelay $0x5  }
0x18b: {  	[tilespmem:s2+$0xFFFFFD80] =	vst v17  }
0x18c: {  	v17 =	vld.idx.msk [tilespmem:v5+s0+$0x0], $0xffff;
	_ =	sdelay $0x5  }
0x18d: {  	[tilespmem:s2+$0xFFFFFE00] =	vst v17  }
0x18e: {  	v17 =	vld.idx.msk [tilespmem:v6+s0+$0x0], $0xffff;
	_ =	sdelay $0x5  }
0x18f: {  	[tilespmem:s2+$0xFFFFFE80] =	vst v17  }
0x190: {  	v17 =	vld.idx.msk [tilespmem:v7+s0+$0x0], $0xffff;
	_ =	sdelay $0x5  }
0x191: {  	[tilespmem:s2+$0xFFFFFF00] =	vst v17  }
0x192: {  	v17 =	vld.idx.msk [tilespmem:v8+s0+$0x0], $0xffff;
	_ =	sdelay $0x5  }
0x193: {  	[tilespmem:s2+$0xFFFFFF80] =	vst v17  }
0x194: {  	v17 =	vld.idx.msk [tilespmem:v9+s0+$0x0], $0xffff;
	_ =	sdelay $0x5  }
0x195: {  	[tilespmem:s2+$0x0] =	vst v17  }
0x196: {  	v17 =	vld.idx.msk [tilespmem:v10+s0+$0x0], $0xffff;
	_ =	sdelay $0x5  }
0x197: {  	[tilespmem:s2+$0x80] =	vst v17  }
0x198: {  	v17 =	vld.idx.msk [tilespmem:v11+s0+$0x0], $0xffff;
	_ =	sdelay $0x5  }
0x199: {  	[tilespmem:s2+$0x100] =	vst v17  }
0x19a: {  	v17 =	vld.idx.msk [tilespmem:v12+s0+$0x0], $0xffff;
	_ =	sdelay $0x5  }
0x19b: {  	[tilespmem:s2+$0x180] =	vst v17  }
0x19c: {  	v17 =	vld.idx.msk [tilespmem:v13+s0+$0x0], $0xffff;
	_ =	sdelay $0x5  }
0x19d: {  	[tilespmem:s2+$0x200] =	vst v17  }
0x19e: {  	v17 =	vld.idx.msk [tilespmem:v14+s0+$0x0], $0xffff;
	_ =	sdelay $0x5  }
0x19f: {  	[tilespmem:s2+$0x280] =	vst v17  }
0x1a0: {  	v17 =	vld.idx.msk [tilespmem:v15+s0+$0x0], $0xffff;
	_ =	sdelay $0x5  }
0x1a1: {  	[tilespmem:s2+$0x300] =	vst v17  }
.Ltmp2:
0x1a2: {  	v17 =	vld.idx.msk [tilespmem:v16+s0+$0x0], $0xffff;
	(pc) =	sbr.rel @p0 .LBB2_6-.Ltmp2, $2  }
0x1a3: {  	_ =	sdelay $0x2  }
0x1a4: {  	s6 =	sadd.s32 $0x80, s6;
	s9 =	smov.u32 s8;
	s2 =	sadd.s32 $0x800, s2  }
0x1a5: {  	s8 =	sand.u32 $0x1C00, s6  }
0x1a6: {  	[tilespmem:s3+$0x380] =	vst v17;
	s7 =	sor.u32 s7, s8  }
0x1a7: {  	v17 =	vld [tilespmem:s7+$0x4F80]  }
0x1a8: {  	v18 =	vld [tilespmem:s7+$0x5000];
	_ =	sdelay $0x1  }
0x1a9: {  	v19 =	vld [tilespmem:s7+$0x5080];
	_ =	sdelay $0x1  }
0x1aa: {  	v20 =	vld [tilespmem:s7+$0x5100]  }
0x1ab: {  	v17 =	vadd.f32 v18, v17  }
0x1ac: {  	v18 =	vld [tilespmem:s7+$0x5180]  }
0x1ad: {  	v17 =	vadd.f32 v19, v17  }
0x1ae: {  	v19 =	vld [tilespmem:s7+$0x5200]  }
0x1af: {  	v17 =	vadd.f32 v20, v17  }
0x1b0: {  	s8 =	sor.u32 s6, s5;
	v60 =	vld [tilespmem:s7+$0x5280]  }
0x1b1: {  	s3 =	sor.u32 $0x380, s8;
	v17 =	vadd.f32 v18, v17  }
0x1b2: {  	v18 =	vld [tilespmem:s3+$0x4F80]  }
0x1b3: {  	v17 =	vadd.f32 v19, v17  }
0x1b4: {  	v19 =	vld [tilespmem:s7+$0x6380]  }
0x1b5: {  	v17 =	vadd.f32 v60, v17  }
0x1b6: {  	v61 =	vld [tilespmem:s7+$0x6400]  }
0x1b7: {  	v17 =	vadd.f32 v18, v17  }
0x1b8: {  	v18 =	vld [tilespmem:s7+$0x6480]  }
0x1b9: {  	v17 =	vadd.f32 v19, v17  }
0x1ba: {  	v19 =	vld [tilespmem:s7+$0x6500]  }
0x1bb: {  	v17 =	vadd.f32 v61, v17  }
0x1bc: {  	v62 =	vld [tilespmem:s7+$0x6580]  }
0x1bd: {  	v17 =	vadd.f32 v18, v17  }
0x1be: {  	v18 =	vld [tilespmem:s7+$0x6600]  }
0x1bf: {  	v17 =	vadd.f32 v19, v17  }
0x1c0: {  	v19 =	vld [tilespmem:s7+$0x6680]  }
0x1c1: {  	v17 =	vadd.f32 v62, v17  }
0x1c2: {  	v63 =	vld [tilespmem:s7+$0x6700]  }
0x1c3: {  	v17 =	vadd.f32 v18, v17;
	_ =	sdelay $0x1  }
0x1c4: {  	v17 =	vadd.f32 v19, v17;
	_ =	sdelay $0x1  }
0x1c5: {  	v17 =	vadd.f32 v63, v17;
	_ =	sdelay $0x1  }
0x1c6: {  	[tilespmem:$0x7780] =	vst v17  }
0x1c7: {  	v17 =	vld.msk [tilespmem:s0+$0x0], $0xffff;
	_ =	sdelay $0x4  }
0x1c8: {  	[tilespmem:s2+$0xFFFFFC00] =	vst v17  }
0x1c9: {  	v17 =	vld.idx.msk [tilespmem:v2+s0+$0x0], $0xffff;
	_ =	sdelay $0x4  }
0x1ca: {  	[tilespmem:s2+$0xFFFFFC80] =	vst v17  }
0x1cb: {  	v17 =	vld.idx.msk [tilespmem:v3+s0+$0x0], $0xffff;
	_ =	sdelay $0x4  }
0x1cc: {  	[tilespmem:s2+$0xFFFFFD00] =	vst v17  }
0x1cd: {  	v17 =	vld.idx.msk [tilespmem:v4+s0+$0x0], $0xffff;
	_ =	sdelay $0x4  }
0x1ce: {  	[tilespmem:s2+$0xFFFFFD80] =	vst v17  }
0x1cf: {  	v17 =	vld.idx.msk [tilespmem:v5+s0+$0x0], $0xffff;
	_ =	sdelay $0x4  }
0x1d0: {  	[tilespmem:s2+$0xFFFFFE00] =	vst v17  }
0x1d1: {  	v17 =	vld.idx.msk [tilespmem:v6+s0+$0x0], $0xffff;
	_ =	sdelay $0x4  }
0x1d2: {  	[tilespmem:s2+$0xFFFFFE80] =	vst v17  }
0x1d3: {  	v17 =	vld.idx.msk [tilespmem:v7+s0+$0x0], $0xffff;
	_ =	sdelay $0x4  }
0x1d4: {  	[tilespmem:s2+$0xFFFFFF00] =	vst v17  }
0x1d5: {  	v17 =	vld.idx.msk [tilespmem:v8+s0+$0x0], $0xffff;
	_ =	sdelay $0x4  }
0x1d6: {  	[tilespmem:s2+$0xFFFFFF80] =	vst v17  }
0x1d7: {  	v17 =	vld.idx.msk [tilespmem:v9+s0+$0x0], $0xffff;
	_ =	sdelay $0x4  }
0x1d8: {  	[tilespmem:s2+$0x0] =	vst v17  }
0x1d9: {  	v17 =	vld.idx.msk [tilespmem:v10+s0+$0x0], $0xffff;
	_ =	sdelay $0x4  }
0x1da: {  	[tilespmem:s2+$0x80] =	vst v17  }
0x1db: {  	v17 =	vld.idx.msk [tilespmem:v11+s0+$0x0], $0xffff;
	_ =	sdelay $0x4  }
0x1dc: {  	[tilespmem:s2+$0x100] =	vst v17  }
0x1dd: {  	v17 =	vld.idx.msk [tilespmem:v12+s0+$0x0], $0xffff;
	_ =	sdelay $0x4  }
0x1de: {  	[tilespmem:s2+$0x180] =	vst v17  }
0x1df: {  	v17 =	vld.idx.msk [tilespmem:v13+s0+$0x0], $0xffff;
	_ =	sdelay $0x4  }
0x1e0: {  	[tilespmem:s2+$0x200] =	vst v17  }
0x1e1: {  	v17 =	vld.idx.msk [tilespmem:v14+s0+$0x0], $0xffff;
	_ =	sdelay $0x4  }
0x1e2: {  	[tilespmem:s2+$0x280] =	vst v17  }
0x1e3: {  	v17 =	vld.idx.msk [tilespmem:v15+s0+$0x0], $0xffff;
	_ =	sdelay $0x4  }
0x1e4: {  	[tilespmem:s2+$0x300] =	vst v17  }
0x1e5: {  	v17 =	vld.idx.msk [tilespmem:v16+s0+$0x0], $0xffff;
	_ =	sdelay $0x4  }
0x1e6: {  	s10 =	simm.s32 $0x0;
	s9 =	rddreg [dreg:$0x18];
	s11 =	simm.s32 $0x7800;
	[tilespmem:s2+$0x380] =	vst v17  }
0x1e7: {  	[hbm4b:s9+s10] =	stream.linear.scatter [tilespmem:s11], [sflag:$0x1], $0x14000, $0x38;
	[tilespmem:$0x1E000] =	vst v63  }
0x1e8: {  	_ =	swait.ge [sflag:s30], $0x14000  }
0x1e9: {  	s1 =	sadd.s32 $0x1, s1;
	s12 =	rddreg [dreg:$0x15]  }
0x1ea: {  	p0 =	sne.s32 s1, s12  }
.Ltmp3:
0x1eb: {  	_ = 	snop;
	(pc) =	sbr.rel @p0 .LBB2_1-.Ltmp3, $3  }
0x1ec: {  	_ =	sdelay $0x1  }
0x1ed: {  	[sflag:s30] =	ssyncset.done $0x0  }
0x1ee: {  	[sflag:s30] =	ssyncadd.s32 $0xFFFEC000  }
0x1ef: {  	_ =	sfence.sel $0x180000  }
0x1f0: {  	[bflag:$0x0] =	sbarrier.arrive $0xFFFF  }
0x1f1: {  	_ =	strace $0x90000047  }
0x1f2: {  	s0 =	stileid.u32;
	[bflag:$0x2] =	sbarrier.arrive $0xFFFF  }
0x1f3: {  	p0 =	sne.s32 s0, $0x0;
	s0 =	rddreg [dreg:$0x3]  }
0x1f4: {  	s0 =	sadd.s32 @!p0 $0x100000, s0  }
0x1f5: {  	[sflag:s0] =	ssyncadd.tile.s32 @!p0 $0x1;
	_ =	shalt  }
.Lfunc_end2:
_tile_overlayer_lowered:
.L_overlay_start_2:
0x1f6: {  	(tag) =	ssettag $0x2  }
0x1f7: {  	s0 =	rddreg [dreg:$0x0];
	s2 =	stileid.u32  }
0x1f8: {  	s1 =	rddreg [dreg:$0x1];
	p0 =	sne.s32 s2, $0x0  }
0x1f9: {  	s3 =	rddreg [dreg:$0x2];
	[bflag:$0x3] =	sbarrier.arrive $0xFFFF;
	s2 =	simm.s32 @!p0 $0x1C01  }
0x1fa: {  	[timem:s3], [sflag:s2] =	dma.local @!p0 [hbm:s0], s1  }
0x1fb: {  	s0 =	simm.s32 @!p0 $0x1  }
0x1fc: {  	_ =	swait.ge @!p0 [sflag:s0], s1  }
0x1fd: {  	s1 =	ssub.s32 @!p0 $0x0, s1;
	[sflag:s0] =	ssyncset.done @!p0 $0x0  }
0x1fe: {  	[sflag:s0] =	ssyncadd.s32 @!p0 s1  }
0x1ff: {  	[bflag:$0x3] =	sbarrier.arrive $0xFFFF  }
0x200: {  	_ =	shalt  }

</sc_bundles>
